<compile_context>
chip_gen: v7x
topology: tpu7x:2x2x1
jax: 0.10.2.dev20260603
libtpu: 0.0.44.dev20260713+nightly
codegen_flags: <defaults>
</compile_context>

<pallas_src>
import functools

import jax
import jax.numpy as jnp
from jax import lax
from jax.experimental import pallas as pl
from jax.experimental.pallas import tpu as pltpu
from jax.experimental.pallas import tpu_sc as plsc

NC = 2
DW = 128
NS = 16
CH = 128
BN = 2000


def _sc_mesh():
    return plsc.VectorSubcoreMesh(
        core_axis_name="c", subcore_axis_name="s",
        num_cores=NC, num_subcores=NS)


NB = 3


def _deg_partials(dst3, ones, zeros, NP, cpw):
    w = ones.shape[1]
    rps = NP // NS

    @functools.partial(
        pl.kernel,
        out_type=jax.ShapeDtypeStruct((NC, NP, w), jnp.float32),
        mesh=_sc_mesh(),
        scratch_types=[
            pltpu.VMEM_SHARED((NP, w), jnp.float32),
            pltpu.VMEM((cpw, CH), jnp.int32),
            pltpu.VMEM((CH, w), jnp.float32),
            [pltpu.SemaphoreType.DMA] * NB,
        ],
    )
    def run(dst_hbm, ones_hbm, zeros_hbm, out_hbm, acc, didx, ones_v, ss):
        c = lax.axis_index("c")
        s = lax.axis_index("s")
        wid = s * NC + c
        pltpu.sync_copy(zeros_hbm, acc.at[pl.ds(s * rps, rps)])
        pltpu.sync_copy(ones_hbm, ones_v)
        pltpu.sync_copy(dst_hbm.at[wid], didx)
        plsc.subcore_barrier()

        sd = [pltpu.async_copy(ones_v, acc.at[didx.at[b]], ss[b], add=True)
              for b in range(NB)]

        @pl.loop(1, cpw // NB)
        def _(k):
            for b in range(NB):
                sd[b].wait()
                pltpu.async_copy(ones_v, acc.at[didx.at[k * NB + b]],
                                 ss[b], add=True)

        for b in range(NB):
            sd[b].wait()
        plsc.subcore_barrier()
        pltpu.sync_copy(acc.at[pl.ds(s * rps, rps)],
                        out_hbm.at[c, pl.ds(s * rps, rps)])

    return run(dst3, ones, zeros)


def _edge_pass(hn, src3, dst3, zeros, NP, cpw):
    n, h = hn.shape
    rps = NP // NS

    RB = 3

    @functools.partial(
        pl.kernel,
        out_type=jax.ShapeDtypeStruct((NC, NP, h), jnp.float32),
        mesh=_sc_mesh(),
        scratch_types=[
            pltpu.VMEM_SHARED((NP, h), jnp.float32),
            [pltpu.VMEM((CH,), jnp.int32)] * RB,
            [pltpu.VMEM((CH,), jnp.int32)] * RB,
            [pltpu.VMEM((CH, h), jnp.float32)] * RB,
            [pltpu.SemaphoreType.DMA] * RB,
            [pltpu.SemaphoreType.DMA] * RB,
            [pltpu.SemaphoreType.DMA] * RB,
            [pltpu.SemaphoreType.DMA] * RB,
        ],
    )
    def run(hn_hbm, src_hbm, dst_hbm, zeros_hbm, out_hbm,
            acc, sidx, didx, rows, gs, ss, isem, jsem):
        c = lax.axis_index("c")
        s = lax.axis_index("s")
        wid = s * NC + c

        def srccopy(g, b):
            return pltpu.async_copy(src_hbm.at[wid, g], sidx[b], isem[b])

        def dstcopy(g, b):
            return pltpu.async_copy(dst_hbm.at[wid, g], didx[b], jsem[b])

        def gather(b):
            return pltpu.async_copy(hn_hbm.at[sidx[b]], rows[b], gs[b])

        def scatter(b):
            return pltpu.async_copy(rows[b], acc.at[didx[b]], ss[b],
                                    add=True)

        sdd = [srccopy(b, b) for b in range(RB)]
        ddd = [dstcopy(b, b) for b in range(RB)]
        gd, sd = [], []
        for b in range(RB):
            sdd[b].wait()
            gd.append(gather(b))

        pltpu.sync_copy(zeros_hbm, acc.at[pl.ds(s * rps, rps)])
        plsc.subcore_barrier()

        @pl.loop(0, cpw // RB)
        def _(k):
            g0 = k * RB
            for b in range(RB):
                gd[b].wait()
                ddd[b].wait()
                sdb = scatter(b)
                srccopy(lax.rem(g0 + RB + b, cpw), b)
                if len(sd) <= b:
                    sd.append(sdb)
            for b in range(RB):
                sdd[b].wait()
                sd[b].wait()
                dstcopy(lax.rem(g0 + RB + b, cpw), b)
                gather(b)

        for b in range(RB):
            gd[b].wait()
            ddd[b].wait()
        plsc.subcore_barrier()
        pltpu.sync_copy(acc.at[pl.ds(s * rps, rps)],
                        out_hbm.at[c, pl.ds(s * rps, rps)])

    return run(hn, src3, dst3, zeros)


def _norm_from(dp):
    deg = dp[0, :, 0] + dp[1, :, 0]
    return lax.rsqrt(jnp.maximum(deg, 1.0))


def _mm(a, w):
    return jnp.dot(a, w, precision=lax.Precision.HIGHEST,
                   preferred_element_type=jnp.float32)


def _stage_a(degp, x):
    n, d = x.shape

    def body(dp_ref, x_ref, out_ref):
        norm = _norm_from(dp_ref[...])
        out_ref[...] = x_ref[...] * norm[:, None]

    return pl.pallas_call(
        body,
        grid=(n // BN,),
        in_specs=[
            pl.BlockSpec((2, BN, DW), lambda i: (0, i, 0)),
            pl.BlockSpec((BN, d), lambda i: (i, 0)),
        ],
        out_specs=pl.BlockSpec((BN, d), lambda i: (i, 0)),
        out_shape=jax.ShapeDtypeStruct((n, d), jnp.float32),
    )(degp, x)


def _stage_b(degp, aggp, W, b, n):
    d, h = W.shape

    def body(dp_ref, ap_ref, w_ref, b_ref, out_ref):
        norm = _norm_from(dp_ref[...])
        ap = ap_ref[...]
        agg = (ap[0] + ap[1]) * norm[:, None]
        hh = jnp.maximum(_mm(agg, w_ref[...]) + b_ref[...], 0.0)
        out_ref[...] = hh * norm[:, None]

    return pl.pallas_call(
        body,
        grid=(n // BN,),
        in_specs=[
            pl.BlockSpec((2, BN, DW), lambda i: (0, i, 0)),
            pl.BlockSpec((2, BN, d), lambda i: (0, i, 0)),
            pl.BlockSpec((d, h), lambda i: (0, 0)),
            pl.BlockSpec((1, h), lambda i: (0, 0)),
        ],
        out_specs=pl.BlockSpec((BN, h), lambda i: (i, 0)),
        out_shape=jax.ShapeDtypeStruct((n, h), jnp.float32),
    )(degp, aggp, W, b)


def _stage_c(degp, aggp, W2, b2, Wl1, bl1, Wl2, bl2, n):
    d, h = W2.shape
    h1 = Wl1.shape[1]
    c = Wl2.shape[1]

    def body(dp_ref, ap_ref, w2_ref, b2_ref, wl1_ref, bl1_ref,
             wl2_ref, bl2_ref, out_ref):
        norm = _norm_from(dp_ref[...])
        ap = ap_ref[...]
        agg = (ap[0] + ap[1]) * norm[:, None]
        hh = jnp.maximum(_mm(agg, w2_ref[...]) + b2_ref[...], 0.0)
        hh = jnp.maximum(_mm(hh, wl1_ref[...]) + bl1_ref[...], 0.0)
        out_ref[...] = _mm(hh, wl2_ref[...]) + bl2_ref[...]

    return pl.pallas_call(
        body,
        grid=(n // BN,),
        in_specs=[
            pl.BlockSpec((2, BN, DW), lambda i: (0, i, 0)),
            pl.BlockSpec((2, BN, d), lambda i: (0, i, 0)),
            pl.BlockSpec((d, h), lambda i: (0, 0)),
            pl.BlockSpec((1, h), lambda i: (0, 0)),
            pl.BlockSpec((h, h1), lambda i: (0, 0)),
            pl.BlockSpec((1, h1), lambda i: (0, 0)),
            pl.BlockSpec((h1, c), lambda i: (0, 0)),
            pl.BlockSpec((1, c), lambda i: (0, 0)),
        ],
        out_specs=pl.BlockSpec((BN, c), lambda i: (i, 0)),
        out_shape=jax.ShapeDtypeStruct((n, c), jnp.float32),
    )(degp, aggp, W2, b2, Wl1, bl1, Wl2, bl2)


def kernel(x, edge_index, W1, b1, W2, b2, Wl1, bl1, Wl2, bl2):
    n, d = x.shape
    h = W1.shape[1]
    e = edge_index.shape[1]

    nw = NC * NS
    cpw = NB * (-(-e // (nw * CH * NB)))
    ep = nw * CH * cpw
    np_rows = -(-(n + 1) // (NS * 8)) * (NS * 8)

    src = edge_index[0]
    dst = edge_index[1]
    pad = ep - e
    if pad:
        pi = lax.iota(jnp.int32, pad)
        src = jnp.concatenate([src, pi % n])
        dst = jnp.concatenate([dst, n + pi % (np_rows - n)])
    src3 = src.reshape(nw, cpw, CH)
    dst3 = dst.reshape(nw, cpw, CH)

    zeros_h = jnp.zeros((np_rows // NS, h), jnp.float32)
    zeros_w = jnp.zeros((np_rows // NS, DW), jnp.float32)
    ones_w = jnp.ones((CH, DW), jnp.float32)

    degp = _deg_partials(dst3, ones_w, zeros_w, np_rows, cpw)
    hn0 = _stage_a(degp, x)
    agg1 = _edge_pass(hn0, src3, dst3, zeros_h, np_rows, cpw)
    hn1 = _stage_b(degp, agg1, W1, b1.reshape(1, -1), n)
    agg2 = _edge_pass(hn1, src3, dst3, zeros_h, np_rows, cpw)
    return _stage_c(degp, agg2, W2, b2.reshape(1, -1),
                    Wl1, bl1.reshape(1, -1), Wl2, bl2.reshape(1, -1), n)

# --- scband reference (transcript-rebuilt; emitter-appended) ---
"""Pipeline reference for scband-gcn-32444182954549 (READ-ONLY COPY).

The authoritative reference and input builder live on the scoring server;
editing this copy changes nothing except your own understanding.
"""

import jax, jax.numpy as jnp
import numpy as np

N = 10000
E = 320000
D = 128
H = 128
C = 16


def setup_inputs(seed: int = 0) -> dict:
    key = jax.random.key(seed)
    ks = jax.random.split(key, 12)
    x = jax.random.normal(ks[0], (N, D), dtype=jnp.float32)
    edge_index = jax.random.randint(ks[1], (2, E), 0, N, dtype=jnp.int32)
    s = 0.05
    W1 = jax.random.normal(ks[2], (D, H), dtype=jnp.float32) * s
    b1 = jnp.zeros((H,), dtype=jnp.float32)
    W2 = jax.random.normal(ks[3], (H, H), dtype=jnp.float32) * s
    b2 = jnp.zeros((H,), dtype=jnp.float32)
    Wl1 = jax.random.normal(ks[4], (H, H // 2), dtype=jnp.float32) * s
    bl1 = jnp.zeros((H // 2,), dtype=jnp.float32)
    Wl2 = jax.random.normal(ks[5], (H // 2, C), dtype=jnp.float32) * s
    bl2 = jnp.zeros((C,), dtype=jnp.float32)
    return {"x": x, "edge_index": edge_index, "W1": W1, "b1": b1,
            "W2": W2, "b2": b2, "Wl1": Wl1, "bl1": bl1,
            "Wl2": Wl2, "bl2": bl2}


def _graph_conv(h, src, dst, W, b):
    # DGL GraphConv with norm='both': D^{-1/2} A D^{-1/2} X W, then ReLU activation
    deg = jnp.zeros((N,), jnp.float32).at[dst].add(1.0)
    deg = jnp.clip(deg, 1.0, None)
    norm = jax.lax.rsqrt(deg)
    h = h * norm[:, None]
    msgs = jnp.take(h, src, axis=0)                      # gather from source nodes
    agg = jnp.zeros((N, h.shape[1]), h.dtype).at[dst].add(msgs)  # scatter-add to dst
    agg = agg * norm[:, None]
    out = agg @ W + b
    return jax.nn.relu(out)


def reference(x, edge_index, W1, b1, W2, b2, Wl1, bl1, Wl2, bl2):
    src = edge_index[0]
    dst = edge_index[1]
    h = _graph_conv(x, src, dst, W1, b1)
    h = _graph_conv(h, src, dst, W2, b2)
    h = jax.nn.relu(h @ Wl1 + bl1)
    h = h @ Wl2 + bl2
    return h

if __name__ == "__main__":
    import jax
    _d = setup_inputs()
    print(jax.jit(kernel)(*tuple(_d.values())))

</pallas_src>

<mosaic_0001>
#map = affine_map<(d0, d1) -> (0, 0)>
#map1 = affine_map<(d0, d1) -> (0, 0, 0)>
module attributes {stable_mosaic.version = 14 : i64} {
  func.func @run(%arg0: i32, %arg1: i32, %arg2: memref<10000x128xf32, #tpu.memory_space<hbm>>, %arg3: memref<32x81x128xi32, #tpu.memory_space<hbm>>, %arg4: memref<32x81x128xi32, #tpu.memory_space<hbm>>, %arg5: memref<632x128xf32, #tpu.memory_space<hbm>>, %arg6: memref<2x10112x128xf32, #tpu.memory_space<hbm>>, %arg7: memref<10112x128xf32, #tpu.memory_space<vmem_shared>>, %arg8: memref<128xi32, #tpu.memory_space<vmem>>, %arg9: memref<128xi32, #tpu.memory_space<vmem>>, %arg10: memref<128xi32, #tpu.memory_space<vmem>>, %arg11: memref<128xi32, #tpu.memory_space<vmem>>, %arg12: memref<128xi32, #tpu.memory_space<vmem>>, %arg13: memref<128xi32, #tpu.memory_space<vmem>>, %arg14: memref<128x128xf32, #tpu.memory_space<vmem>>, %arg15: memref<128x128xf32, #tpu.memory_space<vmem>>, %arg16: memref<128x128xf32, #tpu.memory_space<vmem>>, %arg17: memref<!tpu.dma_semaphore, #tpu.memory_space<semaphore_mem>>, %arg18: memref<!tpu.dma_semaphore, #tpu.memory_space<semaphore_mem>>, %arg19: memref<!tpu.dma_semaphore, #tpu.memory_space<semaphore_mem>>, %arg20: memref<!tpu.dma_semaphore, #tpu.memory_space<semaphore_mem>>, %arg21: memref<!tpu.dma_semaphore, #tpu.memory_space<semaphore_mem>>, %arg22: memref<!tpu.dma_semaphore, #tpu.memory_space<semaphore_mem>>, %arg23: memref<!tpu.dma_semaphore, #tpu.memory_space<semaphore_mem>>, %arg24: memref<!tpu.dma_semaphore, #tpu.memory_space<semaphore_mem>>, %arg25: memref<!tpu.dma_semaphore, #tpu.memory_space<semaphore_mem>>, %arg26: memref<!tpu.dma_semaphore, #tpu.memory_space<semaphore_mem>>, %arg27: memref<!tpu.dma_semaphore, #tpu.memory_space<semaphore_mem>>, %arg28: memref<!tpu.dma_semaphore, #tpu.memory_space<semaphore_mem>>) attributes {dimension_semantics = [#tpu.dimension_semantics<core_parallel>, #tpu.dimension_semantics<subcore_parallel>], iteration_bounds = array<i64: 2, 16>, scalar_prefetch = 0 : i64, scratch_operands = 22 : i64, tpu.core_type = #tpu.core_type<sc_vector_subcore>, window_params = [{transform_indices = #map}, {transform_indices = #map1}, {transform_indices = #map1}, {transform_indices = #map}, {transform_indices = #map1}]} {
    %mul3A = arith.constant 2 : i32
    %mul3A_0 = arith.muli %arg1, %mul3A : i32
    %add3A = arith.addi %mul3A_0, %arg0 : i32
    %dma_start3A = arith.constant 0 : i32
    %dma_start3A_1 = arith.constant 0 : i32
    %dma_start3A_2 = tpu.memref_slice %arg3[%add3A, %dma_start3A, %dma_start3A_1] : memref<32x81x128xi32, #tpu.memory_space<hbm>> -> memref<1x1x128xi32, #tpu.memory_space<hbm>>
    %dma_start3A_3 = tpu.memref_squeeze %dma_start3A_2 : memref<1x1x128xi32, #tpu.memory_space<hbm>> -> memref<128xi32, #tpu.memory_space<hbm>>
    %dma_start3A_4 = arith.constant 0 : i32
    %dma_start3A_5 = tpu.memref_slice %arg3[%add3A, %dma_start3A, %dma_start3A_4] : memref<32x81x128xi32, #tpu.memory_space<hbm>> -> memref<1x1x128xi32, #tpu.memory_space<hbm>>
    %dma_start3A_6 = tpu.memref_squeeze %dma_start3A_5 : memref<1x1x128xi32, #tpu.memory_space<hbm>> -> memref<128xi32, #tpu.memory_space<hbm>>
    tpu.enqueue_dma source(%dma_start3A_6 : memref<128xi32, #tpu.memory_space<hbm>>) target(%arg8 : memref<128xi32, #tpu.memory_space<vmem>>) target_semaphore(%arg23 : memref<!tpu.dma_semaphore, #tpu.memory_space<semaphore_mem>>)
    %dma_start3A_7 = arith.constant 1 : i32
    %dma_start3A_8 = arith.constant 0 : i32
    %dma_start3A_9 = tpu.memref_slice %arg3[%add3A, %dma_start3A_7, %dma_start3A_8] : memref<32x81x128xi32, #tpu.memory_space<hbm>> -> memref<1x1x128xi32, #tpu.memory_space<hbm>>
    %dma_start3A_10 = tpu.memref_squeeze %dma_start3A_9 : memref<1x1x128xi32, #tpu.memory_space<hbm>> -> memref<128xi32, #tpu.memory_space<hbm>>
    %dma_start3A_11 = arith.constant 0 : i32
    %dma_start3A_12 = tpu.memref_slice %arg3[%add3A, %dma_start3A_7, %dma_start3A_11] : memref<32x81x128xi32, #tpu.memory_space<hbm>> -> memref<1x1x128xi32, #tpu.memory_space<hbm>>
    %dma_start3A_13 = tpu.memref_squeeze %dma_start3A_12 : memref<1x1x128xi32, #tpu.memory_space<hbm>> -> memref<128xi32, #tpu.memory_space<hbm>>
    tpu.enqueue_dma source(%dma_start3A_13 : memref<128xi32, #tpu.memory_space<hbm>>) target(%arg9 : memref<128xi32, #tpu.memory_space<vmem>>) target_semaphore(%arg24 : memref<!tpu.dma_semaphore, #tpu.memory_space<semaphore_mem>>)
    %dma_start3A_14 = arith.constant 2 : i32
    %dma_start3A_15 = arith.constant 0 : i32
    %dma_start3A_16 = tpu.memref_slice %arg3[%add3A, %dma_start3A_14, %dma_start3A_15] : memref<32x81x128xi32, #tpu.memory_space<hbm>> -> memref<1x1x128xi32, #tpu.memory_space<hbm>>
    %dma_start3A_17 = tpu.memref_squeeze %dma_start3A_16 : memref<1x1x128xi32, #tpu.memory_space<hbm>> -> memref<128xi32, #tpu.memory_space<hbm>>
    %dma_start3A_18 = arith.constant 0 : i32
    %dma_start3A_19 = tpu.memref_slice %arg3[%add3A, %dma_start3A_14, %dma_start3A_18] : memref<32x81x128xi32, #tpu.memory_space<hbm>> -> memref<1x1x128xi32, #tpu.memory_space<hbm>>
    %dma_start3A_20 = tpu.memref_squeeze %dma_start3A_19 : memref<1x1x128xi32, #tpu.memory_space<hbm>> -> memref<128xi32, #tpu.memory_space<hbm>>
    tpu.enqueue_dma source(%dma_start3A_20 : memref<128xi32, #tpu.memory_space<hbm>>) target(%arg10 : memref<128xi32, #tpu.memory_space<vmem>>) target_semaphore(%arg25 : memref<!tpu.dma_semaphore, #tpu.memory_space<semaphore_mem>>)
    %dma_start3A_21 = arith.constant 0 : i32
    %dma_start3A_22 = arith.constant 0 : i32
    %dma_start3A_23 = tpu.memref_slice %arg4[%add3A, %dma_start3A_21, %dma_start3A_22] : memref<32x81x128xi32, #tpu.memory_space<hbm>> -> memref<1x1x128xi32, #tpu.memory_space<hbm>>
    %dma_start3A_24 = tpu.memref_squeeze %dma_start3A_23 : memref<1x1x128xi32, #tpu.memory_space<hbm>> -> memref<128xi32, #tpu.memory_space<hbm>>
    %dma_start3A_25 = arith.constant 0 : i32
    %dma_start3A_26 = tpu.memref_slice %arg4[%add3A, %dma_start3A_21, %dma_start3A_25] : memref<32x81x128xi32, #tpu.memory_space<hbm>> -> memref<1x1x128xi32, #tpu.memory_space<hbm>>
    %dma_start3A_27 = tpu.memref_squeeze %dma_start3A_26 : memref<1x1x128xi32, #tpu.memory_space<hbm>> -> memref<128xi32, #tpu.memory_space<hbm>>
    tpu.enqueue_dma source(%dma_start3A_27 : memref<128xi32, #tpu.memory_space<hbm>>) target(%arg11 : memref<128xi32, #tpu.memory_space<vmem>>) target_semaphore(%arg26 : memref<!tpu.dma_semaphore, #tpu.memory_space<semaphore_mem>>)
    %dma_start3A_28 = arith.constant 1 : i32
    %dma_start3A_29 = arith.constant 0 : i32
    %dma_start3A_30 = tpu.memref_slice %arg4[%add3A, %dma_start3A_28, %dma_start3A_29] : memref<32x81x128xi32, #tpu.memory_space<hbm>> -> memref<1x1x128xi32, #tpu.memory_space<hbm>>
    %dma_start3A_31 = tpu.memref_squeeze %dma_start3A_30 : memref<1x1x128xi32, #tpu.memory_space<hbm>> -> memref<128xi32, #tpu.memory_space<hbm>>
    %dma_start3A_32 = arith.constant 0 : i32
    %dma_start3A_33 = tpu.memref_slice %arg4[%add3A, %dma_start3A_28, %dma_start3A_32] : memref<32x81x128xi32, #tpu.memory_space<hbm>> -> memref<1x1x128xi32, #tpu.memory_space<hbm>>
    %dma_start3A_34 = tpu.memref_squeeze %dma_start3A_33 : memref<1x1x128xi32, #tpu.memory_space<hbm>> -> memref<128xi32, #tpu.memory_space<hbm>>
    tpu.enqueue_dma source(%dma_start3A_34 : memref<128xi32, #tpu.memory_space<hbm>>) target(%arg12 : memref<128xi32, #tpu.memory_space<vmem>>) target_semaphore(%arg27 : memref<!tpu.dma_semaphore, #tpu.memory_space<semaphore_mem>>)
    %dma_start3A_35 = arith.constant 2 : i32
    %dma_start3A_36 = arith.constant 0 : i32
    %dma_start3A_37 = tpu.memref_slice %arg4[%add3A, %dma_start3A_35, %dma_start3A_36] : memref<32x81x128xi32, #tpu.memory_space<hbm>> -> memref<1x1x128xi32, #tpu.memory_space<hbm>>
    %dma_start3A_38 = tpu.memref_squeeze %dma_start3A_37 : memref<1x1x128xi32, #tpu.memory_space<hbm>> -> memref<128xi32, #tpu.memory_space<hbm>>
    %dma_start3A_39 = arith.constant 0 : i32
    %dma_start3A_40 = tpu.memref_slice %arg4[%add3A, %dma_start3A_35, %dma_start3A_39] : memref<32x81x128xi32, #tpu.memory_space<hbm>> -> memref<1x1x128xi32, #tpu.memory_space<hbm>>
    %dma_start3A_41 = tpu.memref_squeeze %dma_start3A_40 : memref<1x1x128xi32, #tpu.memory_space<hbm>> -> memref<128xi32, #tpu.memory_space<hbm>>
    tpu.enqueue_dma source(%dma_start3A_41 : memref<128xi32, #tpu.memory_space<hbm>>) target(%arg13 : memref<128xi32, #tpu.memory_space<vmem>>) target_semaphore(%arg28 : memref<!tpu.dma_semaphore, #tpu.memory_space<semaphore_mem>>)
    %dma_wait3A = arith.constant 0 : i32
    %dma_wait3A_42 = arith.constant 0 : i32
    %dma_wait3A_43 = tpu.memref_slice %arg3[%add3A, %dma_wait3A, %dma_wait3A_42] : memref<32x81x128xi32, #tpu.memory_space<hbm>> -> memref<1x1x128xi32, #tpu.memory_space<hbm>>
    %dma_wait3A_44 = tpu.memref_squeeze %dma_wait3A_43 : memref<1x1x128xi32, #tpu.memory_space<hbm>> -> memref<128xi32, #tpu.memory_space<hbm>>
    %dma_wait3A_45 = arith.constant 0 : i32
    %dma_wait3A_46 = tpu.memref_slice %arg3[%add3A, %dma_wait3A, %dma_wait3A_45] : memref<32x81x128xi32, #tpu.memory_space<hbm>> -> memref<1x1x128xi32, #tpu.memory_space<hbm>>
    %dma_wait3A_47 = tpu.memref_squeeze %dma_wait3A_46 : memref<1x1x128xi32, #tpu.memory_space<hbm>> -> memref<128xi32, #tpu.memory_space<hbm>>
    tpu.wait_dma2 semaphore(%arg23 : memref<!tpu.dma_semaphore, #tpu.memory_space<semaphore_mem>>) src(%dma_wait3A_47 : memref<128xi32, #tpu.memory_space<hbm>>) dst(%arg8 : memref<128xi32, #tpu.memory_space<vmem>>)
    %dma_start3A_48 = arith.constant 0 : i32
    %dma_start3A_49 = arith.constant 0 : i32
    %dma_start3A_50 = tpu.memref_slice %arg2[%dma_start3A_48, %dma_start3A_49] : memref<10000x128xf32, #tpu.memory_space<hbm>> -> memref<10000x128xf32, #tpu.memory_space<hbm>>
    tpu.enqueue_indirect_dma source(%dma_start3A_50 : memref<10000x128xf32, #tpu.memory_space<hbm>>) target(%arg14 : memref<128x128xf32, #tpu.memory_space<vmem>>) offsets(%arg8 : memref<128xi32, #tpu.memory_space<vmem>>) semaphore(%arg17 : memref<!tpu.dma_semaphore, #tpu.memory_space<semaphore_mem>>)
    %dma_wait3A_51 = arith.constant 1 : i32
    %dma_wait3A_52 = arith.constant 0 : i32
    %dma_wait3A_53 = tpu.memref_slice %arg3[%add3A, %dma_wait3A_51, %dma_wait3A_52] : memref<32x81x128xi32, #tpu.memory_space<hbm>> -> memref<1x1x128xi32, #tpu.memory_space<hbm>>
    %dma_wait3A_54 = tpu.memref_squeeze %dma_wait3A_53 : memref<1x1x128xi32, #tpu.memory_space<hbm>> -> memref<128xi32, #tpu.memory_space<hbm>>
    %dma_wait3A_55 = arith.constant 0 : i32
    %dma_wait3A_56 = tpu.memref_slice %arg3[%add3A, %dma_wait3A_51, %dma_wait3A_55] : memref<32x81x128xi32, #tpu.memory_space<hbm>> -> memref<1x1x128xi32, #tpu.memory_space<hbm>>
    %dma_wait3A_57 = tpu.memref_squeeze %dma_wait3A_56 : memref<1x1x128xi32, #tpu.memory_space<hbm>> -> memref<128xi32, #tpu.memory_space<hbm>>
    tpu.wait_dma2 semaphore(%arg24 : memref<!tpu.dma_semaphore, #tpu.memory_space<semaphore_mem>>) src(%dma_wait3A_57 : memref<128xi32, #tpu.memory_space<hbm>>) dst(%arg9 : memref<128xi32, #tpu.memory_space<vmem>>)
    %dma_start3A_58 = arith.constant 0 : i32
    %dma_start3A_59 = arith.constant 0 : i32
    %dma_start3A_60 = tpu.memref_slice %arg2[%dma_start3A_58, %dma_start3A_59] : memref<10000x128xf32, #tpu.memory_space<hbm>> -> memref<10000x128xf32, #tpu.memory_space<hbm>>
    tpu.enqueue_indirect_dma source(%dma_start3A_60 : memref<10000x128xf32, #tpu.memory_space<hbm>>) target(%arg15 : memref<128x128xf32, #tpu.memory_space<vmem>>) offsets(%arg9 : memref<128xi32, #tpu.memory_space<vmem>>) semaphore(%arg18 : memref<!tpu.dma_semaphore, #tpu.memory_space<semaphore_mem>>)
    %dma_wait3A_61 = arith.constant 2 : i32
    %dma_wait3A_62 = arith.constant 0 : i32
    %dma_wait3A_63 = tpu.memref_slice %arg3[%add3A, %dma_wait3A_61, %dma_wait3A_62] : memref<32x81x128xi32, #tpu.memory_space<hbm>> -> memref<1x1x128xi32, #tpu.memory_space<hbm>>
    %dma_wait3A_64 = tpu.memref_squeeze %dma_wait3A_63 : memref<1x1x128xi32, #tpu.memory_space<hbm>> -> memref<128xi32, #tpu.memory_space<hbm>>
    %dma_wait3A_65 = arith.constant 0 : i32
    %dma_wait3A_66 = tpu.memref_slice %arg3[%add3A, %dma_wait3A_61, %dma_wait3A_65] : memref<32x81x128xi32, #tpu.memory_space<hbm>> -> memref<1x1x128xi32, #tpu.memory_space<hbm>>
    %dma_wait3A_67 = tpu.memref_squeeze %dma_wait3A_66 : memref<1x1x128xi32, #tpu.memory_space<hbm>> -> memref<128xi32, #tpu.memory_space<hbm>>
    tpu.wait_dma2 semaphore(%arg25 : memref<!tpu.dma_semaphore, #tpu.memory_space<semaphore_mem>>) src(%dma_wait3A_67 : memref<128xi32, #tpu.memory_space<hbm>>) dst(%arg10 : memref<128xi32, #tpu.memory_space<vmem>>)
    %dma_start3A_68 = arith.constant 0 : i32
    %dma_start3A_69 = arith.constant 0 : i32
    %dma_start3A_70 = tpu.memref_slice %arg2[%dma_start3A_68, %dma_start3A_69] : memref<10000x128xf32, #tpu.memory_space<hbm>> -> memref<10000x128xf32, #tpu.memory_space<hbm>>
    tpu.enqueue_indirect_dma source(%dma_start3A_70 : memref<10000x128xf32, #tpu.memory_space<hbm>>) target(%arg16 : memref<128x128xf32, #tpu.memory_space<vmem>>) offsets(%arg10 : memref<128xi32, #tpu.memory_space<vmem>>) semaphore(%arg19 : memref<!tpu.dma_semaphore, #tpu.memory_space<semaphore_mem>>)
    %mul3A_71 = arith.constant 632 : i32
    %mul3A_72 = arith.muli %arg1, %mul3A_71 : i32
    "tpu.region"() ({
      %run_scoped3A = tpu.sem_alloc : memref<!tpu.dma_semaphore, #tpu.memory_space<semaphore_mem>>
      %dma_start3A_118 = arith.constant 0 : i32
      %dma_start3A_119 = tpu.memref_slice %arg7[%mul3A_72, %dma_start3A_118] : memref<10112x128xf32, #tpu.memory_space<vmem_shared>> -> memref<632x128xf32, #tpu.memory_space<vmem_shared>>
      tpu.enqueue_dma source(%arg5 : memref<632x128xf32, #tpu.memory_space<hbm>>) target(%dma_start3A_119 : memref<632x128xf32, #tpu.memory_space<vmem_shared>>) target_semaphore(%run_scoped3A : memref<!tpu.dma_semaphore, #tpu.memory_space<semaphore_mem>>)
      %dma_wait3A_120 = arith.constant 0 : i32
      %dma_wait3A_121 = tpu.memref_slice %arg7[%mul3A_72, %dma_wait3A_120] : memref<10112x128xf32, #tpu.memory_space<vmem_shared>> -> memref<632x128xf32, #tpu.memory_space<vmem_shared>>
      tpu.wait_dma2 semaphore(%run_scoped3A : memref<!tpu.dma_semaphore, #tpu.memory_space<semaphore_mem>>) src(%arg5 : memref<632x128xf32, #tpu.memory_space<hbm>>) dst(%dma_wait3A_121 : memref<632x128xf32, #tpu.memory_space<vmem_shared>>)
      tpu.yield
    }) : () -> ()
    %barrier3A = arith.constant 0 : index
    tpu.barrier barrier_id(%barrier3A)
    %scan3A = arith.constant 0 : i32
    %scan3A_73 = arith.constant 1 : i32
    %scan3A_74 = arith.constant 2 : i32
    %scan3A_75 = arith.constant 0 : i32
    %scan3A_76 = arith.constant 1 : i32
    %scan3A_77 = arith.constant 2 : i32
    %scan3A_78 = arith.constant 0 : i32
    %scan3A_79 = arith.constant 27 : i32
    %scan3A_80 = arith.addi %scan3A_78, %scan3A_79 : i32
    %scan3A_81 = arith.constant 1 : i32
    scf.for %scan3A_118 = %scan3A_78 to %scan3A_80 step %scan3A_81  : i32 {
      %mul3A_119 = arith.constant 1 : i32
      %mul3A_120 = arith.muli %scan3A_118, %mul3A_119 : i32
      %add3A_121 = arith.constant 0 : i32
      %add3A_122 = arith.addi %add3A_121, %mul3A_120 : i32
      %mul3A_123 = arith.constant 3 : i32
      %mul3A_124 = arith.muli %add3A_122, %mul3A_123 : i32
      %dma_wait3A_125 = arith.constant 0 : i32
      %dma_wait3A_126 = arith.constant 0 : i32
      %dma_wait3A_127 = tpu.memref_slice %arg2[%dma_wait3A_125, %dma_wait3A_126] : memref<10000x128xf32, #tpu.memory_space<hbm>> -> memref<10000x128xf32, #tpu.memory_space<hbm>>
      tpu.wait_indirect_dma semaphore(%arg17 : memref<!tpu.dma_semaphore, #tpu.memory_space<semaphore_mem>>) src(%dma_wait3A_127 : memref<10000x128xf32, #tpu.memory_space<hbm>>) dst(%arg14 : memref<128x128xf32, #tpu.memory_space<vmem>>)
      %dma_wait3A_128 = arith.constant 0 : i32
      %dma_wait3A_129 = tpu.memref_slice %arg4[%add3A, %scan3A, %dma_wait3A_128] : memref<32x81x128xi32, #tpu.memory_space<hbm>> -> memref<1x1x128xi32, #tpu.memory_space<hbm>>
      %dma_wait3A_130 = tpu.memref_squeeze %dma_wait3A_129 : memref<1x1x128xi32, #tpu.memory_space<hbm>> -> memref<128xi32, #tpu.memory_space<hbm>>
      %dma_wait3A_131 = arith.constant 0 : i32
      %dma_wait3A_132 = tpu.memref_slice %arg4[%add3A, %scan3A, %dma_wait3A_131] : memref<32x81x128xi32, #tpu.memory_space<hbm>> -> memref<1x1x128xi32, #tpu.memory_space<hbm>>
      %dma_wait3A_133 = tpu.memref_squeeze %dma_wait3A_132 : memref<1x1x128xi32, #tpu.memory_space<hbm>> -> memref<128xi32, #tpu.memory_space<hbm>>
      tpu.wait_dma2 semaphore(%arg26 : memref<!tpu.dma_semaphore, #tpu.memory_space<semaphore_mem>>) src(%dma_wait3A_133 : memref<128xi32, #tpu.memory_space<hbm>>) dst(%arg11 : memref<128xi32, #tpu.memory_space<vmem>>)
      %dma_start3A_134 = arith.constant 0 : i32
      %dma_start3A_135 = arith.constant 0 : i32
      %dma_start3A_136 = tpu.memref_slice %arg7[%dma_start3A_134, %dma_start3A_135] : memref<10112x128xf32, #tpu.memory_space<vmem_shared>> -> memref<10112x128xf32, #tpu.memory_space<vmem_shared>>
      tpu.enqueue_indirect_dma source(%arg14 : memref<128x128xf32, #tpu.memory_space<vmem>>) target(%dma_start3A_136 : memref<10112x128xf32, #tpu.memory_space<vmem_shared>>) offsets(%arg11 : memref<128xi32, #tpu.memory_space<vmem>>) semaphore(%arg20 : memref<!tpu.dma_semaphore, #tpu.memory_space<semaphore_mem>>) {add = true}
      %add3A_137 = arith.constant 3 : i32
      %add3A_138 = arith.addi %mul3A_124, %add3A_137 : i32
      %add3A_139 = arith.constant 0 : i32
      %add3A_140 = arith.addi %add3A_138, %add3A_139 : i32
      %rem3A = arith.constant 81 : i32
      %rem3A_141 = arith.remsi %add3A_140, %rem3A : i32
      %dma_start3A_142 = arith.constant 0 : i32
      %dma_start3A_143 = tpu.memref_slice %arg3[%add3A, %rem3A_141, %dma_start3A_142] : memref<32x81x128xi32, #tpu.memory_space<hbm>> -> memref<1x1x128xi32, #tpu.memory_space<hbm>>
      %dma_start3A_144 = tpu.memref_squeeze %dma_start3A_143 : memref<1x1x128xi32, #tpu.memory_space<hbm>> -> memref<128xi32, #tpu.memory_space<hbm>>
      %dma_start3A_145 = arith.constant 0 : i32
      %dma_start3A_146 = tpu.memref_slice %arg3[%add3A, %rem3A_141, %dma_start3A_145] : memref<32x81x128xi32, #tpu.memory_space<hbm>> -> memref<1x1x128xi32, #tpu.memory_space<hbm>>
      %dma_start3A_147 = tpu.memref_squeeze %dma_start3A_146 : memref<1x1x128xi32, #tpu.memory_space<hbm>> -> memref<128xi32, #tpu.memory_space<hbm>>
      tpu.enqueue_dma source(%dma_start3A_147 : memref<128xi32, #tpu.memory_space<hbm>>) target(%arg8 : memref<128xi32, #tpu.memory_space<vmem>>) target_semaphore(%arg23 : memref<!tpu.dma_semaphore, #tpu.memory_space<semaphore_mem>>)
      %dma_wait3A_148 = arith.constant 0 : i32
      %dma_wait3A_149 = arith.constant 0 : i32
      %dma_wait3A_150 = tpu.memref_slice %arg2[%dma_wait3A_148, %dma_wait3A_149] : memref<10000x128xf32, #tpu.memory_space<hbm>> -> memref<10000x128xf32, #tpu.memory_space<hbm>>
      tpu.wait_indirect_dma semaphore(%arg18 : memref<!tpu.dma_semaphore, #tpu.memory_space<semaphore_mem>>) src(%dma_wait3A_150 : memref<10000x128xf32, #tpu.memory_space<hbm>>) dst(%arg15 : memref<128x128xf32, #tpu.memory_space<vmem>>)
      %dma_wait3A_151 = arith.constant 0 : i32
      %dma_wait3A_152 = tpu.memref_slice %arg4[%add3A, %scan3A_73, %dma_wait3A_151] : memref<32x81x128xi32, #tpu.memory_space<hbm>> -> memref<1x1x128xi32, #tpu.memory_space<hbm>>
      %dma_wait3A_153 = tpu.memref_squeeze %dma_wait3A_152 : memref<1x1x128xi32, #tpu.memory_space<hbm>> -> memref<128xi32, #tpu.memory_space<hbm>>
      %dma_wait3A_154 = arith.constant 0 : i32
      %dma_wait3A_155 = tpu.memref_slice %arg4[%add3A, %scan3A_73, %dma_wait3A_154] : memref<32x81x128xi32, #tpu.memory_space<hbm>> -> memref<1x1x128xi32, #tpu.memory_space<hbm>>
      %dma_wait3A_156 = tpu.memref_squeeze %dma_wait3A_155 : memref<1x1x128xi32, #tpu.memory_space<hbm>> -> memref<128xi32, #tpu.memory_space<hbm>>
      tpu.wait_dma2 semaphore(%arg27 : memref<!tpu.dma_semaphore, #tpu.memory_space<semaphore_mem>>) src(%dma_wait3A_156 : memref<128xi32, #tpu.memory_space<hbm>>) dst(%arg12 : memref<128xi32, #tpu.memory_space<vmem>>)
      %dma_start3A_157 = arith.constant 0 : i32
      %dma_start3A_158 = arith.constant 0 : i32
      %dma_start3A_159 = tpu.memref_slice %arg7[%dma_start3A_157, %dma_start3A_158] : memref<10112x128xf32, #tpu.memory_space<vmem_shared>> -> memref<10112x128xf32, #tpu.memory_space<vmem_shared>>
      tpu.enqueue_indirect_dma source(%arg15 : memref<128x128xf32, #tpu.memory_space<vmem>>) target(%dma_start3A_159 : memref<10112x128xf32, #tpu.memory_space<vmem_shared>>) offsets(%arg12 : memref<128xi32, #tpu.memory_space<vmem>>) semaphore(%arg21 : memref<!tpu.dma_semaphore, #tpu.memory_space<semaphore_mem>>) {add = true}
      %add3A_160 = arith.constant 3 : i32
      %add3A_161 = arith.addi %mul3A_124, %add3A_160 : i32
      %add3A_162 = arith.constant 1 : i32
      %add3A_163 = arith.addi %add3A_161, %add3A_162 : i32
      %rem3A_164 = arith.constant 81 : i32
      %rem3A_165 = arith.remsi %add3A_163, %rem3A_164 : i32
      %dma_start3A_166 = arith.constant 0 : i32
      %dma_start3A_167 = tpu.memref_slice %arg3[%add3A, %rem3A_165, %dma_start3A_166] : memref<32x81x128xi32, #tpu.memory_space<hbm>> -> memref<1x1x128xi32, #tpu.memory_space<hbm>>
      %dma_start3A_168 = tpu.memref_squeeze %dma_start3A_167 : memref<1x1x128xi32, #tpu.memory_space<hbm>> -> memref<128xi32, #tpu.memory_space<hbm>>
      %dma_start3A_169 = arith.constant 0 : i32
      %dma_start3A_170 = tpu.memref_slice %arg3[%add3A, %rem3A_165, %dma_start3A_169] : memref<32x81x128xi32, #tpu.memory_space<hbm>> -> memref<1x1x128xi32, #tpu.memory_space<hbm>>
      %dma_start3A_171 = tpu.memref_squeeze %dma_start3A_170 : memref<1x1x128xi32, #tpu.memory_space<hbm>> -> memref<128xi32, #tpu.memory_space<hbm>>
      tpu.enqueue_dma source(%dma_start3A_171 : memref<128xi32, #tpu.memory_space<hbm>>) target(%arg9 : memref<128xi32, #tpu.memory_space<vmem>>) target_semaphore(%arg24 : memref<!tpu.dma_semaphore, #tpu.memory_space<semaphore_mem>>)
      %dma_wait3A_172 = arith.constant 0 : i32
      %dma_wait3A_173 = arith.constant 0 : i32
      %dma_wait3A_174 = tpu.memref_slice %arg2[%dma_wait3A_172, %dma_wait3A_173] : memref<10000x128xf32, #tpu.memory_space<hbm>> -> memref<10000x128xf32, #tpu.memory_space<hbm>>
      tpu.wait_indirect_dma semaphore(%arg19 : memref<!tpu.dma_semaphore, #tpu.memory_space<semaphore_mem>>) src(%dma_wait3A_174 : memref<10000x128xf32, #tpu.memory_space<hbm>>) dst(%arg16 : memref<128x128xf32, #tpu.memory_space<vmem>>)
      %dma_wait3A_175 = arith.constant 0 : i32
      %dma_wait3A_176 = tpu.memref_slice %arg4[%add3A, %scan3A_74, %dma_wait3A_175] : memref<32x81x128xi32, #tpu.memory_space<hbm>> -> memref<1x1x128xi32, #tpu.memory_space<hbm>>
      %dma_wait3A_177 = tpu.memref_squeeze %dma_wait3A_176 : memref<1x1x128xi32, #tpu.memory_space<hbm>> -> memref<128xi32, #tpu.memory_space<hbm>>
      %dma_wait3A_178 = arith.constant 0 : i32
      %dma_wait3A_179 = tpu.memref_slice %arg4[%add3A, %scan3A_74, %dma_wait3A_178] : memref<32x81x128xi32, #tpu.memory_space<hbm>> -> memref<1x1x128xi32, #tpu.memory_space<hbm>>
      %dma_wait3A_180 = tpu.memref_squeeze %dma_wait3A_179 : memref<1x1x128xi32, #tpu.memory_space<hbm>> -> memref<128xi32, #tpu.memory_space<hbm>>
      tpu.wait_dma2 semaphore(%arg28 : memref<!tpu.dma_semaphore, #tpu.memory_space<semaphore_mem>>) src(%dma_wait3A_180 : memref<128xi32, #tpu.memory_space<hbm>>) dst(%arg13 : memref<128xi32, #tpu.memory_space<vmem>>)
      %dma_start3A_181 = arith.constant 0 : i32
      %dma_start3A_182 = arith.constant 0 : i32
      %dma_start3A_183 = tpu.memref_slice %arg7[%dma_start3A_181, %dma_start3A_182] : memref<10112x128xf32, #tpu.memory_space<vmem_shared>> -> memref<10112x128xf32, #tpu.memory_space<vmem_shared>>
      tpu.enqueue_indirect_dma source(%arg16 : memref<128x128xf32, #tpu.memory_space<vmem>>) target(%dma_start3A_183 : memref<10112x128xf32, #tpu.memory_space<vmem_shared>>) offsets(%arg13 : memref<128xi32, #tpu.memory_space<vmem>>) semaphore(%arg22 : memref<!tpu.dma_semaphore, #tpu.memory_space<semaphore_mem>>) {add = true}
      %add3A_184 = arith.constant 3 : i32
      %add3A_185 = arith.addi %mul3A_124, %add3A_184 : i32
      %add3A_186 = arith.constant 2 : i32
      %add3A_187 = arith.addi %add3A_185, %add3A_186 : i32
      %rem3A_188 = arith.constant 81 : i32
      %rem3A_189 = arith.remsi %add3A_187, %rem3A_188 : i32
      %dma_start3A_190 = arith.constant 0 : i32
      %dma_start3A_191 = tpu.memref_slice %arg3[%add3A, %rem3A_189, %dma_start3A_190] : memref<32x81x128xi32, #tpu.memory_space<hbm>> -> memref<1x1x128xi32, #tpu.memory_space<hbm>>
      %dma_start3A_192 = tpu.memref_squeeze %dma_start3A_191 : memref<1x1x128xi32, #tpu.memory_space<hbm>> -> memref<128xi32, #tpu.memory_space<hbm>>
      %dma_start3A_193 = arith.constant 0 : i32
      %dma_start3A_194 = tpu.memref_slice %arg3[%add3A, %rem3A_189, %dma_start3A_193] : memref<32x81x128xi32, #tpu.memory_space<hbm>> -> memref<1x1x128xi32, #tpu.memory_space<hbm>>
      %dma_start3A_195 = tpu.memref_squeeze %dma_start3A_194 : memref<1x1x128xi32, #tpu.memory_space<hbm>> -> memref<128xi32, #tpu.memory_space<hbm>>
      tpu.enqueue_dma source(%dma_start3A_195 : memref<128xi32, #tpu.memory_space<hbm>>) target(%arg10 : memref<128xi32, #tpu.memory_space<vmem>>) target_semaphore(%arg25 : memref<!tpu.dma_semaphore, #tpu.memory_space<semaphore_mem>>)
      %dma_wait3A_196 = arith.constant 0 : i32
      %dma_wait3A_197 = tpu.memref_slice %arg3[%add3A, %scan3A_75, %dma_wait3A_196] : memref<32x81x128xi32, #tpu.memory_space<hbm>> -> memref<1x1x128xi32, #tpu.memory_space<hbm>>
      %dma_wait3A_198 = tpu.memref_squeeze %dma_wait3A_197 : memref<1x1x128xi32, #tpu.memory_space<hbm>> -> memref<128xi32, #tpu.memory_space<hbm>>
      %dma_wait3A_199 = arith.constant 0 : i32
      %dma_wait3A_200 = tpu.memref_slice %arg3[%add3A, %scan3A_75, %dma_wait3A_199] : memref<32x81x128xi32, #tpu.memory_space<hbm>> -> memref<1x1x128xi32, #tpu.memory_space<hbm>>
      %dma_wait3A_201 = tpu.memref_squeeze %dma_wait3A_200 : memref<1x1x128xi32, #tpu.memory_space<hbm>> -> memref<128xi32, #tpu.memory_space<hbm>>
      tpu.wait_dma2 semaphore(%arg23 : memref<!tpu.dma_semaphore, #tpu.memory_space<semaphore_mem>>) src(%dma_wait3A_201 : memref<128xi32, #tpu.memory_space<hbm>>) dst(%arg8 : memref<128xi32, #tpu.memory_space<vmem>>)
      %dma_wait3A_202 = arith.constant 0 : i32
      %dma_wait3A_203 = arith.constant 0 : i32
      %dma_wait3A_204 = tpu.memref_slice %arg7[%dma_wait3A_202, %dma_wait3A_203] : memref<10112x128xf32, #tpu.memory_space<vmem_shared>> -> memref<10112x128xf32, #tpu.memory_space<vmem_shared>>
      tpu.wait_indirect_dma semaphore(%arg20 : memref<!tpu.dma_semaphore, #tpu.memory_space<semaphore_mem>>) src(%arg14 : memref<128x128xf32, #tpu.memory_space<vmem>>) dst(%dma_wait3A_204 : memref<10112x128xf32, #tpu.memory_space<vmem_shared>>)
      %add3A_205 = arith.constant 3 : i32
      %add3A_206 = arith.addi %mul3A_124, %add3A_205 : i32
      %add3A_207 = arith.constant 0 : i32
      %add3A_208 = arith.addi %add3A_206, %add3A_207 : i32
      %rem3A_209 = arith.constant 81 : i32
      %rem3A_210 = arith.remsi %add3A_208, %rem3A_209 : i32
      %dma_start3A_211 = arith.constant 0 : i32
      %dma_start3A_212 = tpu.memref_slice %arg4[%add3A, %rem3A_210, %dma_start3A_211] : memref<32x81x128xi32, #tpu.memory_space<hbm>> -> memref<1x1x128xi32, #tpu.memory_space<hbm>>
      %dma_start3A_213 = tpu.memref_squeeze %dma_start3A_212 : memref<1x1x128xi32, #tpu.memory_space<hbm>> -> memref<128xi32, #tpu.memory_space<hbm>>
      %dma_start3A_214 = arith.constant 0 : i32
      %dma_start3A_215 = tpu.memref_slice %arg4[%add3A, %rem3A_210, %dma_start3A_214] : memref<32x81x128xi32, #tpu.memory_space<hbm>> -> memref<1x1x128xi32, #tpu.memory_space<hbm>>
      %dma_start3A_216 = tpu.memref_squeeze %dma_start3A_215 : memref<1x1x128xi32, #tpu.memory_space<hbm>> -> memref<128xi32, #tpu.memory_space<hbm>>
      tpu.enqueue_dma source(%dma_start3A_216 : memref<128xi32, #tpu.memory_space<hbm>>) target(%arg11 : memref<128xi32, #tpu.memory_space<vmem>>) target_semaphore(%arg26 : memref<!tpu.dma_semaphore, #tpu.memory_space<semaphore_mem>>)
      %dma_start3A_217 = arith.constant 0 : i32
      %dma_start3A_218 = arith.constant 0 : i32
      %dma_start3A_219 = tpu.memref_slice %arg2[%dma_start3A_217, %dma_start3A_218] : memref<10000x128xf32, #tpu.memory_space<hbm>> -> memref<10000x128xf32, #tpu.memory_space<hbm>>
      tpu.enqueue_indirect_dma source(%dma_start3A_219 : memref<10000x128xf32, #tpu.memory_space<hbm>>) target(%arg14 : memref<128x128xf32, #tpu.memory_space<vmem>>) offsets(%arg8 : memref<128xi32, #tpu.memory_space<vmem>>) semaphore(%arg17 : memref<!tpu.dma_semaphore, #tpu.memory_space<semaphore_mem>>)
      %dma_wait3A_220 = arith.constant 0 : i32
      %dma_wait3A_221 = tpu.memref_slice %arg3[%add3A, %scan3A_76, %dma_wait3A_220] : memref<32x81x128xi32, #tpu.memory_space<hbm>> -> memref<1x1x128xi32, #tpu.memory_space<hbm>>
      %dma_wait3A_222 = tpu.memref_squeeze %dma_wait3A_221 : memref<1x1x128xi32, #tpu.memory_space<hbm>> -> memref<128xi32, #tpu.memory_space<hbm>>
      %dma_wait3A_223 = arith.constant 0 : i32
      %dma_wait3A_224 = tpu.memref_slice %arg3[%add3A, %scan3A_76, %dma_wait3A_223] : memref<32x81x128xi32, #tpu.memory_space<hbm>> -> memref<1x1x128xi32, #tpu.memory_space<hbm>>
      %dma_wait3A_225 = tpu.memref_squeeze %dma_wait3A_224 : memref<1x1x128xi32, #tpu.memory_space<hbm>> -> memref<128xi32, #tpu.memory_space<hbm>>
      tpu.wait_dma2 semaphore(%arg24 : memref<!tpu.dma_semaphore, #tpu.memory_space<semaphore_mem>>) src(%dma_wait3A_225 : memref<128xi32, #tpu.memory_space<hbm>>) dst(%arg9 : memref<128xi32, #tpu.memory_space<vmem>>)
      %dma_wait3A_226 = arith.constant 0 : i32
      %dma_wait3A_227 = arith.constant 0 : i32
      %dma_wait3A_228 = tpu.memref_slice %arg7[%dma_wait3A_226, %dma_wait3A_227] : memref<10112x128xf32, #tpu.memory_space<vmem_shared>> -> memref<10112x128xf32, #tpu.memory_space<vmem_shared>>
      tpu.wait_indirect_dma semaphore(%arg21 : memref<!tpu.dma_semaphore, #tpu.memory_space<semaphore_mem>>) src(%arg15 : memref<128x128xf32, #tpu.memory_space<vmem>>) dst(%dma_wait3A_228 : memref<10112x128xf32, #tpu.memory_space<vmem_shared>>)
      %add3A_229 = arith.constant 3 : i32
      %add3A_230 = arith.addi %mul3A_124, %add3A_229 : i32
      %add3A_231 = arith.constant 1 : i32
      %add3A_232 = arith.addi %add3A_230, %add3A_231 : i32
      %rem3A_233 = arith.constant 81 : i32
      %rem3A_234 = arith.remsi %add3A_232, %rem3A_233 : i32
      %dma_start3A_235 = arith.constant 0 : i32
      %dma_start3A_236 = tpu.memref_slice %arg4[%add3A, %rem3A_234, %dma_start3A_235] : memref<32x81x128xi32, #tpu.memory_space<hbm>> -> memref<1x1x128xi32, #tpu.memory_space<hbm>>
      %dma_start3A_237 = tpu.memref_squeeze %dma_start3A_236 : memref<1x1x128xi32, #tpu.memory_space<hbm>> -> memref<128xi32, #tpu.memory_space<hbm>>
      %dma_start3A_238 = arith.constant 0 : i32
      %dma_start3A_239 = tpu.memref_slice %arg4[%add3A, %rem3A_234, %dma_start3A_238] : memref<32x81x128xi32, #tpu.memory_space<hbm>> -> memref<1x1x128xi32, #tpu.memory_space<hbm>>
      %dma_start3A_240 = tpu.memref_squeeze %dma_start3A_239 : memref<1x1x128xi32, #tpu.memory_space<hbm>> -> memref<128xi32, #tpu.memory_space<hbm>>
      tpu.enqueue_dma source(%dma_start3A_240 : memref<128xi32, #tpu.memory_space<hbm>>) target(%arg12 : memref<128xi32, #tpu.memory_space<vmem>>) target_semaphore(%arg27 : memref<!tpu.dma_semaphore, #tpu.memory_space<semaphore_mem>>)
      %dma_start3A_241 = arith.constant 0 : i32
      %dma_start3A_242 = arith.constant 0 : i32
      %dma_start3A_243 = tpu.memref_slice %arg2[%dma_start3A_241, %dma_start3A_242] : memref<10000x128xf32, #tpu.memory_space<hbm>> -> memref<10000x128xf32, #tpu.memory_space<hbm>>
      tpu.enqueue_indirect_dma source(%dma_start3A_243 : memref<10000x128xf32, #tpu.memory_space<hbm>>) target(%arg15 : memref<128x128xf32, #tpu.memory_space<vmem>>) offsets(%arg9 : memref<128xi32, #tpu.memory_space<vmem>>) semaphore(%arg18 : memref<!tpu.dma_semaphore, #tpu.memory_space<semaphore_mem>>)
      %dma_wait3A_244 = arith.constant 0 : i32
      %dma_wait3A_245 = tpu.memref_slice %arg3[%add3A, %scan3A_77, %dma_wait3A_244] : memref<32x81x128xi32, #tpu.memory_space<hbm>> -> memref<1x1x128xi32, #tpu.memory_space<hbm>>
      %dma_wait3A_246 = tpu.memref_squeeze %dma_wait3A_245 : memref<1x1x128xi32, #tpu.memory_space<hbm>> -> memref<128xi32, #tpu.memory_space<hbm>>
      %dma_wait3A_247 = arith.constant 0 : i32
      %dma_wait3A_248 = tpu.memref_slice %arg3[%add3A, %scan3A_77, %dma_wait3A_247] : memref<32x81x128xi32, #tpu.memory_space<hbm>> -> memref<1x1x128xi32, #tpu.memory_space<hbm>>
      %dma_wait3A_249 = tpu.memref_squeeze %dma_wait3A_248 : memref<1x1x128xi32, #tpu.memory_space<hbm>> -> memref<128xi32, #tpu.memory_space<hbm>>
      tpu.wait_dma2 semaphore(%arg25 : memref<!tpu.dma_semaphore, #tpu.memory_space<semaphore_mem>>) src(%dma_wait3A_249 : memref<128xi32, #tpu.memory_space<hbm>>) dst(%arg10 : memref<128xi32, #tpu.memory_space<vmem>>)
      %dma_wait3A_250 = arith.constant 0 : i32
      %dma_wait3A_251 = arith.constant 0 : i32
      %dma_wait3A_252 = tpu.memref_slice %arg7[%dma_wait3A_250, %dma_wait3A_251] : memref<10112x128xf32, #tpu.memory_space<vmem_shared>> -> memref<10112x128xf32, #tpu.memory_space<vmem_shared>>
      tpu.wait_indirect_dma semaphore(%arg22 : memref<!tpu.dma_semaphore, #tpu.memory_space<semaphore_mem>>) src(%arg16 : memref<128x128xf32, #tpu.memory_space<vmem>>) dst(%dma_wait3A_252 : memref<10112x128xf32, #tpu.memory_space<vmem_shared>>)
      %add3A_253 = arith.constant 3 : i32
      %add3A_254 = arith.addi %mul3A_124, %add3A_253 : i32
      %add3A_255 = arith.constant 2 : i32
      %add3A_256 = arith.addi %add3A_254, %add3A_255 : i32
      %rem3A_257 = arith.constant 81 : i32
      %rem3A_258 = arith.remsi %add3A_256, %rem3A_257 : i32
      %dma_start3A_259 = arith.constant 0 : i32
      %dma_start3A_260 = tpu.memref_slice %arg4[%add3A, %rem3A_258, %dma_start3A_259] : memref<32x81x128xi32, #tpu.memory_space<hbm>> -> memref<1x1x128xi32, #tpu.memory_space<hbm>>
      %dma_start3A_261 = tpu.memref_squeeze %dma_start3A_260 : memref<1x1x128xi32, #tpu.memory_space<hbm>> -> memref<128xi32, #tpu.memory_space<hbm>>
      %dma_start3A_262 = arith.constant 0 : i32
      %dma_start3A_263 = tpu.memref_slice %arg4[%add3A, %rem3A_258, %dma_start3A_262] : memref<32x81x128xi32, #tpu.memory_space<hbm>> -> memref<1x1x128xi32, #tpu.memory_space<hbm>>
      %dma_start3A_264 = tpu.memref_squeeze %dma_start3A_263 : memref<1x1x128xi32, #tpu.memory_space<hbm>> -> memref<128xi32, #tpu.memory_space<hbm>>
      tpu.enqueue_dma source(%dma_start3A_264 : memref<128xi32, #tpu.memory_space<hbm>>) target(%arg13 : memref<128xi32, #tpu.memory_space<vmem>>) target_semaphore(%arg28 : memref<!tpu.dma_semaphore, #tpu.memory_space<semaphore_mem>>)
      %dma_start3A_265 = arith.constant 0 : i32
      %dma_start3A_266 = arith.constant 0 : i32
      %dma_start3A_267 = tpu.memref_slice %arg2[%dma_start3A_265, %dma_start3A_266] : memref<10000x128xf32, #tpu.memory_space<hbm>> -> memref<10000x128xf32, #tpu.memory_space<hbm>>
      tpu.enqueue_indirect_dma source(%dma_start3A_267 : memref<10000x128xf32, #tpu.memory_space<hbm>>) target(%arg16 : memref<128x128xf32, #tpu.memory_space<vmem>>) offsets(%arg10 : memref<128xi32, #tpu.memory_space<vmem>>) semaphore(%arg19 : memref<!tpu.dma_semaphore, #tpu.memory_space<semaphore_mem>>)
    }
    %scan3A_82 = arith.constant 27 : i32
    %dma_wait3A_83 = arith.constant 0 : i32
    %dma_wait3A_84 = arith.constant 0 : i32
    %dma_wait3A_85 = tpu.memref_slice %arg2[%dma_wait3A_83, %dma_wait3A_84] : memref<10000x128xf32, #tpu.memory_space<hbm>> -> memref<10000x128xf32, #tpu.memory_space<hbm>>
    tpu.wait_indirect_dma semaphore(%arg17 : memref<!tpu.dma_semaphore, #tpu.memory_space<semaphore_mem>>) src(%dma_wait3A_85 : memref<10000x128xf32, #tpu.memory_space<hbm>>) dst(%arg14 : memref<128x128xf32, #tpu.memory_space<vmem>>)
    %dma_wait3A_86 = arith.constant 0 : i32
    %dma_wait3A_87 = arith.constant 0 : i32
    %dma_wait3A_88 = tpu.memref_slice %arg4[%add3A, %dma_wait3A_86, %dma_wait3A_87] : memref<32x81x128xi32, #tpu.memory_space<hbm>> -> memref<1x1x128xi32, #tpu.memory_space<hbm>>
    %dma_wait3A_89 = tpu.memref_squeeze %dma_wait3A_88 : memref<1x1x128xi32, #tpu.memory_space<hbm>> -> memref<128xi32, #tpu.memory_space<hbm>>
    %dma_wait3A_90 = arith.constant 0 : i32
    %dma_wait3A_91 = tpu.memref_slice %arg4[%add3A, %dma_wait3A_86, %dma_wait3A_90] : memref<32x81x128xi32, #tpu.memory_space<hbm>> -> memref<1x1x128xi32, #tpu.memory_space<hbm>>
    %dma_wait3A_92 = tpu.memref_squeeze %dma_wait3A_91 : memref<1x1x128xi32, #tpu.memory_space<hbm>> -> memref<128xi32, #tpu.memory_space<hbm>>
    tpu.wait_dma2 semaphore(%arg26 : memref<!tpu.dma_semaphore, #tpu.memory_space<semaphore_mem>>) src(%dma_wait3A_92 : memref<128xi32, #tpu.memory_space<hbm>>) dst(%arg11 : memref<128xi32, #tpu.memory_space<vmem>>)
    %dma_wait3A_93 = arith.constant 0 : i32
    %dma_wait3A_94 = arith.constant 0 : i32
    %dma_wait3A_95 = tpu.memref_slice %arg2[%dma_wait3A_93, %dma_wait3A_94] : memref<10000x128xf32, #tpu.memory_space<hbm>> -> memref<10000x128xf32, #tpu.memory_space<hbm>>
    tpu.wait_indirect_dma semaphore(%arg18 : memref<!tpu.dma_semaphore, #tpu.memory_space<semaphore_mem>>) src(%dma_wait3A_95 : memref<10000x128xf32, #tpu.memory_space<hbm>>) dst(%arg15 : memref<128x128xf32, #tpu.memory_space<vmem>>)
    %dma_wait3A_96 = arith.constant 1 : i32
    %dma_wait3A_97 = arith.constant 0 : i32
    %dma_wait3A_98 = tpu.memref_slice %arg4[%add3A, %dma_wait3A_96, %dma_wait3A_97] : memref<32x81x128xi32, #tpu.memory_space<hbm>> -> memref<1x1x128xi32, #tpu.memory_space<hbm>>
    %dma_wait3A_99 = tpu.memref_squeeze %dma_wait3A_98 : memref<1x1x128xi32, #tpu.memory_space<hbm>> -> memref<128xi32, #tpu.memory_space<hbm>>
    %dma_wait3A_100 = arith.constant 0 : i32
    %dma_wait3A_101 = tpu.memref_slice %arg4[%add3A, %dma_wait3A_96, %dma_wait3A_100] : memref<32x81x128xi32, #tpu.memory_space<hbm>> -> memref<1x1x128xi32, #tpu.memory_space<hbm>>
    %dma_wait3A_102 = tpu.memref_squeeze %dma_wait3A_101 : memref<1x1x128xi32, #tpu.memory_space<hbm>> -> memref<128xi32, #tpu.memory_space<hbm>>
    tpu.wait_dma2 semaphore(%arg27 : memref<!tpu.dma_semaphore, #tpu.memory_space<semaphore_mem>>) src(%dma_wait3A_102 : memref<128xi32, #tpu.memory_space<hbm>>) dst(%arg12 : memref<128xi32, #tpu.memory_space<vmem>>)
    %dma_wait3A_103 = arith.constant 0 : i32
    %dma_wait3A_104 = arith.constant 0 : i32
    %dma_wait3A_105 = tpu.memref_slice %arg2[%dma_wait3A_103, %dma_wait3A_104] : memref<10000x128xf32, #tpu.memory_space<hbm>> -> memref<10000x128xf32, #tpu.memory_space<hbm>>
    tpu.wait_indirect_dma semaphore(%arg19 : memref<!tpu.dma_semaphore, #tpu.memory_space<semaphore_mem>>) src(%dma_wait3A_105 : memref<10000x128xf32, #tpu.memory_space<hbm>>) dst(%arg16 : memref<128x128xf32, #tpu.memory_space<vmem>>)
    %dma_wait3A_106 = arith.constant 2 : i32
    %dma_wait3A_107 = arith.constant 0 : i32
    %dma_wait3A_108 = tpu.memref_slice %arg4[%add3A, %dma_wait3A_106, %dma_wait3A_107] : memref<32x81x128xi32, #tpu.memory_space<hbm>> -> memref<1x1x128xi32, #tpu.memory_space<hbm>>
    %dma_wait3A_109 = tpu.memref_squeeze %dma_wait3A_108 : memref<1x1x128xi32, #tpu.memory_space<hbm>> -> memref<128xi32, #tpu.memory_space<hbm>>
    %dma_wait3A_110 = arith.constant 0 : i32
    %dma_wait3A_111 = tpu.memref_slice %arg4[%add3A, %dma_wait3A_106, %dma_wait3A_110] : memref<32x81x128xi32, #tpu.memory_space<hbm>> -> memref<1x1x128xi32, #tpu.memory_space<hbm>>
    %dma_wait3A_112 = tpu.memref_squeeze %dma_wait3A_111 : memref<1x1x128xi32, #tpu.memory_space<hbm>> -> memref<128xi32, #tpu.memory_space<hbm>>
    tpu.wait_dma2 semaphore(%arg28 : memref<!tpu.dma_semaphore, #tpu.memory_space<semaphore_mem>>) src(%dma_wait3A_112 : memref<128xi32, #tpu.memory_space<hbm>>) dst(%arg13 : memref<128xi32, #tpu.memory_space<vmem>>)
    %barrier3A_113 = arith.constant 0 : index
    tpu.barrier barrier_id(%barrier3A_113)
    %mul3A_114 = arith.constant 632 : i32
    %mul3A_115 = arith.muli %arg1, %mul3A_114 : i32
    %mul3A_116 = arith.constant 632 : i32
    %mul3A_117 = arith.muli %arg1, %mul3A_116 : i32
    "tpu.region"() ({
      %run_scoped3A = tpu.sem_alloc : memref<!tpu.dma_semaphore, #tpu.memory_space<semaphore_mem>>
      %dma_start3A_118 = arith.constant 0 : i32
      %dma_start3A_119 = tpu.memref_slice %arg6[%arg0, %mul3A_117, %dma_start3A_118] : memref<2x10112x128xf32, #tpu.memory_space<hbm>> -> memref<1x632x128xf32, #tpu.memory_space<hbm>>
      %dma_start3A_120 = tpu.memref_squeeze %dma_start3A_119 : memref<1x632x128xf32, #tpu.memory_space<hbm>> -> memref<632x128xf32, #tpu.memory_space<hbm>>
      %dma_start3A_121 = arith.constant 0 : i32
      %dma_start3A_122 = tpu.memref_slice %arg7[%mul3A_115, %dma_start3A_121] : memref<10112x128xf32, #tpu.memory_space<vmem_shared>> -> memref<632x128xf32, #tpu.memory_space<vmem_shared>>
      tpu.enqueue_dma source(%dma_start3A_122 : memref<632x128xf32, #tpu.memory_space<vmem_shared>>) target(%dma_start3A_120 : memref<632x128xf32, #tpu.memory_space<hbm>>) target_semaphore(%run_scoped3A : memref<!tpu.dma_semaphore, #tpu.memory_space<semaphore_mem>>)
      %dma_wait3A_123 = arith.constant 0 : i32
      %dma_wait3A_124 = tpu.memref_slice %arg6[%arg0, %mul3A_117, %dma_wait3A_123] : memref<2x10112x128xf32, #tpu.memory_space<hbm>> -> memref<1x632x128xf32, #tpu.memory_space<hbm>>
      %dma_wait3A_125 = tpu.memref_squeeze %dma_wait3A_124 : memref<1x632x128xf32, #tpu.memory_space<hbm>> -> memref<632x128xf32, #tpu.memory_space<hbm>>
      %dma_wait3A_126 = arith.constant 0 : i32
      %dma_wait3A_127 = tpu.memref_slice %arg7[%mul3A_115, %dma_wait3A_126] : memref<10112x128xf32, #tpu.memory_space<vmem_shared>> -> memref<632x128xf32, #tpu.memory_space<vmem_shared>>
      tpu.wait_dma2 semaphore(%run_scoped3A : memref<!tpu.dma_semaphore, #tpu.memory_space<semaphore_mem>>) src(%dma_wait3A_127 : memref<632x128xf32, #tpu.memory_space<vmem_shared>>) dst(%dma_wait3A_125 : memref<632x128xf32, #tpu.memory_space<hbm>>)
      tpu.yield
    }) : () -> ()
    return
  }
}

#map = affine_map<(d0, d1) -> (0, 0, 0)>
#map1 = affine_map<(d0, d1) -> (0, 0)>
module attributes {stable_mosaic.version = 14 : i64} {
  func.func @run(%arg0: i32, %arg1: i32, %arg2: memref<32x81x128xi32, #tpu.memory_space<hbm>>, %arg3: memref<128x128xf32, #tpu.memory_space<hbm>>, %arg4: memref<632x128xf32, #tpu.memory_space<hbm>>, %arg5: memref<2x10112x128xf32, #tpu.memory_space<hbm>>, %arg6: memref<10112x128xf32, #tpu.memory_space<vmem_shared>>, %arg7: memref<81x128xi32, #tpu.memory_space<vmem>>, %arg8: memref<128x128xf32, #tpu.memory_space<vmem>>, %arg9: memref<!tpu.dma_semaphore, #tpu.memory_space<semaphore_mem>>, %arg10: memref<!tpu.dma_semaphore, #tpu.memory_space<semaphore_mem>>, %arg11: memref<!tpu.dma_semaphore, #tpu.memory_space<semaphore_mem>>) attributes {dimension_semantics = [#tpu.dimension_semantics<core_parallel>, #tpu.dimension_semantics<subcore_parallel>], iteration_bounds = array<i64: 2, 16>, scalar_prefetch = 0 : i64, scratch_operands = 6 : i64, tpu.core_type = #tpu.core_type<sc_vector_subcore>, window_params = [{transform_indices = #map}, {transform_indices = #map1}, {transform_indices = #map1}, {transform_indices = #map}]} {
    %mul3A = arith.constant 2 : i32
    %mul3A_0 = arith.muli %arg1, %mul3A : i32
    %add3A = arith.addi %mul3A_0, %arg0 : i32
    %mul3A_1 = arith.constant 632 : i32
    %mul3A_2 = arith.muli %arg1, %mul3A_1 : i32
    "tpu.region"() ({
      %run_scoped3A = tpu.sem_alloc : memref<!tpu.dma_semaphore, #tpu.memory_space<semaphore_mem>>
      %dma_start3A_55 = arith.constant 0 : i32
      %dma_start3A_56 = tpu.memref_slice %arg6[%mul3A_2, %dma_start3A_55] : memref<10112x128xf32, #tpu.memory_space<vmem_shared>> -> memref<632x128xf32, #tpu.memory_space<vmem_shared>>
      tpu.enqueue_dma source(%arg4 : memref<632x128xf32, #tpu.memory_space<hbm>>) target(%dma_start3A_56 : memref<632x128xf32, #tpu.memory_space<vmem_shared>>) target_semaphore(%run_scoped3A : memref<!tpu.dma_semaphore, #tpu.memory_space<semaphore_mem>>)
      %dma_wait3A_57 = arith.constant 0 : i32
      %dma_wait3A_58 = tpu.memref_slice %arg6[%mul3A_2, %dma_wait3A_57] : memref<10112x128xf32, #tpu.memory_space<vmem_shared>> -> memref<632x128xf32, #tpu.memory_space<vmem_shared>>
      tpu.wait_dma2 semaphore(%run_scoped3A : memref<!tpu.dma_semaphore, #tpu.memory_space<semaphore_mem>>) src(%arg4 : memref<632x128xf32, #tpu.memory_space<hbm>>) dst(%dma_wait3A_58 : memref<632x128xf32, #tpu.memory_space<vmem_shared>>)
      tpu.yield
    }) : () -> ()
    "tpu.region"() ({
      %run_scoped3A = tpu.sem_alloc : memref<!tpu.dma_semaphore, #tpu.memory_space<semaphore_mem>>
      tpu.enqueue_dma source(%arg3 : memref<128x128xf32, #tpu.memory_space<hbm>>) target(%arg8 : memref<128x128xf32, #tpu.memory_space<vmem>>) target_semaphore(%run_scoped3A : memref<!tpu.dma_semaphore, #tpu.memory_space<semaphore_mem>>)
      tpu.wait_dma2 semaphore(%run_scoped3A : memref<!tpu.dma_semaphore, #tpu.memory_space<semaphore_mem>>) src(%arg3 : memref<128x128xf32, #tpu.memory_space<hbm>>) dst(%arg8 : memref<128x128xf32, #tpu.memory_space<vmem>>)
      tpu.yield
    }) : () -> ()
    "tpu.region"() ({
      %run_scoped3A = tpu.sem_alloc : memref<!tpu.dma_semaphore, #tpu.memory_space<semaphore_mem>>
      %dma_start3A_55 = arith.constant 0 : i32
      %dma_start3A_56 = arith.constant 0 : i32
      %dma_start3A_57 = tpu.memref_slice %arg2[%add3A, %dma_start3A_55, %dma_start3A_56] : memref<32x81x128xi32, #tpu.memory_space<hbm>> -> memref<1x81x128xi32, #tpu.memory_space<hbm>>
      %dma_start3A_58 = tpu.memref_squeeze %dma_start3A_57 : memref<1x81x128xi32, #tpu.memory_space<hbm>> -> memref<81x128xi32, #tpu.memory_space<hbm>>
      %dma_start3A_59 = arith.constant 0 : i32
      %dma_start3A_60 = arith.constant 0 : i32
      %dma_start3A_61 = tpu.memref_slice %arg2[%add3A, %dma_start3A_59, %dma_start3A_60] : memref<32x81x128xi32, #tpu.memory_space<hbm>> -> memref<1x81x128xi32, #tpu.memory_space<hbm>>
      %dma_start3A_62 = tpu.memref_squeeze %dma_start3A_61 : memref<1x81x128xi32, #tpu.memory_space<hbm>> -> memref<81x128xi32, #tpu.memory_space<hbm>>
      tpu.enqueue_dma source(%dma_start3A_62 : memref<81x128xi32, #tpu.memory_space<hbm>>) target(%arg7 : memref<81x128xi32, #tpu.memory_space<vmem>>) target_semaphore(%run_scoped3A : memref<!tpu.dma_semaphore, #tpu.memory_space<semaphore_mem>>)
      %dma_wait3A_63 = arith.constant 0 : i32
      %dma_wait3A_64 = arith.constant 0 : i32
      %dma_wait3A_65 = tpu.memref_slice %arg2[%add3A, %dma_wait3A_63, %dma_wait3A_64] : memref<32x81x128xi32, #tpu.memory_space<hbm>> -> memref<1x81x128xi32, #tpu.memory_space<hbm>>
      %dma_wait3A_66 = tpu.memref_squeeze %dma_wait3A_65 : memref<1x81x128xi32, #tpu.memory_space<hbm>> -> memref<81x128xi32, #tpu.memory_space<hbm>>
      %dma_wait3A_67 = arith.constant 0 : i32
      %dma_wait3A_68 = arith.constant 0 : i32
      %dma_wait3A_69 = tpu.memref_slice %arg2[%add3A, %dma_wait3A_67, %dma_wait3A_68] : memref<32x81x128xi32, #tpu.memory_space<hbm>> -> memref<1x81x128xi32, #tpu.memory_space<hbm>>
      %dma_wait3A_70 = tpu.memref_squeeze %dma_wait3A_69 : memref<1x81x128xi32, #tpu.memory_space<hbm>> -> memref<81x128xi32, #tpu.memory_space<hbm>>
      tpu.wait_dma2 semaphore(%run_scoped3A : memref<!tpu.dma_semaphore, #tpu.memory_space<semaphore_mem>>) src(%dma_wait3A_70 : memref<81x128xi32, #tpu.memory_space<hbm>>) dst(%arg7 : memref<81x128xi32, #tpu.memory_space<vmem>>)
      tpu.yield
    }) : () -> ()
    %barrier3A = arith.constant 0 : index
    tpu.barrier barrier_id(%barrier3A)
    %dma_start3A = arith.constant 0 : i32
    %dma_start3A_3 = arith.constant 0 : i32
    %dma_start3A_4 = tpu.memref_slice %arg7[%dma_start3A, %dma_start3A_3] : memref<81x128xi32, #tpu.memory_space<vmem>> -> memref<1x128xi32, #tpu.memory_space<vmem>>
    %dma_start3A_5 = tpu.memref_squeeze %dma_start3A_4 : memref<1x128xi32, #tpu.memory_space<vmem>> -> memref<128xi32, #tpu.memory_space<vmem>>
    %dma_start3A_6 = arith.constant 0 : i32
    %dma_start3A_7 = arith.constant 0 : i32
    %dma_start3A_8 = tpu.memref_slice %arg6[%dma_start3A_6, %dma_start3A_7] : memref<10112x128xf32, #tpu.memory_space<vmem_shared>> -> memref<10112x128xf32, #tpu.memory_space<vmem_shared>>
    tpu.enqueue_indirect_dma source(%arg8 : memref<128x128xf32, #tpu.memory_space<vmem>>) target(%dma_start3A_8 : memref<10112x128xf32, #tpu.memory_space<vmem_shared>>) offsets(%dma_start3A_5 : memref<128xi32, #tpu.memory_space<vmem>>) semaphore(%arg9 : memref<!tpu.dma_semaphore, #tpu.memory_space<semaphore_mem>>) {add = true}
    %dma_start3A_9 = arith.constant 1 : i32
    %dma_start3A_10 = arith.constant 0 : i32
    %dma_start3A_11 = tpu.memref_slice %arg7[%dma_start3A_9, %dma_start3A_10] : memref<81x128xi32, #tpu.memory_space<vmem>> -> memref<1x128xi32, #tpu.memory_space<vmem>>
    %dma_start3A_12 = tpu.memref_squeeze %dma_start3A_11 : memref<1x128xi32, #tpu.memory_space<vmem>> -> memref<128xi32, #tpu.memory_space<vmem>>
    %dma_start3A_13 = arith.constant 0 : i32
    %dma_start3A_14 = arith.constant 0 : i32
    %dma_start3A_15 = tpu.memref_slice %arg6[%dma_start3A_13, %dma_start3A_14] : memref<10112x128xf32, #tpu.memory_space<vmem_shared>> -> memref<10112x128xf32, #tpu.memory_space<vmem_shared>>
    tpu.enqueue_indirect_dma source(%arg8 : memref<128x128xf32, #tpu.memory_space<vmem>>) target(%dma_start3A_15 : memref<10112x128xf32, #tpu.memory_space<vmem_shared>>) offsets(%dma_start3A_12 : memref<128xi32, #tpu.memory_space<vmem>>) semaphore(%arg10 : memref<!tpu.dma_semaphore, #tpu.memory_space<semaphore_mem>>) {add = true}
    %dma_start3A_16 = arith.constant 2 : i32
    %dma_start3A_17 = arith.constant 0 : i32
    %dma_start3A_18 = tpu.memref_slice %arg7[%dma_start3A_16, %dma_start3A_17] : memref<81x128xi32, #tpu.memory_space<vmem>> -> memref<1x128xi32, #tpu.memory_space<vmem>>
    %dma_start3A_19 = tpu.memref_squeeze %dma_start3A_18 : memref<1x128xi32, #tpu.memory_space<vmem>> -> memref<128xi32, #tpu.memory_space<vmem>>
    %dma_start3A_20 = arith.constant 0 : i32
    %dma_start3A_21 = arith.constant 0 : i32
    %dma_start3A_22 = tpu.memref_slice %arg6[%dma_start3A_20, %dma_start3A_21] : memref<10112x128xf32, #tpu.memory_space<vmem_shared>> -> memref<10112x128xf32, #tpu.memory_space<vmem_shared>>
    tpu.enqueue_indirect_dma source(%arg8 : memref<128x128xf32, #tpu.memory_space<vmem>>) target(%dma_start3A_22 : memref<10112x128xf32, #tpu.memory_space<vmem_shared>>) offsets(%dma_start3A_19 : memref<128xi32, #tpu.memory_space<vmem>>) semaphore(%arg11 : memref<!tpu.dma_semaphore, #tpu.memory_space<semaphore_mem>>) {add = true}
    %scan3A = arith.constant 0 : i32
    %scan3A_23 = arith.constant 1 : i32
    %scan3A_24 = arith.constant 2 : i32
    %scan3A_25 = arith.constant 0 : i32
    %scan3A_26 = arith.constant 26 : i32
    %scan3A_27 = arith.addi %scan3A_25, %scan3A_26 : i32
    %scan3A_28 = arith.constant 1 : i32
    scf.for %scan3A_55 = %scan3A_25 to %scan3A_27 step %scan3A_28  : i32 {
      %mul3A_56 = arith.constant 1 : i32
      %mul3A_57 = arith.muli %scan3A_55, %mul3A_56 : i32
      %add3A_58 = arith.constant 1 : i32
      %add3A_59 = arith.addi %add3A_58, %mul3A_57 : i32
      %dma_wait3A_60 = arith.constant 0 : i32
      %dma_wait3A_61 = tpu.memref_slice %arg7[%scan3A, %dma_wait3A_60] : memref<81x128xi32, #tpu.memory_space<vmem>> -> memref<1x128xi32, #tpu.memory_space<vmem>>
      %dma_wait3A_62 = tpu.memref_squeeze %dma_wait3A_61 : memref<1x128xi32, #tpu.memory_space<vmem>> -> memref<128xi32, #tpu.memory_space<vmem>>
      %dma_wait3A_63 = arith.constant 0 : i32
      %dma_wait3A_64 = arith.constant 0 : i32
      %dma_wait3A_65 = tpu.memref_slice %arg6[%dma_wait3A_63, %dma_wait3A_64] : memref<10112x128xf32, #tpu.memory_space<vmem_shared>> -> memref<10112x128xf32, #tpu.memory_space<vmem_shared>>
      tpu.wait_indirect_dma semaphore(%arg9 : memref<!tpu.dma_semaphore, #tpu.memory_space<semaphore_mem>>) src(%arg8 : memref<128x128xf32, #tpu.memory_space<vmem>>) dst(%dma_wait3A_65 : memref<10112x128xf32, #tpu.memory_space<vmem_shared>>)
      %mul3A_66 = arith.constant 3 : i32
      %mul3A_67 = arith.muli %add3A_59, %mul3A_66 : i32
      %add3A_68 = arith.constant 0 : i32
      %add3A_69 = arith.addi %mul3A_67, %add3A_68 : i32
      %dma_start3A_70 = arith.constant 0 : i32
      %dma_start3A_71 = tpu.memref_slice %arg7[%add3A_69, %dma_start3A_70] : memref<81x128xi32, #tpu.memory_space<vmem>> -> memref<1x128xi32, #tpu.memory_space<vmem>>
      %dma_start3A_72 = tpu.memref_squeeze %dma_start3A_71 : memref<1x128xi32, #tpu.memory_space<vmem>> -> memref<128xi32, #tpu.memory_space<vmem>>
      %dma_start3A_73 = arith.constant 0 : i32
      %dma_start3A_74 = arith.constant 0 : i32
      %dma_start3A_75 = tpu.memref_slice %arg6[%dma_start3A_73, %dma_start3A_74] : memref<10112x128xf32, #tpu.memory_space<vmem_shared>> -> memref<10112x128xf32, #tpu.memory_space<vmem_shared>>
      tpu.enqueue_indirect_dma source(%arg8 : memref<128x128xf32, #tpu.memory_space<vmem>>) target(%dma_start3A_75 : memref<10112x128xf32, #tpu.memory_space<vmem_shared>>) offsets(%dma_start3A_72 : memref<128xi32, #tpu.memory_space<vmem>>) semaphore(%arg9 : memref<!tpu.dma_semaphore, #tpu.memory_space<semaphore_mem>>) {add = true}
      %dma_wait3A_76 = arith.constant 0 : i32
      %dma_wait3A_77 = tpu.memref_slice %arg7[%scan3A_23, %dma_wait3A_76] : memref<81x128xi32, #tpu.memory_space<vmem>> -> memref<1x128xi32, #tpu.memory_space<vmem>>
      %dma_wait3A_78 = tpu.memref_squeeze %dma_wait3A_77 : memref<1x128xi32, #tpu.memory_space<vmem>> -> memref<128xi32, #tpu.memory_space<vmem>>
      %dma_wait3A_79 = arith.constant 0 : i32
      %dma_wait3A_80 = arith.constant 0 : i32
      %dma_wait3A_81 = tpu.memref_slice %arg6[%dma_wait3A_79, %dma_wait3A_80] : memref<10112x128xf32, #tpu.memory_space<vmem_shared>> -> memref<10112x128xf32, #tpu.memory_space<vmem_shared>>
      tpu.wait_indirect_dma semaphore(%arg10 : memref<!tpu.dma_semaphore, #tpu.memory_space<semaphore_mem>>) src(%arg8 : memref<128x128xf32, #tpu.memory_space<vmem>>) dst(%dma_wait3A_81 : memref<10112x128xf32, #tpu.memory_space<vmem_shared>>)
      %mul3A_82 = arith.constant 3 : i32
      %mul3A_83 = arith.muli %add3A_59, %mul3A_82 : i32
      %add3A_84 = arith.constant 1 : i32
      %add3A_85 = arith.addi %mul3A_83, %add3A_84 : i32
      %dma_start3A_86 = arith.constant 0 : i32
      %dma_start3A_87 = tpu.memref_slice %arg7[%add3A_85, %dma_start3A_86] : memref<81x128xi32, #tpu.memory_space<vmem>> -> memref<1x128xi32, #tpu.memory_space<vmem>>
      %dma_start3A_88 = tpu.memref_squeeze %dma_start3A_87 : memref<1x128xi32, #tpu.memory_space<vmem>> -> memref<128xi32, #tpu.memory_space<vmem>>
      %dma_start3A_89 = arith.constant 0 : i32
      %dma_start3A_90 = arith.constant 0 : i32
      %dma_start3A_91 = tpu.memref_slice %arg6[%dma_start3A_89, %dma_start3A_90] : memref<10112x128xf32, #tpu.memory_space<vmem_shared>> -> memref<10112x128xf32, #tpu.memory_space<vmem_shared>>
      tpu.enqueue_indirect_dma source(%arg8 : memref<128x128xf32, #tpu.memory_space<vmem>>) target(%dma_start3A_91 : memref<10112x128xf32, #tpu.memory_space<vmem_shared>>) offsets(%dma_start3A_88 : memref<128xi32, #tpu.memory_space<vmem>>) semaphore(%arg10 : memref<!tpu.dma_semaphore, #tpu.memory_space<semaphore_mem>>) {add = true}
      %dma_wait3A_92 = arith.constant 0 : i32
      %dma_wait3A_93 = tpu.memref_slice %arg7[%scan3A_24, %dma_wait3A_92] : memref<81x128xi32, #tpu.memory_space<vmem>> -> memref<1x128xi32, #tpu.memory_space<vmem>>
      %dma_wait3A_94 = tpu.memref_squeeze %dma_wait3A_93 : memref<1x128xi32, #tpu.memory_space<vmem>> -> memref<128xi32, #tpu.memory_space<vmem>>
      %dma_wait3A_95 = arith.constant 0 : i32
      %dma_wait3A_96 = arith.constant 0 : i32
      %dma_wait3A_97 = tpu.memref_slice %arg6[%dma_wait3A_95, %dma_wait3A_96] : memref<10112x128xf32, #tpu.memory_space<vmem_shared>> -> memref<10112x128xf32, #tpu.memory_space<vmem_shared>>
      tpu.wait_indirect_dma semaphore(%arg11 : memref<!tpu.dma_semaphore, #tpu.memory_space<semaphore_mem>>) src(%arg8 : memref<128x128xf32, #tpu.memory_space<vmem>>) dst(%dma_wait3A_97 : memref<10112x128xf32, #tpu.memory_space<vmem_shared>>)
      %mul3A_98 = arith.constant 3 : i32
      %mul3A_99 = arith.muli %add3A_59, %mul3A_98 : i32
      %add3A_100 = arith.constant 2 : i32
      %add3A_101 = arith.addi %mul3A_99, %add3A_100 : i32
      %dma_start3A_102 = arith.constant 0 : i32
      %dma_start3A_103 = tpu.memref_slice %arg7[%add3A_101, %dma_start3A_102] : memref<81x128xi32, #tpu.memory_space<vmem>> -> memref<1x128xi32, #tpu.memory_space<vmem>>
      %dma_start3A_104 = tpu.memref_squeeze %dma_start3A_103 : memref<1x128xi32, #tpu.memory_space<vmem>> -> memref<128xi32, #tpu.memory_space<vmem>>
      %dma_start3A_105 = arith.constant 0 : i32
      %dma_start3A_106 = arith.constant 0 : i32
      %dma_start3A_107 = tpu.memref_slice %arg6[%dma_start3A_105, %dma_start3A_106] : memref<10112x128xf32, #tpu.memory_space<vmem_shared>> -> memref<10112x128xf32, #tpu.memory_space<vmem_shared>>
      tpu.enqueue_indirect_dma source(%arg8 : memref<128x128xf32, #tpu.memory_space<vmem>>) target(%dma_start3A_107 : memref<10112x128xf32, #tpu.memory_space<vmem_shared>>) offsets(%dma_start3A_104 : memref<128xi32, #tpu.memory_space<vmem>>) semaphore(%arg11 : memref<!tpu.dma_semaphore, #tpu.memory_space<semaphore_mem>>) {add = true}
    }
    %scan3A_29 = arith.constant 26 : i32
    %dma_wait3A = arith.constant 0 : i32
    %dma_wait3A_30 = arith.constant 0 : i32
    %dma_wait3A_31 = tpu.memref_slice %arg7[%dma_wait3A, %dma_wait3A_30] : memref<81x128xi32, #tpu.memory_space<vmem>> -> memref<1x128xi32, #tpu.memory_space<vmem>>
    %dma_wait3A_32 = tpu.memref_squeeze %dma_wait3A_31 : memref<1x128xi32, #tpu.memory_space<vmem>> -> memref<128xi32, #tpu.memory_space<vmem>>
    %dma_wait3A_33 = arith.constant 0 : i32
    %dma_wait3A_34 = arith.constant 0 : i32
    %dma_wait3A_35 = tpu.memref_slice %arg6[%dma_wait3A_33, %dma_wait3A_34] : memref<10112x128xf32, #tpu.memory_space<vmem_shared>> -> memref<10112x128xf32, #tpu.memory_space<vmem_shared>>
    tpu.wait_indirect_dma semaphore(%arg9 : memref<!tpu.dma_semaphore, #tpu.memory_space<semaphore_mem>>) src(%arg8 : memref<128x128xf32, #tpu.memory_space<vmem>>) dst(%dma_wait3A_35 : memref<10112x128xf32, #tpu.memory_space<vmem_shared>>)
    %dma_wait3A_36 = arith.constant 1 : i32
    %dma_wait3A_37 = arith.constant 0 : i32
    %dma_wait3A_38 = tpu.memref_slice %arg7[%dma_wait3A_36, %dma_wait3A_37] : memref<81x128xi32, #tpu.memory_space<vmem>> -> memref<1x128xi32, #tpu.memory_space<vmem>>
    %dma_wait3A_39 = tpu.memref_squeeze %dma_wait3A_38 : memref<1x128xi32, #tpu.memory_space<vmem>> -> memref<128xi32, #tpu.memory_space<vmem>>
    %dma_wait3A_40 = arith.constant 0 : i32
    %dma_wait3A_41 = arith.constant 0 : i32
    %dma_wait3A_42 = tpu.memref_slice %arg6[%dma_wait3A_40, %dma_wait3A_41] : memref<10112x128xf32, #tpu.memory_space<vmem_shared>> -> memref<10112x128xf32, #tpu.memory_space<vmem_shared>>
    tpu.wait_indirect_dma semaphore(%arg10 : memref<!tpu.dma_semaphore, #tpu.memory_space<semaphore_mem>>) src(%arg8 : memref<128x128xf32, #tpu.memory_space<vmem>>) dst(%dma_wait3A_42 : memref<10112x128xf32, #tpu.memory_space<vmem_shared>>)
    %dma_wait3A_43 = arith.constant 2 : i32
    %dma_wait3A_44 = arith.constant 0 : i32
    %dma_wait3A_45 = tpu.memref_slice %arg7[%dma_wait3A_43, %dma_wait3A_44] : memref<81x128xi32, #tpu.memory_space<vmem>> -> memref<1x128xi32, #tpu.memory_space<vmem>>
    %dma_wait3A_46 = tpu.memref_squeeze %dma_wait3A_45 : memref<1x128xi32, #tpu.memory_space<vmem>> -> memref<128xi32, #tpu.memory_space<vmem>>
    %dma_wait3A_47 = arith.constant 0 : i32
    %dma_wait3A_48 = arith.constant 0 : i32
    %dma_wait3A_49 = tpu.memref_slice %arg6[%dma_wait3A_47, %dma_wait3A_48] : memref<10112x128xf32, #tpu.memory_space<vmem_shared>> -> memref<10112x128xf32, #tpu.memory_space<vmem_shared>>
    tpu.wait_indirect_dma semaphore(%arg11 : memref<!tpu.dma_semaphore, #tpu.memory_space<semaphore_mem>>) src(%arg8 : memref<128x128xf32, #tpu.memory_space<vmem>>) dst(%dma_wait3A_49 : memref<10112x128xf32, #tpu.memory_space<vmem_shared>>)
    %barrier3A_50 = arith.constant 0 : index
    tpu.barrier barrier_id(%barrier3A_50)
    %mul3A_51 = arith.constant 632 : i32
    %mul3A_52 = arith.muli %arg1, %mul3A_51 : i32
    %mul3A_53 = arith.constant 632 : i32
    %mul3A_54 = arith.muli %arg1, %mul3A_53 : i32
    "tpu.region"() ({
      %run_scoped3A = tpu.sem_alloc : memref<!tpu.dma_semaphore, #tpu.memory_space<semaphore_mem>>
      %dma_start3A_55 = arith.constant 0 : i32
      %dma_start3A_56 = tpu.memref_slice %arg5[%arg0, %mul3A_54, %dma_start3A_55] : memref<2x10112x128xf32, #tpu.memory_space<hbm>> -> memref<1x632x128xf32, #tpu.memory_space<hbm>>
      %dma_start3A_57 = tpu.memref_squeeze %dma_start3A_56 : memref<1x632x128xf32, #tpu.memory_space<hbm>> -> memref<632x128xf32, #tpu.memory_space<hbm>>
      %dma_start3A_58 = arith.constant 0 : i32
      %dma_start3A_59 = tpu.memref_slice %arg6[%mul3A_52, %dma_start3A_58] : memref<10112x128xf32, #tpu.memory_space<vmem_shared>> -> memref<632x128xf32, #tpu.memory_space<vmem_shared>>
      tpu.enqueue_dma source(%dma_start3A_59 : memref<632x128xf32, #tpu.memory_space<vmem_shared>>) target(%dma_start3A_57 : memref<632x128xf32, #tpu.memory_space<hbm>>) target_semaphore(%run_scoped3A : memref<!tpu.dma_semaphore, #tpu.memory_space<semaphore_mem>>)
      %dma_wait3A_60 = arith.constant 0 : i32
      %dma_wait3A_61 = tpu.memref_slice %arg5[%arg0, %mul3A_54, %dma_wait3A_60] : memref<2x10112x128xf32, #tpu.memory_space<hbm>> -> memref<1x632x128xf32, #tpu.memory_space<hbm>>
      %dma_wait3A_62 = tpu.memref_squeeze %dma_wait3A_61 : memref<1x632x128xf32, #tpu.memory_space<hbm>> -> memref<632x128xf32, #tpu.memory_space<hbm>>
      %dma_wait3A_63 = arith.constant 0 : i32
      %dma_wait3A_64 = tpu.memref_slice %arg6[%mul3A_52, %dma_wait3A_63] : memref<10112x128xf32, #tpu.memory_space<vmem_shared>> -> memref<632x128xf32, #tpu.memory_space<vmem_shared>>
      tpu.wait_dma2 semaphore(%run_scoped3A : memref<!tpu.dma_semaphore, #tpu.memory_space<semaphore_mem>>) src(%dma_wait3A_64 : memref<632x128xf32, #tpu.memory_space<vmem_shared>>) dst(%dma_wait3A_62 : memref<632x128xf32, #tpu.memory_space<hbm>>)
      tpu.yield
    }) : () -> ()
    return
  }
}

#map = affine_map<(d0, d1) -> (0, 0)>
#map1 = affine_map<(d0, d1) -> (0, 0, 0)>
module attributes {stable_mosaic.version = 14 : i64} {
  func.func @run(%arg0: i32, %arg1: i32, %arg2: memref<10000x128xf32, #tpu.memory_space<hbm>>, %arg3: memref<32x81x128xi32, #tpu.memory_space<hbm>>, %arg4: memref<32x81x128xi32, #tpu.memory_space<hbm>>, %arg5: memref<632x128xf32, #tpu.memory_space<hbm>>, %arg6: memref<2x10112x128xf32, #tpu.memory_space<hbm>>, %arg7: memref<10112x128xf32, #tpu.memory_space<vmem_shared>>, %arg8: memref<128xi32, #tpu.memory_space<vmem>>, %arg9: memref<128xi32, #tpu.memory_space<vmem>>, %arg10: memref<128xi32, #tpu.memory_space<vmem>>, %arg11: memref<128xi32, #tpu.memory_space<vmem>>, %arg12: memref<128xi32, #tpu.memory_space<vmem>>, %arg13: memref<128xi32, #tpu.memory_space<vmem>>, %arg14: memref<128x128xf32, #tpu.memory_space<vmem>>, %arg15: memref<128x128xf32, #tpu.memory_space<vmem>>, %arg16: memref<128x128xf32, #tpu.memory_space<vmem>>, %arg17: memref<!tpu.dma_semaphore, #tpu.memory_space<semaphore_mem>>, %arg18: memref<!tpu.dma_semaphore, #tpu.memory_space<semaphore_mem>>, %arg19: memref<!tpu.dma_semaphore, #tpu.memory_space<semaphore_mem>>, %arg20: memref<!tpu.dma_semaphore, #tpu.memory_space<semaphore_mem>>, %arg21: memref<!tpu.dma_semaphore, #tpu.memory_space<semaphore_mem>>, %arg22: memref<!tpu.dma_semaphore, #tpu.memory_space<semaphore_mem>>, %arg23: memref<!tpu.dma_semaphore, #tpu.memory_space<semaphore_mem>>, %arg24: memref<!tpu.dma_semaphore, #tpu.memory_space<semaphore_mem>>, %arg25: memref<!tpu.dma_semaphore, #tpu.memory_space<semaphore_mem>>, %arg26: memref<!tpu.dma_semaphore, #tpu.memory_space<semaphore_mem>>, %arg27: memref<!tpu.dma_semaphore, #tpu.memory_space<semaphore_mem>>, %arg28: memref<!tpu.dma_semaphore, #tpu.memory_space<semaphore_mem>>) attributes {dimension_semantics = [#tpu.dimension_semantics<core_parallel>, #tpu.dimension_semantics<subcore_parallel>], iteration_bounds = array<i64: 2, 16>, scalar_prefetch = 0 : i64, scratch_operands = 22 : i64, tpu.core_type = #tpu.core_type<sc_vector_subcore>, window_params = [{transform_indices = #map}, {transform_indices = #map1}, {transform_indices = #map1}, {transform_indices = #map}, {transform_indices = #map1}]} {
    %mul3A = arith.constant 2 : i32
    %mul3A_0 = arith.muli %arg1, %mul3A : i32
    %add3A = arith.addi %mul3A_0, %arg0 : i32
    %dma_start3A = arith.constant 0 : i32
    %dma_start3A_1 = arith.constant 0 : i32
    %dma_start3A_2 = tpu.memref_slice %arg3[%add3A, %dma_start3A, %dma_start3A_1] : memref<32x81x128xi32, #tpu.memory_space<hbm>> -> memref<1x1x128xi32, #tpu.memory_space<hbm>>
    %dma_start3A_3 = tpu.memref_squeeze %dma_start3A_2 : memref<1x1x128xi32, #tpu.memory_space<hbm>> -> memref<128xi32, #tpu.memory_space<hbm>>
    %dma_start3A_4 = arith.constant 0 : i32
    %dma_start3A_5 = tpu.memref_slice %arg3[%add3A, %dma_start3A, %dma_start3A_4] : memref<32x81x128xi32, #tpu.memory_space<hbm>> -> memref<1x1x128xi32, #tpu.memory_space<hbm>>
    %dma_start3A_6 = tpu.memref_squeeze %dma_start3A_5 : memref<1x1x128xi32, #tpu.memory_space<hbm>> -> memref<128xi32, #tpu.memory_space<hbm>>
    tpu.enqueue_dma source(%dma_start3A_6 : memref<128xi32, #tpu.memory_space<hbm>>) target(%arg8 : memref<128xi32, #tpu.memory_space<vmem>>) target_semaphore(%arg23 : memref<!tpu.dma_semaphore, #tpu.memory_space<semaphore_mem>>)
    %dma_start3A_7 = arith.constant 1 : i32
    %dma_start3A_8 = arith.constant 0 : i32
    %dma_start3A_9 = tpu.memref_slice %arg3[%add3A, %dma_start3A_7, %dma_start3A_8] : memref<32x81x128xi32, #tpu.memory_space<hbm>> -> memref<1x1x128xi32, #tpu.memory_space<hbm>>
    %dma_start3A_10 = tpu.memref_squeeze %dma_start3A_9 : memref<1x1x128xi32, #tpu.memory_space<hbm>> -> memref<128xi32, #tpu.memory_space<hbm>>
    %dma_start3A_11 = arith.constant 0 : i32
    %dma_start3A_12 = tpu.memref_slice %arg3[%add3A, %dma_start3A_7, %dma_start3A_11] : memref<32x81x128xi32, #tpu.memory_space<hbm>> -> memref<1x1x128xi32, #tpu.memory_space<hbm>>
    %dma_start3A_13 = tpu.memref_squeeze %dma_start3A_12 : memref<1x1x128xi32, #tpu.memory_space<hbm>> -> memref<128xi32, #tpu.memory_space<hbm>>
    tpu.enqueue_dma source(%dma_start3A_13 : memref<128xi32, #tpu.memory_space<hbm>>) target(%arg9 : memref<128xi32, #tpu.memory_space<vmem>>) target_semaphore(%arg24 : memref<!tpu.dma_semaphore, #tpu.memory_space<semaphore_mem>>)
    %dma_start3A_14 = arith.constant 2 : i32
    %dma_start3A_15 = arith.constant 0 : i32
    %dma_start3A_16 = tpu.memref_slice %arg3[%add3A, %dma_start3A_14, %dma_start3A_15] : memref<32x81x128xi32, #tpu.memory_space<hbm>> -> memref<1x1x128xi32, #tpu.memory_space<hbm>>
    %dma_start3A_17 = tpu.memref_squeeze %dma_start3A_16 : memref<1x1x128xi32, #tpu.memory_space<hbm>> -> memref<128xi32, #tpu.memory_space<hbm>>
    %dma_start3A_18 = arith.constant 0 : i32
    %dma_start3A_19 = tpu.memref_slice %arg3[%add3A, %dma_start3A_14, %dma_start3A_18] : memref<32x81x128xi32, #tpu.memory_space<hbm>> -> memref<1x1x128xi32, #tpu.memory_space<hbm>>
    %dma_start3A_20 = tpu.memref_squeeze %dma_start3A_19 : memref<1x1x128xi32, #tpu.memory_space<hbm>> -> memref<128xi32, #tpu.memory_space<hbm>>
    tpu.enqueue_dma source(%dma_start3A_20 : memref<128xi32, #tpu.memory_space<hbm>>) target(%arg10 : memref<128xi32, #tpu.memory_space<vmem>>) target_semaphore(%arg25 : memref<!tpu.dma_semaphore, #tpu.memory_space<semaphore_mem>>)
    %dma_start3A_21 = arith.constant 0 : i32
    %dma_start3A_22 = arith.constant 0 : i32
    %dma_start3A_23 = tpu.memref_slice %arg4[%add3A, %dma_start3A_21, %dma_start3A_22] : memref<32x81x128xi32, #tpu.memory_space<hbm>> -> memref<1x1x128xi32, #tpu.memory_space<hbm>>
    %dma_start3A_24 = tpu.memref_squeeze %dma_start3A_23 : memref<1x1x128xi32, #tpu.memory_space<hbm>> -> memref<128xi32, #tpu.memory_space<hbm>>
    %dma_start3A_25 = arith.constant 0 : i32
    %dma_start3A_26 = tpu.memref_slice %arg4[%add3A, %dma_start3A_21, %dma_start3A_25] : memref<32x81x128xi32, #tpu.memory_space<hbm>> -> memref<1x1x128xi32, #tpu.memory_space<hbm>>
    %dma_start3A_27 = tpu.memref_squeeze %dma_start3A_26 : memref<1x1x128xi32, #tpu.memory_space<hbm>> -> memref<128xi32, #tpu.memory_space<hbm>>
    tpu.enqueue_dma source(%dma_start3A_27 : memref<128xi32, #tpu.memory_space<hbm>>) target(%arg11 : memref<128xi32, #tpu.memory_space<vmem>>) target_semaphore(%arg26 : memref<!tpu.dma_semaphore, #tpu.memory_space<semaphore_mem>>)
    %dma_start3A_28 = arith.constant 1 : i32
    %dma_start3A_29 = arith.constant 0 : i32
    %dma_start3A_30 = tpu.memref_slice %arg4[%add3A, %dma_start3A_28, %dma_start3A_29] : memref<32x81x128xi32, #tpu.memory_space<hbm>> -> memref<1x1x128xi32, #tpu.memory_space<hbm>>
    %dma_start3A_31 = tpu.memref_squeeze %dma_start3A_30 : memref<1x1x128xi32, #tpu.memory_space<hbm>> -> memref<128xi32, #tpu.memory_space<hbm>>
    %dma_start3A_32 = arith.constant 0 : i32
    %dma_start3A_33 = tpu.memref_slice %arg4[%add3A, %dma_start3A_28, %dma_start3A_32] : memref<32x81x128xi32, #tpu.memory_space<hbm>> -> memref<1x1x128xi32, #tpu.memory_space<hbm>>
    %dma_start3A_34 = tpu.memref_squeeze %dma_start3A_33 : memref<1x1x128xi32, #tpu.memory_space<hbm>> -> memref<128xi32, #tpu.memory_space<hbm>>
    tpu.enqueue_dma source(%dma_start3A_34 : memref<128xi32, #tpu.memory_space<hbm>>) target(%arg12 : memref<128xi32, #tpu.memory_space<vmem>>) target_semaphore(%arg27 : memref<!tpu.dma_semaphore, #tpu.memory_space<semaphore_mem>>)
    %dma_start3A_35 = arith.constant 2 : i32
    %dma_start3A_36 = arith.constant 0 : i32
    %dma_start3A_37 = tpu.memref_slice %arg4[%add3A, %dma_start3A_35, %dma_start3A_36] : memref<32x81x128xi32, #tpu.memory_space<hbm>> -> memref<1x1x128xi32, #tpu.memory_space<hbm>>
    %dma_start3A_38 = tpu.memref_squeeze %dma_start3A_37 : memref<1x1x128xi32, #tpu.memory_space<hbm>> -> memref<128xi32, #tpu.memory_space<hbm>>
    %dma_start3A_39 = arith.constant 0 : i32
    %dma_start3A_40 = tpu.memref_slice %arg4[%add3A, %dma_start3A_35, %dma_start3A_39] : memref<32x81x128xi32, #tpu.memory_space<hbm>> -> memref<1x1x128xi32, #tpu.memory_space<hbm>>
    %dma_start3A_41 = tpu.memref_squeeze %dma_start3A_40 : memref<1x1x128xi32, #tpu.memory_space<hbm>> -> memref<128xi32, #tpu.memory_space<hbm>>
    tpu.enqueue_dma source(%dma_start3A_41 : memref<128xi32, #tpu.memory_space<hbm>>) target(%arg13 : memref<128xi32, #tpu.memory_space<vmem>>) target_semaphore(%arg28 : memref<!tpu.dma_semaphore, #tpu.memory_space<semaphore_mem>>)
    %dma_wait3A = arith.constant 0 : i32
    %dma_wait3A_42 = arith.constant 0 : i32
    %dma_wait3A_43 = tpu.memref_slice %arg3[%add3A, %dma_wait3A, %dma_wait3A_42] : memref<32x81x128xi32, #tpu.memory_space<hbm>> -> memref<1x1x128xi32, #tpu.memory_space<hbm>>
    %dma_wait3A_44 = tpu.memref_squeeze %dma_wait3A_43 : memref<1x1x128xi32, #tpu.memory_space<hbm>> -> memref<128xi32, #tpu.memory_space<hbm>>
    %dma_wait3A_45 = arith.constant 0 : i32
    %dma_wait3A_46 = tpu.memref_slice %arg3[%add3A, %dma_wait3A, %dma_wait3A_45] : memref<32x81x128xi32, #tpu.memory_space<hbm>> -> memref<1x1x128xi32, #tpu.memory_space<hbm>>
    %dma_wait3A_47 = tpu.memref_squeeze %dma_wait3A_46 : memref<1x1x128xi32, #tpu.memory_space<hbm>> -> memref<128xi32, #tpu.memory_space<hbm>>
    tpu.wait_dma2 semaphore(%arg23 : memref<!tpu.dma_semaphore, #tpu.memory_space<semaphore_mem>>) src(%dma_wait3A_47 : memref<128xi32, #tpu.memory_space<hbm>>) dst(%arg8 : memref<128xi32, #tpu.memory_space<vmem>>)
    %dma_start3A_48 = arith.constant 0 : i32
    %dma_start3A_49 = arith.constant 0 : i32
    %dma_start3A_50 = tpu.memref_slice %arg2[%dma_start3A_48, %dma_start3A_49] : memref<10000x128xf32, #tpu.memory_space<hbm>> -> memref<10000x128xf32, #tpu.memory_space<hbm>>
    tpu.enqueue_indirect_dma source(%dma_start3A_50 : memref<10000x128xf32, #tpu.memory_space<hbm>>) target(%arg14 : memref<128x128xf32, #tpu.memory_space<vmem>>) offsets(%arg8 : memref<128xi32, #tpu.memory_space<vmem>>) semaphore(%arg17 : memref<!tpu.dma_semaphore, #tpu.memory_space<semaphore_mem>>)
    %dma_wait3A_51 = arith.constant 1 : i32
    %dma_wait3A_52 = arith.constant 0 : i32
    %dma_wait3A_53 = tpu.memref_slice %arg3[%add3A, %dma_wait3A_51, %dma_wait3A_52] : memref<32x81x128xi32, #tpu.memory_space<hbm>> -> memref<1x1x128xi32, #tpu.memory_space<hbm>>
    %dma_wait3A_54 = tpu.memref_squeeze %dma_wait3A_53 : memref<1x1x128xi32, #tpu.memory_space<hbm>> -> memref<128xi32, #tpu.memory_space<hbm>>
    %dma_wait3A_55 = arith.constant 0 : i32
    %dma_wait3A_56 = tpu.memref_slice %arg3[%add3A, %dma_wait3A_51, %dma_wait3A_55] : memref<32x81x128xi32, #tpu.memory_space<hbm>> -> memref<1x1x128xi32, #tpu.memory_space<hbm>>
    %dma_wait3A_57 = tpu.memref_squeeze %dma_wait3A_56 : memref<1x1x128xi32, #tpu.memory_space<hbm>> -> memref<128xi32, #tpu.memory_space<hbm>>
    tpu.wait_dma2 semaphore(%arg24 : memref<!tpu.dma_semaphore, #tpu.memory_space<semaphore_mem>>) src(%dma_wait3A_57 : memref<128xi32, #tpu.memory_space<hbm>>) dst(%arg9 : memref<128xi32, #tpu.memory_space<vmem>>)
    %dma_start3A_58 = arith.constant 0 : i32
    %dma_start3A_59 = arith.constant 0 : i32
    %dma_start3A_60 = tpu.memref_slice %arg2[%dma_start3A_58, %dma_start3A_59] : memref<10000x128xf32, #tpu.memory_space<hbm>> -> memref<10000x128xf32, #tpu.memory_space<hbm>>
    tpu.enqueue_indirect_dma source(%dma_start3A_60 : memref<10000x128xf32, #tpu.memory_space<hbm>>) target(%arg15 : memref<128x128xf32, #tpu.memory_space<vmem>>) offsets(%arg9 : memref<128xi32, #tpu.memory_space<vmem>>) semaphore(%arg18 : memref<!tpu.dma_semaphore, #tpu.memory_space<semaphore_mem>>)
    %dma_wait3A_61 = arith.constant 2 : i32
    %dma_wait3A_62 = arith.constant 0 : i32
    %dma_wait3A_63 = tpu.memref_slice %arg3[%add3A, %dma_wait3A_61, %dma_wait3A_62] : memref<32x81x128xi32, #tpu.memory_space<hbm>> -> memref<1x1x128xi32, #tpu.memory_space<hbm>>
    %dma_wait3A_64 = tpu.memref_squeeze %dma_wait3A_63 : memref<1x1x128xi32, #tpu.memory_space<hbm>> -> memref<128xi32, #tpu.memory_space<hbm>>
    %dma_wait3A_65 = arith.constant 0 : i32
    %dma_wait3A_66 = tpu.memref_slice %arg3[%add3A, %dma_wait3A_61, %dma_wait3A_65] : memref<32x81x128xi32, #tpu.memory_space<hbm>> -> memref<1x1x128xi32, #tpu.memory_space<hbm>>
    %dma_wait3A_67 = tpu.memref_squeeze %dma_wait3A_66 : memref<1x1x128xi32, #tpu.memory_space<hbm>> -> memref<128xi32, #tpu.memory_space<hbm>>
    tpu.wait_dma2 semaphore(%arg25 : memref<!tpu.dma_semaphore, #tpu.memory_space<semaphore_mem>>) src(%dma_wait3A_67 : memref<128xi32, #tpu.memory_space<hbm>>) dst(%arg10 : memref<128xi32, #tpu.memory_space<vmem>>)
    %dma_start3A_68 = arith.constant 0 : i32
    %dma_start3A_69 = arith.constant 0 : i32
    %dma_start3A_70 = tpu.memref_slice %arg2[%dma_start3A_68, %dma_start3A_69] : memref<10000x128xf32, #tpu.memory_space<hbm>> -> memref<10000x128xf32, #tpu.memory_space<hbm>>
    tpu.enqueue_indirect_dma source(%dma_start3A_70 : memref<10000x128xf32, #tpu.memory_space<hbm>>) target(%arg16 : memref<128x128xf32, #tpu.memory_space<vmem>>) offsets(%arg10 : memref<128xi32, #tpu.memory_space<vmem>>) semaphore(%arg19 : memref<!tpu.dma_semaphore, #tpu.memory_space<semaphore_mem>>)
    %mul3A_71 = arith.constant 632 : i32
    %mul3A_72 = arith.muli %arg1, %mul3A_71 : i32
    "tpu.region"() ({
      %run_scoped3A = tpu.sem_alloc : memref<!tpu.dma_semaphore, #tpu.memory_space<semaphore_mem>>
      %dma_start3A_118 = arith.constant 0 : i32
      %dma_start3A_119 = tpu.memref_slice %arg7[%mul3A_72, %dma_start3A_118] : memref<10112x128xf32, #tpu.memory_space<vmem_shared>> -> memref<632x128xf32, #tpu.memory_space<vmem_shared>>
      tpu.enqueue_dma source(%arg5 : memref<632x128xf32, #tpu.memory_space<hbm>>) target(%dma_start3A_119 : memref<632x128xf32, #tpu.memory_space<vmem_shared>>) target_semaphore(%run_scoped3A : memref<!tpu.dma_semaphore, #tpu.memory_space<semaphore_mem>>)
      %dma_wait3A_120 = arith.constant 0 : i32
      %dma_wait3A_121 = tpu.memref_slice %arg7[%mul3A_72, %dma_wait3A_120] : memref<10112x128xf32, #tpu.memory_space<vmem_shared>> -> memref<632x128xf32, #tpu.memory_space<vmem_shared>>
      tpu.wait_dma2 semaphore(%run_scoped3A : memref<!tpu.dma_semaphore, #tpu.memory_space<semaphore_mem>>) src(%arg5 : memref<632x128xf32, #tpu.memory_space<hbm>>) dst(%dma_wait3A_121 : memref<632x128xf32, #tpu.memory_space<vmem_shared>>)
      tpu.yield
    }) : () -> ()
    %barrier3A = arith.constant 0 : index
    tpu.barrier barrier_id(%barrier3A)
    %scan3A = arith.constant 0 : i32
    %scan3A_73 = arith.constant 1 : i32
    %scan3A_74 = arith.constant 2 : i32
    %scan3A_75 = arith.constant 0 : i32
    %scan3A_76 = arith.constant 1 : i32
    %scan3A_77 = arith.constant 2 : i32
    %scan3A_78 = arith.constant 0 : i32
    %scan3A_79 = arith.constant 27 : i32
    %scan3A_80 = arith.addi %scan3A_78, %scan3A_79 : i32
    %scan3A_81 = arith.constant 1 : i32
    scf.for %scan3A_118 = %scan3A_78 to %scan3A_80 step %scan3A_81  : i32 {
      %mul3A_119 = arith.constant 1 : i32
      %mul3A_120 = arith.muli %scan3A_118, %mul3A_119 : i32
      %add3A_121 = arith.constant 0 : i32
      %add3A_122 = arith.addi %add3A_121, %mul3A_120 : i32
      %mul3A_123 = arith.constant 3 : i32
      %mul3A_124 = arith.muli %add3A_122, %mul3A_123 : i32
      %dma_wait3A_125 = arith.constant 0 : i32
      %dma_wait3A_126 = arith.constant 0 : i32
      %dma_wait3A_127 = tpu.memref_slice %arg2[%dma_wait3A_125, %dma_wait3A_126] : memref<10000x128xf32, #tpu.memory_space<hbm>> -> memref<10000x128xf32, #tpu.memory_space<hbm>>
      tpu.wait_indirect_dma semaphore(%arg17 : memref<!tpu.dma_semaphore, #tpu.memory_space<semaphore_mem>>) src(%dma_wait3A_127 : memref<10000x128xf32, #tpu.memory_space<hbm>>) dst(%arg14 : memref<128x128xf32, #tpu.memory_space<vmem>>)
      %dma_wait3A_128 = arith.constant 0 : i32
      %dma_wait3A_129 = tpu.memref_slice %arg4[%add3A, %scan3A, %dma_wait3A_128] : memref<32x81x128xi32, #tpu.memory_space<hbm>> -> memref<1x1x128xi32, #tpu.memory_space<hbm>>
      %dma_wait3A_130 = tpu.memref_squeeze %dma_wait3A_129 : memref<1x1x128xi32, #tpu.memory_space<hbm>> -> memref<128xi32, #tpu.memory_space<hbm>>
      %dma_wait3A_131 = arith.constant 0 : i32
      %dma_wait3A_132 = tpu.memref_slice %arg4[%add3A, %scan3A, %dma_wait3A_131] : memref<32x81x128xi32, #tpu.memory_space<hbm>> -> memref<1x1x128xi32, #tpu.memory_space<hbm>>
      %dma_wait3A_133 = tpu.memref_squeeze %dma_wait3A_132 : memref<1x1x128xi32, #tpu.memory_space<hbm>> -> memref<128xi32, #tpu.memory_space<hbm>>
      tpu.wait_dma2 semaphore(%arg26 : memref<!tpu.dma_semaphore, #tpu.memory_space<semaphore_mem>>) src(%dma_wait3A_133 : memref<128xi32, #tpu.memory_space<hbm>>) dst(%arg11 : memref<128xi32, #tpu.memory_space<vmem>>)
      %dma_start3A_134 = arith.constant 0 : i32
      %dma_start3A_135 = arith.constant 0 : i32
      %dma_start3A_136 = tpu.memref_slice %arg7[%dma_start3A_134, %dma_start3A_135] : memref<10112x128xf32, #tpu.memory_space<vmem_shared>> -> memref<10112x128xf32, #tpu.memory_space<vmem_shared>>
      tpu.enqueue_indirect_dma source(%arg14 : memref<128x128xf32, #tpu.memory_space<vmem>>) target(%dma_start3A_136 : memref<10112x128xf32, #tpu.memory_space<vmem_shared>>) offsets(%arg11 : memref<128xi32, #tpu.memory_space<vmem>>) semaphore(%arg20 : memref<!tpu.dma_semaphore, #tpu.memory_space<semaphore_mem>>) {add = true}
      %add3A_137 = arith.constant 3 : i32
      %add3A_138 = arith.addi %mul3A_124, %add3A_137 : i32
      %add3A_139 = arith.constant 0 : i32
      %add3A_140 = arith.addi %add3A_138, %add3A_139 : i32
      %rem3A = arith.constant 81 : i32
      %rem3A_141 = arith.remsi %add3A_140, %rem3A : i32
      %dma_start3A_142 = arith.constant 0 : i32
      %dma_start3A_143 = tpu.memref_slice %arg3[%add3A, %rem3A_141, %dma_start3A_142] : memref<32x81x128xi32, #tpu.memory_space<hbm>> -> memref<1x1x128xi32, #tpu.memory_space<hbm>>
      %dma_start3A_144 = tpu.memref_squeeze %dma_start3A_143 : memref<1x1x128xi32, #tpu.memory_space<hbm>> -> memref<128xi32, #tpu.memory_space<hbm>>
      %dma_start3A_145 = arith.constant 0 : i32
      %dma_start3A_146 = tpu.memref_slice %arg3[%add3A, %rem3A_141, %dma_start3A_145] : memref<32x81x128xi32, #tpu.memory_space<hbm>> -> memref<1x1x128xi32, #tpu.memory_space<hbm>>
      %dma_start3A_147 = tpu.memref_squeeze %dma_start3A_146 : memref<1x1x128xi32, #tpu.memory_space<hbm>> -> memref<128xi32, #tpu.memory_space<hbm>>
      tpu.enqueue_dma source(%dma_start3A_147 : memref<128xi32, #tpu.memory_space<hbm>>) target(%arg8 : memref<128xi32, #tpu.memory_space<vmem>>) target_semaphore(%arg23 : memref<!tpu.dma_semaphore, #tpu.memory_space<semaphore_mem>>)
      %dma_wait3A_148 = arith.constant 0 : i32
      %dma_wait3A_149 = arith.constant 0 : i32
      %dma_wait3A_150 = tpu.memref_slice %arg2[%dma_wait3A_148, %dma_wait3A_149] : memref<10000x128xf32, #tpu.memory_space<hbm>> -> memref<10000x128xf32, #tpu.memory_space<hbm>>
      tpu.wait_indirect_dma semaphore(%arg18 : memref<!tpu.dma_semaphore, #tpu.memory_space<semaphore_mem>>) src(%dma_wait3A_150 : memref<10000x128xf32, #tpu.memory_space<hbm>>) dst(%arg15 : memref<128x128xf32, #tpu.memory_space<vmem>>)
      %dma_wait3A_151 = arith.constant 0 : i32
      %dma_wait3A_152 = tpu.memref_slice %arg4[%add3A, %scan3A_73, %dma_wait3A_151] : memref<32x81x128xi32, #tpu.memory_space<hbm>> -> memref<1x1x128xi32, #tpu.memory_space<hbm>>
      %dma_wait3A_153 = tpu.memref_squeeze %dma_wait3A_152 : memref<1x1x128xi32, #tpu.memory_space<hbm>> -> memref<128xi32, #tpu.memory_space<hbm>>
      %dma_wait3A_154 = arith.constant 0 : i32
      %dma_wait3A_155 = tpu.memref_slice %arg4[%add3A, %scan3A_73, %dma_wait3A_154] : memref<32x81x128xi32, #tpu.memory_space<hbm>> -> memref<1x1x128xi32, #tpu.memory_space<hbm>>
      %dma_wait3A_156 = tpu.memref_squeeze %dma_wait3A_155 : memref<1x1x128xi32, #tpu.memory_space<hbm>> -> memref<128xi32, #tpu.memory_space<hbm>>
      tpu.wait_dma2 semaphore(%arg27 : memref<!tpu.dma_semaphore, #tpu.memory_space<semaphore_mem>>) src(%dma_wait3A_156 : memref<128xi32, #tpu.memory_space<hbm>>) dst(%arg12 : memref<128xi32, #tpu.memory_space<vmem>>)
      %dma_start3A_157 = arith.constant 0 : i32
      %dma_start3A_158 = arith.constant 0 : i32
      %dma_start3A_159 = tpu.memref_slice %arg7[%dma_start3A_157, %dma_start3A_158] : memref<10112x128xf32, #tpu.memory_space<vmem_shared>> -> memref<10112x128xf32, #tpu.memory_space<vmem_shared>>
      tpu.enqueue_indirect_dma source(%arg15 : memref<128x128xf32, #tpu.memory_space<vmem>>) target(%dma_start3A_159 : memref<10112x128xf32, #tpu.memory_space<vmem_shared>>) offsets(%arg12 : memref<128xi32, #tpu.memory_space<vmem>>) semaphore(%arg21 : memref<!tpu.dma_semaphore, #tpu.memory_space<semaphore_mem>>) {add = true}
      %add3A_160 = arith.constant 3 : i32
      %add3A_161 = arith.addi %mul3A_124, %add3A_160 : i32
      %add3A_162 = arith.constant 1 : i32
      %add3A_163 = arith.addi %add3A_161, %add3A_162 : i32
      %rem3A_164 = arith.constant 81 : i32
      %rem3A_165 = arith.remsi %add3A_163, %rem3A_164 : i32
      %dma_start3A_166 = arith.constant 0 : i32
      %dma_start3A_167 = tpu.memref_slice %arg3[%add3A, %rem3A_165, %dma_start3A_166] : memref<32x81x128xi32, #tpu.memory_space<hbm>> -> memref<1x1x128xi32, #tpu.memory_space<hbm>>
      %dma_start3A_168 = tpu.memref_squeeze %dma_start3A_167 : memref<1x1x128xi32, #tpu.memory_space<hbm>> -> memref<128xi32, #tpu.memory_space<hbm>>
      %dma_start3A_169 = arith.constant 0 : i32
      %dma_start3A_170 = tpu.memref_slice %arg3[%add3A, %rem3A_165, %dma_start3A_169] : memref<32x81x128xi32, #tpu.memory_space<hbm>> -> memref<1x1x128xi32, #tpu.memory_space<hbm>>
      %dma_start3A_171 = tpu.memref_squeeze %dma_start3A_170 : memref<1x1x128xi32, #tpu.memory_space<hbm>> -> memref<128xi32, #tpu.memory_space<hbm>>
      tpu.enqueue_dma source(%dma_start3A_171 : memref<128xi32, #tpu.memory_space<hbm>>) target(%arg9 : memref<128xi32, #tpu.memory_space<vmem>>) target_semaphore(%arg24 : memref<!tpu.dma_semaphore, #tpu.memory_space<semaphore_mem>>)
      %dma_wait3A_172 = arith.constant 0 : i32
      %dma_wait3A_173 = arith.constant 0 : i32
      %dma_wait3A_174 = tpu.memref_slice %arg2[%dma_wait3A_172, %dma_wait3A_173] : memref<10000x128xf32, #tpu.memory_space<hbm>> -> memref<10000x128xf32, #tpu.memory_space<hbm>>
      tpu.wait_indirect_dma semaphore(%arg19 : memref<!tpu.dma_semaphore, #tpu.memory_space<semaphore_mem>>) src(%dma_wait3A_174 : memref<10000x128xf32, #tpu.memory_space<hbm>>) dst(%arg16 : memref<128x128xf32, #tpu.memory_space<vmem>>)
      %dma_wait3A_175 = arith.constant 0 : i32
      %dma_wait3A_176 = tpu.memref_slice %arg4[%add3A, %scan3A_74, %dma_wait3A_175] : memref<32x81x128xi32, #tpu.memory_space<hbm>> -> memref<1x1x128xi32, #tpu.memory_space<hbm>>
      %dma_wait3A_177 = tpu.memref_squeeze %dma_wait3A_176 : memref<1x1x128xi32, #tpu.memory_space<hbm>> -> memref<128xi32, #tpu.memory_space<hbm>>
      %dma_wait3A_178 = arith.constant 0 : i32
      %dma_wait3A_179 = tpu.memref_slice %arg4[%add3A, %scan3A_74, %dma_wait3A_178] : memref<32x81x128xi32, #tpu.memory_space<hbm>> -> memref<1x1x128xi32, #tpu.memory_space<hbm>>
      %dma_wait3A_180 = tpu.memref_squeeze %dma_wait3A_179 : memref<1x1x128xi32, #tpu.memory_space<hbm>> -> memref<128xi32, #tpu.memory_space<hbm>>
      tpu.wait_dma2 semaphore(%arg28 : memref<!tpu.dma_semaphore, #tpu.memory_space<semaphore_mem>>) src(%dma_wait3A_180 : memref<128xi32, #tpu.memory_space<hbm>>) dst(%arg13 : memref<128xi32, #tpu.memory_space<vmem>>)
      %dma_start3A_181 = arith.constant 0 : i32
      %dma_start3A_182 = arith.constant 0 : i32
      %dma_start3A_183 = tpu.memref_slice %arg7[%dma_start3A_181, %dma_start3A_182] : memref<10112x128xf32, #tpu.memory_space<vmem_shared>> -> memref<10112x128xf32, #tpu.memory_space<vmem_shared>>
      tpu.enqueue_indirect_dma source(%arg16 : memref<128x128xf32, #tpu.memory_space<vmem>>) target(%dma_start3A_183 : memref<10112x128xf32, #tpu.memory_space<vmem_shared>>) offsets(%arg13 : memref<128xi32, #tpu.memory_space<vmem>>) semaphore(%arg22 : memref<!tpu.dma_semaphore, #tpu.memory_space<semaphore_mem>>) {add = true}
      %add3A_184 = arith.constant 3 : i32
      %add3A_185 = arith.addi %mul3A_124, %add3A_184 : i32
      %add3A_186 = arith.constant 2 : i32
      %add3A_187 = arith.addi %add3A_185, %add3A_186 : i32
      %rem3A_188 = arith.constant 81 : i32
      %rem3A_189 = arith.remsi %add3A_187, %rem3A_188 : i32
      %dma_start3A_190 = arith.constant 0 : i32
      %dma_start3A_191 = tpu.memref_slice %arg3[%add3A, %rem3A_189, %dma_start3A_190] : memref<32x81x128xi32, #tpu.memory_space<hbm>> -> memref<1x1x128xi32, #tpu.memory_space<hbm>>
      %dma_start3A_192 = tpu.memref_squeeze %dma_start3A_191 : memref<1x1x128xi32, #tpu.memory_space<hbm>> -> memref<128xi32, #tpu.memory_space<hbm>>
      %dma_start3A_193 = arith.constant 0 : i32
      %dma_start3A_194 = tpu.memref_slice %arg3[%add3A, %rem3A_189, %dma_start3A_193] : memref<32x81x128xi32, #tpu.memory_space<hbm>> -> memref<1x1x128xi32, #tpu.memory_space<hbm>>
      %dma_start3A_195 = tpu.memref_squeeze %dma_start3A_194 : memref<1x1x128xi32, #tpu.memory_space<hbm>> -> memref<128xi32, #tpu.memory_space<hbm>>
      tpu.enqueue_dma source(%dma_start3A_195 : memref<128xi32, #tpu.memory_space<hbm>>) target(%arg10 : memref<128xi32, #tpu.memory_space<vmem>>) target_semaphore(%arg25 : memref<!tpu.dma_semaphore, #tpu.memory_space<semaphore_mem>>)
      %dma_wait3A_196 = arith.constant 0 : i32
      %dma_wait3A_197 = tpu.memref_slice %arg3[%add3A, %scan3A_75, %dma_wait3A_196] : memref<32x81x128xi32, #tpu.memory_space<hbm>> -> memref<1x1x128xi32, #tpu.memory_space<hbm>>
      %dma_wait3A_198 = tpu.memref_squeeze %dma_wait3A_197 : memref<1x1x128xi32, #tpu.memory_space<hbm>> -> memref<128xi32, #tpu.memory_space<hbm>>
      %dma_wait3A_199 = arith.constant 0 : i32
      %dma_wait3A_200 = tpu.memref_slice %arg3[%add3A, %scan3A_75, %dma_wait3A_199] : memref<32x81x128xi32, #tpu.memory_space<hbm>> -> memref<1x1x128xi32, #tpu.memory_space<hbm>>
      %dma_wait3A_201 = tpu.memref_squeeze %dma_wait3A_200 : memref<1x1x128xi32, #tpu.memory_space<hbm>> -> memref<128xi32, #tpu.memory_space<hbm>>
      tpu.wait_dma2 semaphore(%arg23 : memref<!tpu.dma_semaphore, #tpu.memory_space<semaphore_mem>>) src(%dma_wait3A_201 : memref<128xi32, #tpu.memory_space<hbm>>) dst(%arg8 : memref<128xi32, #tpu.memory_space<vmem>>)
      %dma_wait3A_202 = arith.constant 0 : i32
      %dma_wait3A_203 = arith.constant 0 : i32
      %dma_wait3A_204 = tpu.memref_slice %arg7[%dma_wait3A_202, %dma_wait3A_203] : memref<10112x128xf32, #tpu.memory_space<vmem_shared>> -> memref<10112x128xf32, #tpu.memory_space<vmem_shared>>
      tpu.wait_indirect_dma semaphore(%arg20 : memref<!tpu.dma_semaphore, #tpu.memory_space<semaphore_mem>>) src(%arg14 : memref<128x128xf32, #tpu.memory_space<vmem>>) dst(%dma_wait3A_204 : memref<10112x128xf32, #tpu.memory_space<vmem_shared>>)
      %add3A_205 = arith.constant 3 : i32
      %add3A_206 = arith.addi %mul3A_124, %add3A_205 : i32
      %add3A_207 = arith.constant 0 : i32
      %add3A_208 = arith.addi %add3A_206, %add3A_207 : i32
      %rem3A_209 = arith.constant 81 : i32
      %rem3A_210 = arith.remsi %add3A_208, %rem3A_209 : i32
      %dma_start3A_211 = arith.constant 0 : i32
      %dma_start3A_212 = tpu.memref_slice %arg4[%add3A, %rem3A_210, %dma_start3A_211] : memref<32x81x128xi32, #tpu.memory_space<hbm>> -> memref<1x1x128xi32, #tpu.memory_space<hbm>>
      %dma_start3A_213 = tpu.memref_squeeze %dma_start3A_212 : memref<1x1x128xi32, #tpu.memory_space<hbm>> -> memref<128xi32, #tpu.memory_space<hbm>>
      %dma_start3A_214 = arith.constant 0 : i32
      %dma_start3A_215 = tpu.memref_slice %arg4[%add3A, %rem3A_210, %dma_start3A_214] : memref<32x81x128xi32, #tpu.memory_space<hbm>> -> memref<1x1x128xi32, #tpu.memory_space<hbm>>
      %dma_start3A_216 = tpu.memref_squeeze %dma_start3A_215 : memref<1x1x128xi32, #tpu.memory_space<hbm>> -> memref<128xi32, #tpu.memory_space<hbm>>
      tpu.enqueue_dma source(%dma_start3A_216 : memref<128xi32, #tpu.memory_space<hbm>>) target(%arg11 : memref<128xi32, #tpu.memory_space<vmem>>) target_semaphore(%arg26 : memref<!tpu.dma_semaphore, #tpu.memory_space<semaphore_mem>>)
      %dma_start3A_217 = arith.constant 0 : i32
      %dma_start3A_218 = arith.constant 0 : i32
      %dma_start3A_219 = tpu.memref_slice %arg2[%dma_start3A_217, %dma_start3A_218] : memref<10000x128xf32, #tpu.memory_space<hbm>> -> memref<10000x128xf32, #tpu.memory_space<hbm>>
      tpu.enqueue_indirect_dma source(%dma_start3A_219 : memref<10000x128xf32, #tpu.memory_space<hbm>>) target(%arg14 : memref<128x128xf32, #tpu.memory_space<vmem>>) offsets(%arg8 : memref<128xi32, #tpu.memory_space<vmem>>) semaphore(%arg17 : memref<!tpu.dma_semaphore, #tpu.memory_space<semaphore_mem>>)
      %dma_wait3A_220 = arith.constant 0 : i32
      %dma_wait3A_221 = tpu.memref_slice %arg3[%add3A, %scan3A_76, %dma_wait3A_220] : memref<32x81x128xi32, #tpu.memory_space<hbm>> -> memref<1x1x128xi32, #tpu.memory_space<hbm>>
      %dma_wait3A_222 = tpu.memref_squeeze %dma_wait3A_221 : memref<1x1x128xi32, #tpu.memory_space<hbm>> -> memref<128xi32, #tpu.memory_space<hbm>>
      %dma_wait3A_223 = arith.constant 0 : i32
      %dma_wait3A_224 = tpu.memref_slice %arg3[%add3A, %scan3A_76, %dma_wait3A_223] : memref<32x81x128xi32, #tpu.memory_space<hbm>> -> memref<1x1x128xi32, #tpu.memory_space<hbm>>
      %dma_wait3A_225 = tpu.memref_squeeze %dma_wait3A_224 : memref<1x1x128xi32, #tpu.memory_space<hbm>> -> memref<128xi32, #tpu.memory_space<hbm>>
      tpu.wait_dma2 semaphore(%arg24 : memref<!tpu.dma_semaphore, #tpu.memory_space<semaphore_mem>>) src(%dma_wait3A_225 : memref<128xi32, #tpu.memory_space<hbm>>) dst(%arg9 : memref<128xi32, #tpu.memory_space<vmem>>)
      %dma_wait3A_226 = arith.constant 0 : i32
      %dma_wait3A_227 = arith.constant 0 : i32
      %dma_wait3A_228 = tpu.memref_slice %arg7[%dma_wait3A_226, %dma_wait3A_227] : memref<10112x128xf32, #tpu.memory_space<vmem_shared>> -> memref<10112x128xf32, #tpu.memory_space<vmem_shared>>
      tpu.wait_indirect_dma semaphore(%arg21 : memref<!tpu.dma_semaphore, #tpu.memory_space<semaphore_mem>>) src(%arg15 : memref<128x128xf32, #tpu.memory_space<vmem>>) dst(%dma_wait3A_228 : memref<10112x128xf32, #tpu.memory_space<vmem_shared>>)
      %add3A_229 = arith.constant 3 : i32
      %add3A_230 = arith.addi %mul3A_124, %add3A_229 : i32
      %add3A_231 = arith.constant 1 : i32
      %add3A_232 = arith.addi %add3A_230, %add3A_231 : i32
      %rem3A_233 = arith.constant 81 : i32
      %rem3A_234 = arith.remsi %add3A_232, %rem3A_233 : i32
      %dma_start3A_235 = arith.constant 0 : i32
      %dma_start3A_236 = tpu.memref_slice %arg4[%add3A, %rem3A_234, %dma_start3A_235] : memref<32x81x128xi32, #tpu.memory_space<hbm>> -> memref<1x1x128xi32, #tpu.memory_space<hbm>>
      %dma_start3A_237 = tpu.memref_squeeze %dma_start3A_236 : memref<1x1x128xi32, #tpu.memory_space<hbm>> -> memref<128xi32, #tpu.memory_space<hbm>>
      %dma_start3A_238 = arith.constant 0 : i32
      %dma_start3A_239 = tpu.memref_slice %arg4[%add3A, %rem3A_234, %dma_start3A_238] : memref<32x81x128xi32, #tpu.memory_space<hbm>> -> memref<1x1x128xi32, #tpu.memory_space<hbm>>
      %dma_start3A_240 = tpu.memref_squeeze %dma_start3A_239 : memref<1x1x128xi32, #tpu.memory_space<hbm>> -> memref<128xi32, #tpu.memory_space<hbm>>
      tpu.enqueue_dma source(%dma_start3A_240 : memref<128xi32, #tpu.memory_space<hbm>>) target(%arg12 : memref<128xi32, #tpu.memory_space<vmem>>) target_semaphore(%arg27 : memref<!tpu.dma_semaphore, #tpu.memory_space<semaphore_mem>>)
      %dma_start3A_241 = arith.constant 0 : i32
      %dma_start3A_242 = arith.constant 0 : i32
      %dma_start3A_243 = tpu.memref_slice %arg2[%dma_start3A_241, %dma_start3A_242] : memref<10000x128xf32, #tpu.memory_space<hbm>> -> memref<10000x128xf32, #tpu.memory_space<hbm>>
      tpu.enqueue_indirect_dma source(%dma_start3A_243 : memref<10000x128xf32, #tpu.memory_space<hbm>>) target(%arg15 : memref<128x128xf32, #tpu.memory_space<vmem>>) offsets(%arg9 : memref<128xi32, #tpu.memory_space<vmem>>) semaphore(%arg18 : memref<!tpu.dma_semaphore, #tpu.memory_space<semaphore_mem>>)
      %dma_wait3A_244 = arith.constant 0 : i32
      %dma_wait3A_245 = tpu.memref_slice %arg3[%add3A, %scan3A_77, %dma_wait3A_244] : memref<32x81x128xi32, #tpu.memory_space<hbm>> -> memref<1x1x128xi32, #tpu.memory_space<hbm>>
      %dma_wait3A_246 = tpu.memref_squeeze %dma_wait3A_245 : memref<1x1x128xi32, #tpu.memory_space<hbm>> -> memref<128xi32, #tpu.memory_space<hbm>>
      %dma_wait3A_247 = arith.constant 0 : i32
      %dma_wait3A_248 = tpu.memref_slice %arg3[%add3A, %scan3A_77, %dma_wait3A_247] : memref<32x81x128xi32, #tpu.memory_space<hbm>> -> memref<1x1x128xi32, #tpu.memory_space<hbm>>
      %dma_wait3A_249 = tpu.memref_squeeze %dma_wait3A_248 : memref<1x1x128xi32, #tpu.memory_space<hbm>> -> memref<128xi32, #tpu.memory_space<hbm>>
      tpu.wait_dma2 semaphore(%arg25 : memref<!tpu.dma_semaphore, #tpu.memory_space<semaphore_mem>>) src(%dma_wait3A_249 : memref<128xi32, #tpu.memory_space<hbm>>) dst(%arg10 : memref<128xi32, #tpu.memory_space<vmem>>)
      %dma_wait3A_250 = arith.constant 0 : i32
      %dma_wait3A_251 = arith.constant 0 : i32
      %dma_wait3A_252 = tpu.memref_slice %arg7[%dma_wait3A_250, %dma_wait3A_251] : memref<10112x128xf32, #tpu.memory_space<vmem_shared>> -> memref<10112x128xf32, #tpu.memory_space<vmem_shared>>
      tpu.wait_indirect_dma semaphore(%arg22 : memref<!tpu.dma_semaphore, #tpu.memory_space<semaphore_mem>>) src(%arg16 : memref<128x128xf32, #tpu.memory_space<vmem>>) dst(%dma_wait3A_252 : memref<10112x128xf32, #tpu.memory_space<vmem_shared>>)
      %add3A_253 = arith.constant 3 : i32
      %add3A_254 = arith.addi %mul3A_124, %add3A_253 : i32
      %add3A_255 = arith.constant 2 : i32
      %add3A_256 = arith.addi %add3A_254, %add3A_255 : i32
      %rem3A_257 = arith.constant 81 : i32
      %rem3A_258 = arith.remsi %add3A_256, %rem3A_257 : i32
      %dma_start3A_259 = arith.constant 0 : i32
      %dma_start3A_260 = tpu.memref_slice %arg4[%add3A, %rem3A_258, %dma_start3A_259] : memref<32x81x128xi32, #tpu.memory_space<hbm>> -> memref<1x1x128xi32, #tpu.memory_space<hbm>>
      %dma_start3A_261 = tpu.memref_squeeze %dma_start3A_260 : memref<1x1x128xi32, #tpu.memory_space<hbm>> -> memref<128xi32, #tpu.memory_space<hbm>>
      %dma_start3A_262 = arith.constant 0 : i32
      %dma_start3A_263 = tpu.memref_slice %arg4[%add3A, %rem3A_258, %dma_start3A_262] : memref<32x81x128xi32, #tpu.memory_space<hbm>> -> memref<1x1x128xi32, #tpu.memory_space<hbm>>
      %dma_start3A_264 = tpu.memref_squeeze %dma_start3A_263 : memref<1x1x128xi32, #tpu.memory_space<hbm>> -> memref<128xi32, #tpu.memory_space<hbm>>
      tpu.enqueue_dma source(%dma_start3A_264 : memref<128xi32, #tpu.memory_space<hbm>>) target(%arg13 : memref<128xi32, #tpu.memory_space<vmem>>) target_semaphore(%arg28 : memref<!tpu.dma_semaphore, #tpu.memory_space<semaphore_mem>>)
      %dma_start3A_265 = arith.constant 0 : i32
      %dma_start3A_266 = arith.constant 0 : i32
      %dma_start3A_267 = tpu.memref_slice %arg2[%dma_start3A_265, %dma_start3A_266] : memref<10000x128xf32, #tpu.memory_space<hbm>> -> memref<10000x128xf32, #tpu.memory_space<hbm>>
      tpu.enqueue_indirect_dma source(%dma_start3A_267 : memref<10000x128xf32, #tpu.memory_space<hbm>>) target(%arg16 : memref<128x128xf32, #tpu.memory_space<vmem>>) offsets(%arg10 : memref<128xi32, #tpu.memory_space<vmem>>) semaphore(%arg19 : memref<!tpu.dma_semaphore, #tpu.memory_space<semaphore_mem>>)
    }
    %scan3A_82 = arith.constant 27 : i32
    %dma_wait3A_83 = arith.constant 0 : i32
    %dma_wait3A_84 = arith.constant 0 : i32
    %dma_wait3A_85 = tpu.memref_slice %arg2[%dma_wait3A_83, %dma_wait3A_84] : memref<10000x128xf32, #tpu.memory_space<hbm>> -> memref<10000x128xf32, #tpu.memory_space<hbm>>
    tpu.wait_indirect_dma semaphore(%arg17 : memref<!tpu.dma_semaphore, #tpu.memory_space<semaphore_mem>>) src(%dma_wait3A_85 : memref<10000x128xf32, #tpu.memory_space<hbm>>) dst(%arg14 : memref<128x128xf32, #tpu.memory_space<vmem>>)
    %dma_wait3A_86 = arith.constant 0 : i32
    %dma_wait3A_87 = arith.constant 0 : i32
    %dma_wait3A_88 = tpu.memref_slice %arg4[%add3A, %dma_wait3A_86, %dma_wait3A_87] : memref<32x81x128xi32, #tpu.memory_space<hbm>> -> memref<1x1x128xi32, #tpu.memory_space<hbm>>
    %dma_wait3A_89 = tpu.memref_squeeze %dma_wait3A_88 : memref<1x1x128xi32, #tpu.memory_space<hbm>> -> memref<128xi32, #tpu.memory_space<hbm>>
    %dma_wait3A_90 = arith.constant 0 : i32
    %dma_wait3A_91 = tpu.memref_slice %arg4[%add3A, %dma_wait3A_86, %dma_wait3A_90] : memref<32x81x128xi32, #tpu.memory_space<hbm>> -> memref<1x1x128xi32, #tpu.memory_space<hbm>>
    %dma_wait3A_92 = tpu.memref_squeeze %dma_wait3A_91 : memref<1x1x128xi32, #tpu.memory_space<hbm>> -> memref<128xi32, #tpu.memory_space<hbm>>
    tpu.wait_dma2 semaphore(%arg26 : memref<!tpu.dma_semaphore, #tpu.memory_space<semaphore_mem>>) src(%dma_wait3A_92 : memref<128xi32, #tpu.memory_space<hbm>>) dst(%arg11 : memref<128xi32, #tpu.memory_space<vmem>>)
    %dma_wait3A_93 = arith.constant 0 : i32
    %dma_wait3A_94 = arith.constant 0 : i32
    %dma_wait3A_95 = tpu.memref_slice %arg2[%dma_wait3A_93, %dma_wait3A_94] : memref<10000x128xf32, #tpu.memory_space<hbm>> -> memref<10000x128xf32, #tpu.memory_space<hbm>>
    tpu.wait_indirect_dma semaphore(%arg18 : memref<!tpu.dma_semaphore, #tpu.memory_space<semaphore_mem>>) src(%dma_wait3A_95 : memref<10000x128xf32, #tpu.memory_space<hbm>>) dst(%arg15 : memref<128x128xf32, #tpu.memory_space<vmem>>)
    %dma_wait3A_96 = arith.constant 1 : i32
    %dma_wait3A_97 = arith.constant 0 : i32
    %dma_wait3A_98 = tpu.memref_slice %arg4[%add3A, %dma_wait3A_96, %dma_wait3A_97] : memref<32x81x128xi32, #tpu.memory_space<hbm>> -> memref<1x1x128xi32, #tpu.memory_space<hbm>>
    %dma_wait3A_99 = tpu.memref_squeeze %dma_wait3A_98 : memref<1x1x128xi32, #tpu.memory_space<hbm>> -> memref<128xi32, #tpu.memory_space<hbm>>
    %dma_wait3A_100 = arith.constant 0 : i32
    %dma_wait3A_101 = tpu.memref_slice %arg4[%add3A, %dma_wait3A_96, %dma_wait3A_100] : memref<32x81x128xi32, #tpu.memory_space<hbm>> -> memref<1x1x128xi32, #tpu.memory_space<hbm>>
    %dma_wait3A_102 = tpu.memref_squeeze %dma_wait3A_101 : memref<1x1x128xi32, #tpu.memory_space<hbm>> -> memref<128xi32, #tpu.memory_space<hbm>>
    tpu.wait_dma2 semaphore(%arg27 : memref<!tpu.dma_semaphore, #tpu.memory_space<semaphore_mem>>) src(%dma_wait3A_102 : memref<128xi32, #tpu.memory_space<hbm>>) dst(%arg12 : memref<128xi32, #tpu.memory_space<vmem>>)
    %dma_wait3A_103 = arith.constant 0 : i32
    %dma_wait3A_104 = arith.constant 0 : i32
    %dma_wait3A_105 = tpu.memref_slice %arg2[%dma_wait3A_103, %dma_wait3A_104] : memref<10000x128xf32, #tpu.memory_space<hbm>> -> memref<10000x128xf32, #tpu.memory_space<hbm>>
    tpu.wait_indirect_dma semaphore(%arg19 : memref<!tpu.dma_semaphore, #tpu.memory_space<semaphore_mem>>) src(%dma_wait3A_105 : memref<10000x128xf32, #tpu.memory_space<hbm>>) dst(%arg16 : memref<128x128xf32, #tpu.memory_space<vmem>>)
    %dma_wait3A_106 = arith.constant 2 : i32
    %dma_wait3A_107 = arith.constant 0 : i32
    %dma_wait3A_108 = tpu.memref_slice %arg4[%add3A, %dma_wait3A_106, %dma_wait3A_107] : memref<32x81x128xi32, #tpu.memory_space<hbm>> -> memref<1x1x128xi32, #tpu.memory_space<hbm>>
    %dma_wait3A_109 = tpu.memref_squeeze %dma_wait3A_108 : memref<1x1x128xi32, #tpu.memory_space<hbm>> -> memref<128xi32, #tpu.memory_space<hbm>>
    %dma_wait3A_110 = arith.constant 0 : i32
    %dma_wait3A_111 = tpu.memref_slice %arg4[%add3A, %dma_wait3A_106, %dma_wait3A_110] : memref<32x81x128xi32, #tpu.memory_space<hbm>> -> memref<1x1x128xi32, #tpu.memory_space<hbm>>
    %dma_wait3A_112 = tpu.memref_squeeze %dma_wait3A_111 : memref<1x1x128xi32, #tpu.memory_space<hbm>> -> memref<128xi32, #tpu.memory_space<hbm>>
    tpu.wait_dma2 semaphore(%arg28 : memref<!tpu.dma_semaphore, #tpu.memory_space<semaphore_mem>>) src(%dma_wait3A_112 : memref<128xi32, #tpu.memory_space<hbm>>) dst(%arg13 : memref<128xi32, #tpu.memory_space<vmem>>)
    %barrier3A_113 = arith.constant 0 : index
    tpu.barrier barrier_id(%barrier3A_113)
    %mul3A_114 = arith.constant 632 : i32
    %mul3A_115 = arith.muli %arg1, %mul3A_114 : i32
    %mul3A_116 = arith.constant 632 : i32
    %mul3A_117 = arith.muli %arg1, %mul3A_116 : i32
    "tpu.region"() ({
      %run_scoped3A = tpu.sem_alloc : memref<!tpu.dma_semaphore, #tpu.memory_space<semaphore_mem>>
      %dma_start3A_118 = arith.constant 0 : i32
      %dma_start3A_119 = tpu.memref_slice %arg6[%arg0, %mul3A_117, %dma_start3A_118] : memref<2x10112x128xf32, #tpu.memory_space<hbm>> -> memref<1x632x128xf32, #tpu.memory_space<hbm>>
      %dma_start3A_120 = tpu.memref_squeeze %dma_start3A_119 : memref<1x632x128xf32, #tpu.memory_space<hbm>> -> memref<632x128xf32, #tpu.memory_space<hbm>>
      %dma_start3A_121 = arith.constant 0 : i32
      %dma_start3A_122 = tpu.memref_slice %arg7[%mul3A_115, %dma_start3A_121] : memref<10112x128xf32, #tpu.memory_space<vmem_shared>> -> memref<632x128xf32, #tpu.memory_space<vmem_shared>>
      tpu.enqueue_dma source(%dma_start3A_122 : memref<632x128xf32, #tpu.memory_space<vmem_shared>>) target(%dma_start3A_120 : memref<632x128xf32, #tpu.memory_space<hbm>>) target_semaphore(%run_scoped3A : memref<!tpu.dma_semaphore, #tpu.memory_space<semaphore_mem>>)
      %dma_wait3A_123 = arith.constant 0 : i32
      %dma_wait3A_124 = tpu.memref_slice %arg6[%arg0, %mul3A_117, %dma_wait3A_123] : memref<2x10112x128xf32, #tpu.memory_space<hbm>> -> memref<1x632x128xf32, #tpu.memory_space<hbm>>
      %dma_wait3A_125 = tpu.memref_squeeze %dma_wait3A_124 : memref<1x632x128xf32, #tpu.memory_space<hbm>> -> memref<632x128xf32, #tpu.memory_space<hbm>>
      %dma_wait3A_126 = arith.constant 0 : i32
      %dma_wait3A_127 = tpu.memref_slice %arg7[%mul3A_115, %dma_wait3A_126] : memref<10112x128xf32, #tpu.memory_space<vmem_shared>> -> memref<632x128xf32, #tpu.memory_space<vmem_shared>>
      tpu.wait_dma2 semaphore(%run_scoped3A : memref<!tpu.dma_semaphore, #tpu.memory_space<semaphore_mem>>) src(%dma_wait3A_127 : memref<632x128xf32, #tpu.memory_space<vmem_shared>>) dst(%dma_wait3A_125 : memref<632x128xf32, #tpu.memory_space<hbm>>)
      tpu.yield
    }) : () -> ()
    return
  }
}

module attributes {stable_mosaic.version = 14 : i64} {
  func.func @body(%arg0: i32, %arg1: memref<2x2000x128xf32, #tpu.memory_space<vmem>>, %arg2: memref<2000x128xf32, #tpu.memory_space<vmem>>, %arg3: memref<2000x128xf32, #tpu.memory_space<vmem>>) attributes {dimension_semantics = [#tpu.dimension_semantics<arbitrary>], iteration_bounds = array<i64: 5>, scalar_prefetch = 0 : i64, scratch_operands = 0 : i64, tpu.core_type = #tpu.core_type<tc>, window_params = [{transform_indices = @transform_0, window_bounds = array<i64: 2, 2000, 128>}, {transform_indices = @transform_1, window_bounds = array<i64: 2000, 128>}, {transform_indices = @transform_2, window_bounds = array<i64: 2000, 128>}]} {
    %get3A = arith.constant 0 : index
    %get3A_0 = arith.constant 0 : index
    %get3A_1 = arith.constant 0 : index
    %get3A_2 = vector.load %arg1[%get3A, %get3A_0, %get3A_1] : memref<2x2000x128xf32, #tpu.memory_space<vmem>>, vector<2x2000x128xf32>
    %slice3A = vector.extract_strided_slice %get3A_2 {offsets = [0, 0, 0], sizes = [1, 2000, 1], strides = [1, 1, 1]} : vector<2x2000x128xf32> to vector<1x2000x1xf32>
    %squeeze3A = vector.shape_cast %slice3A : vector<1x2000x1xf32> to vector<2000xf32>
    %slice3A_3 = vector.extract_strided_slice %get3A_2 {offsets = [1, 0, 0], sizes = [1, 2000, 1], strides = [1, 1, 1]} : vector<2x2000x128xf32> to vector<1x2000x1xf32>
    %squeeze3A_4 = vector.shape_cast %slice3A_3 : vector<1x2000x1xf32> to vector<2000xf32>
    %add3A = arith.addf %squeeze3A, %squeeze3A_4 : vector<2000xf32>
    %max3A = arith.constant 1.000000e+00 : f32
    %max3A_5 = vector.broadcast %max3A : f32 to vector<2000xf32>
    %max3A_6 = arith.maximumf %add3A, %max3A_5 : vector<2000xf32>
    %rsqrt3A = math.rsqrt %max3A_6 : vector<2000xf32>
    %get3A_7 = arith.constant 0 : index
    %get3A_8 = arith.constant 0 : index
    %get3A_9 = vector.load %arg2[%get3A_7, %get3A_8] : memref<2000x128xf32, #tpu.memory_space<vmem>>, vector<2000x128xf32>
    %broadcast_in_dim3A = vector.shape_cast %rsqrt3A : vector<2000xf32> to vector<2000x1xf32>
    %mul3A = vector.broadcast %broadcast_in_dim3A : vector<2000x1xf32> to vector<2000x128xf32>
    %mul3A_10 = arith.mulf %get3A_9, %mul3A : vector<2000x128xf32>
    %swap3A = arith.constant 0 : index
    %swap3A_11 = arith.constant 0 : index
    %swap3A_12 = vector.load %arg3[%swap3A, %swap3A_11] : memref<2000x128xf32, #tpu.memory_space<vmem>>, vector<2000x128xf32>
    tpu.vector_store %arg3[%swap3A, %swap3A_11], %mul3A_10 {strides = array<i32>} : memref<2000x128xf32, #tpu.memory_space<vmem>>, vector<2000x128xf32>,
    return
  }
  func.func @transform_0(%arg0: i32) -> (i32, i32, i32) {
    %c0_i32 = arith.constant 0 : i32
    %c0_i32_0 = arith.constant 0 : i32
    %c0_i32_1 = arith.constant 0 : i32
    return %c0_i32, %arg0, %c0_i32_0 : i32, i32, i32
  }
  func.func @transform_1(%arg0: i32) -> (i32, i32) {
    %c0_i32 = arith.constant 0 : i32
    %c0_i32_0 = arith.constant 0 : i32
    return %arg0, %c0_i32 : i32, i32
  }
  func.func @transform_2(%arg0: i32) -> (i32, i32) {
    %c0_i32 = arith.constant 0 : i32
    %c0_i32_0 = arith.constant 0 : i32
    return %arg0, %c0_i32 : i32, i32
  }
}

module attributes {stable_mosaic.version = 14 : i64} {
  func.func @body(%arg0: i32, %arg1: memref<2x2000x128xf32, #tpu.memory_space<vmem>>, %arg2: memref<2x2000x128xf32, #tpu.memory_space<vmem>>, %arg3: memref<128x128xf32, #tpu.memory_space<vmem>>, %arg4: memref<1x128xf32, #tpu.memory_space<vmem>>, %arg5: memref<2000x128xf32, #tpu.memory_space<vmem>>) attributes {dimension_semantics = [#tpu.dimension_semantics<arbitrary>], iteration_bounds = array<i64: 5>, scalar_prefetch = 0 : i64, scratch_operands = 0 : i64, tpu.core_type = #tpu.core_type<tc>, window_params = [{transform_indices = @transform_0, window_bounds = array<i64: 2, 2000, 128>}, {transform_indices = @transform_1, window_bounds = array<i64: 2, 2000, 128>}, {pipeline_mode = #tpu.pipeline_mode<synchronous>, transform_indices = @transform_2, window_bounds = array<i64: 128, 128>}, {pipeline_mode = #tpu.pipeline_mode<synchronous>, transform_indices = @transform_3, window_bounds = array<i64: 1, 128>}, {transform_indices = @transform_4, window_bounds = array<i64: 2000, 128>}]} {
    %get3A = arith.constant 0 : index
    %get3A_0 = arith.constant 0 : index
    %get3A_1 = arith.constant 0 : index
    %get3A_2 = vector.load %arg1[%get3A, %get3A_0, %get3A_1] : memref<2x2000x128xf32, #tpu.memory_space<vmem>>, vector<2x2000x128xf32>
    %slice3A = vector.extract_strided_slice %get3A_2 {offsets = [0, 0, 0], sizes = [1, 2000, 1], strides = [1, 1, 1]} : vector<2x2000x128xf32> to vector<1x2000x1xf32>
    %squeeze3A = vector.shape_cast %slice3A : vector<1x2000x1xf32> to vector<2000xf32>
    %slice3A_3 = vector.extract_strided_slice %get3A_2 {offsets = [1, 0, 0], sizes = [1, 2000, 1], strides = [1, 1, 1]} : vector<2x2000x128xf32> to vector<1x2000x1xf32>
    %squeeze3A_4 = vector.shape_cast %slice3A_3 : vector<1x2000x1xf32> to vector<2000xf32>
    %add3A = arith.addf %squeeze3A, %squeeze3A_4 : vector<2000xf32>
    %max3A = arith.constant 1.000000e+00 : f32
    %max3A_5 = vector.broadcast %max3A : f32 to vector<2000xf32>
    %max3A_6 = arith.maximumf %add3A, %max3A_5 : vector<2000xf32>
    %rsqrt3A = math.rsqrt %max3A_6 : vector<2000xf32>
    %get3A_7 = arith.constant 0 : index
    %get3A_8 = arith.constant 0 : index
    %get3A_9 = arith.constant 0 : index
    %get3A_10 = vector.load %arg2[%get3A_7, %get3A_8, %get3A_9] : memref<2x2000x128xf32, #tpu.memory_space<vmem>>, vector<2x2000x128xf32>
    %slice3A_11 = vector.extract_strided_slice %get3A_10 {offsets = [0, 0, 0], sizes = [1, 2000, 128], strides = [1, 1, 1]} : vector<2x2000x128xf32> to vector<1x2000x128xf32>
    %squeeze3A_12 = vector.shape_cast %slice3A_11 : vector<1x2000x128xf32> to vector<2000x128xf32>
    %slice3A_13 = vector.extract_strided_slice %get3A_10 {offsets = [1, 0, 0], sizes = [1, 2000, 128], strides = [1, 1, 1]} : vector<2x2000x128xf32> to vector<1x2000x128xf32>
    %squeeze3A_14 = vector.shape_cast %slice3A_13 : vector<1x2000x128xf32> to vector<2000x128xf32>
    %add3A_15 = arith.addf %squeeze3A_12, %squeeze3A_14 : vector<2000x128xf32>
    %broadcast_in_dim3A = vector.shape_cast %rsqrt3A : vector<2000xf32> to vector<2000x1xf32>
    %mul3A = vector.broadcast %broadcast_in_dim3A : vector<2000x1xf32> to vector<2000x128xf32>
    %mul3A_16 = arith.mulf %add3A_15, %mul3A : vector<2000x128xf32>
    %get3A_17 = arith.constant 0 : index
    %get3A_18 = arith.constant 0 : index
    %get3A_19 = vector.load %arg3[%get3A_17, %get3A_18] : memref<128x128xf32, #tpu.memory_space<vmem>>, vector<128x128xf32>
    %dot_general3A = arith.constant dense<0.000000e+00> : vector<2000x128xf32>
    %dot_general3A_20 = tpu.matmul %mul3A_16, %get3A_19, %dot_general3A {dimension_numbers = #tpu.dot_dimension_numbers<[1], [0], [0], [1], [0, 0, 1, 1], [], []>, precision = #tpu.contract_precision<fp32>, transpose_lhs_hint = false} : vector<2000x128xf32>, vector<128x128xf32>, vector<2000x128xf32> -> vector<2000x128xf32>
    %get3A_21 = arith.constant 0 : index
    %get3A_22 = arith.constant 0 : index
    %get3A_23 = vector.load %arg4[%get3A_21, %get3A_22] : memref<1x128xf32, #tpu.memory_space<vmem>>, vector<1x128xf32>
    %add3A_24 = vector.broadcast %get3A_23 : vector<1x128xf32> to vector<2000x128xf32>
    %add3A_25 = arith.addf %dot_general3A_20, %add3A_24 : vector<2000x128xf32>
    %max3A_26 = arith.constant 0.000000e+00 : f32
    %max3A_27 = vector.broadcast %max3A_26 : f32 to vector<2000x128xf32>
    %max3A_28 = arith.maximumf %add3A_25, %max3A_27 : vector<2000x128xf32>
    %broadcast_in_dim3A_29 = vector.shape_cast %rsqrt3A : vector<2000xf32> to vector<2000x1xf32>
    %mul3A_30 = vector.broadcast %broadcast_in_dim3A_29 : vector<2000x1xf32> to vector<2000x128xf32>
    %mul3A_31 = arith.mulf %max3A_28, %mul3A_30 : vector<2000x128xf32>
    %swap3A = arith.constant 0 : index
    %swap3A_32 = arith.constant 0 : index
    %swap3A_33 = vector.load %arg5[%swap3A, %swap3A_32] : memref<2000x128xf32, #tpu.memory_space<vmem>>, vector<2000x128xf32>
    tpu.vector_store %arg5[%swap3A, %swap3A_32], %mul3A_31 {strides = array<i32>} : memref<2000x128xf32, #tpu.memory_space<vmem>>, vector<2000x128xf32>,
    return
  }
  func.func @transform_0(%arg0: i32) -> (i32, i32, i32) {
    %c0_i32 = arith.constant 0 : i32
    %c0_i32_0 = arith.constant 0 : i32
    %c0_i32_1 = arith.constant 0 : i32
    return %c0_i32, %arg0, %c0_i32_0 : i32, i32, i32
  }
  func.func @transform_1(%arg0: i32) -> (i32, i32, i32) {
    %c0_i32 = arith.constant 0 : i32
    %c0_i32_0 = arith.constant 0 : i32
    %c0_i32_1 = arith.constant 0 : i32
    return %c0_i32, %arg0, %c0_i32_0 : i32, i32, i32
  }
  func.func @transform_2(%arg0: i32) -> (i32, i32) {
    %c0_i32 = arith.constant 0 : i32
    %c0_i32_0 = arith.constant 0 : i32
    %c0_i32_1 = arith.constant 0 : i32
    return %c0_i32, %c0_i32_0 : i32, i32
  }
  func.func @transform_3(%arg0: i32) -> (i32, i32) {
    %c0_i32 = arith.constant 0 : i32
    %c0_i32_0 = arith.constant 0 : i32
    %c0_i32_1 = arith.constant 0 : i32
    return %c0_i32, %c0_i32_0 : i32, i32
  }
  func.func @transform_4(%arg0: i32) -> (i32, i32) {
    %c0_i32 = arith.constant 0 : i32
    %c0_i32_0 = arith.constant 0 : i32
    return %arg0, %c0_i32 : i32, i32
  }
}

module attributes {stable_mosaic.version = 14 : i64} {
  func.func @body(%arg0: i32, %arg1: memref<2x2000x128xf32, #tpu.memory_space<vmem>>, %arg2: memref<2x2000x128xf32, #tpu.memory_space<vmem>>, %arg3: memref<128x128xf32, #tpu.memory_space<vmem>>, %arg4: memref<1x128xf32, #tpu.memory_space<vmem>>, %arg5: memref<128x64xf32, #tpu.memory_space<vmem>>, %arg6: memref<1x64xf32, #tpu.memory_space<vmem>>, %arg7: memref<64x16xf32, #tpu.memory_space<vmem>>, %arg8: memref<1x16xf32, #tpu.memory_space<vmem>>, %arg9: memref<2000x16xf32, #tpu.memory_space<vmem>>) attributes {dimension_semantics = [#tpu.dimension_semantics<arbitrary>], iteration_bounds = array<i64: 5>, scalar_prefetch = 0 : i64, scratch_operands = 0 : i64, tpu.core_type = #tpu.core_type<tc>, window_params = [{transform_indices = @transform_0, window_bounds = array<i64: 2, 2000, 128>}, {transform_indices = @transform_1, window_bounds = array<i64: 2, 2000, 128>}, {pipeline_mode = #tpu.pipeline_mode<synchronous>, transform_indices = @transform_2, window_bounds = array<i64: 128, 128>}, {pipeline_mode = #tpu.pipeline_mode<synchronous>, transform_indices = @transform_3, window_bounds = array<i64: 1, 128>}, {pipeline_mode = #tpu.pipeline_mode<synchronous>, transform_indices = @transform_4, window_bounds = array<i64: 128, 64>}, {pipeline_mode = #tpu.pipeline_mode<synchronous>, transform_indices = @transform_5, window_bounds = array<i64: 1, 64>}, {pipeline_mode = #tpu.pipeline_mode<synchronous>, transform_indices = @transform_6, window_bounds = array<i64: 64, 16>}, {pipeline_mode = #tpu.pipeline_mode<synchronous>, transform_indices = @transform_7, window_bounds = array<i64: 1, 16>}, {transform_indices = @transform_8, window_bounds = array<i64: 2000, 16>}]} {
    %get3A = arith.constant 0 : index
    %get3A_0 = arith.constant 0 : index
    %get3A_1 = arith.constant 0 : index
    %get3A_2 = vector.load %arg1[%get3A, %get3A_0, %get3A_1] : memref<2x2000x128xf32, #tpu.memory_space<vmem>>, vector<2x2000x128xf32>
    %slice3A = vector.extract_strided_slice %get3A_2 {offsets = [0, 0, 0], sizes = [1, 2000, 1], strides = [1, 1, 1]} : vector<2x2000x128xf32> to vector<1x2000x1xf32>
    %squeeze3A = vector.shape_cast %slice3A : vector<1x2000x1xf32> to vector<2000xf32>
    %slice3A_3 = vector.extract_strided_slice %get3A_2 {offsets = [1, 0, 0], sizes = [1, 2000, 1], strides = [1, 1, 1]} : vector<2x2000x128xf32> to vector<1x2000x1xf32>
    %squeeze3A_4 = vector.shape_cast %slice3A_3 : vector<1x2000x1xf32> to vector<2000xf32>
    %add3A = arith.addf %squeeze3A, %squeeze3A_4 : vector<2000xf32>
    %max3A = arith.constant 1.000000e+00 : f32
    %max3A_5 = vector.broadcast %max3A : f32 to vector<2000xf32>
    %max3A_6 = arith.maximumf %add3A, %max3A_5 : vector<2000xf32>
    %rsqrt3A = math.rsqrt %max3A_6 : vector<2000xf32>
    %get3A_7 = arith.constant 0 : index
    %get3A_8 = arith.constant 0 : index
    %get3A_9 = arith.constant 0 : index
    %get3A_10 = vector.load %arg2[%get3A_7, %get3A_8, %get3A_9] : memref<2x2000x128xf32, #tpu.memory_space<vmem>>, vector<2x2000x128xf32>
    %slice3A_11 = vector.extract_strided_slice %get3A_10 {offsets = [0, 0, 0], sizes = [1, 2000, 128], strides = [1, 1, 1]} : vector<2x2000x128xf32> to vector<1x2000x128xf32>
    %squeeze3A_12 = vector.shape_cast %slice3A_11 : vector<1x2000x128xf32> to vector<2000x128xf32>
    %slice3A_13 = vector.extract_strided_slice %get3A_10 {offsets = [1, 0, 0], sizes = [1, 2000, 128], strides = [1, 1, 1]} : vector<2x2000x128xf32> to vector<1x2000x128xf32>
    %squeeze3A_14 = vector.shape_cast %slice3A_13 : vector<1x2000x128xf32> to vector<2000x128xf32>
    %add3A_15 = arith.addf %squeeze3A_12, %squeeze3A_14 : vector<2000x128xf32>
    %broadcast_in_dim3A = vector.shape_cast %rsqrt3A : vector<2000xf32> to vector<2000x1xf32>
    %mul3A = vector.broadcast %broadcast_in_dim3A : vector<2000x1xf32> to vector<2000x128xf32>
    %mul3A_16 = arith.mulf %add3A_15, %mul3A : vector<2000x128xf32>
    %get3A_17 = arith.constant 0 : index
    %get3A_18 = arith.constant 0 : index
    %get3A_19 = vector.load %arg3[%get3A_17, %get3A_18] : memref<128x128xf32, #tpu.memory_space<vmem>>, vector<128x128xf32>
    %dot_general3A = arith.constant dense<0.000000e+00> : vector<2000x128xf32>
    %dot_general3A_20 = tpu.matmul %mul3A_16, %get3A_19, %dot_general3A {dimension_numbers = #tpu.dot_dimension_numbers<[1], [0], [0], [1], [0, 0, 1, 1], [], []>, precision = #tpu.contract_precision<fp32>, transpose_lhs_hint = false} : vector<2000x128xf32>, vector<128x128xf32>, vector<2000x128xf32> -> vector<2000x128xf32>
    %get3A_21 = arith.constant 0 : index
    %get3A_22 = arith.constant 0 : index
    %get3A_23 = vector.load %arg4[%get3A_21, %get3A_22] : memref<1x128xf32, #tpu.memory_space<vmem>>, vector<1x128xf32>
    %add3A_24 = vector.broadcast %get3A_23 : vector<1x128xf32> to vector<2000x128xf32>
    %add3A_25 = arith.addf %dot_general3A_20, %add3A_24 : vector<2000x128xf32>
    %max3A_26 = arith.constant 0.000000e+00 : f32
    %max3A_27 = vector.broadcast %max3A_26 : f32 to vector<2000x128xf32>
    %max3A_28 = arith.maximumf %add3A_25, %max3A_27 : vector<2000x128xf32>
    %get3A_29 = arith.constant 0 : index
    %get3A_30 = arith.constant 0 : index
    %get3A_31 = vector.load %arg5[%get3A_29, %get3A_30] : memref<128x64xf32, #tpu.memory_space<vmem>>, vector<128x64xf32>
    %dot_general3A_32 = arith.constant dense<0.000000e+00> : vector<2000x64xf32>
    %dot_general3A_33 = tpu.matmul %max3A_28, %get3A_31, %dot_general3A_32 {dimension_numbers = #tpu.dot_dimension_numbers<[1], [0], [0], [1], [0, 0, 1, 1], [], []>, precision = #tpu.contract_precision<fp32>, transpose_lhs_hint = false} : vector<2000x128xf32>, vector<128x64xf32>, vector<2000x64xf32> -> vector<2000x64xf32>
    %get3A_34 = arith.constant 0 : index
    %get3A_35 = arith.constant 0 : index
    %get3A_36 = vector.load %arg6[%get3A_34, %get3A_35] : memref<1x64xf32, #tpu.memory_space<vmem>>, vector<1x64xf32>
    %add3A_37 = vector.broadcast %get3A_36 : vector<1x64xf32> to vector<2000x64xf32>
    %add3A_38 = arith.addf %dot_general3A_33, %add3A_37 : vector<2000x64xf32>
    %max3A_39 = arith.constant 0.000000e+00 : f32
    %max3A_40 = vector.broadcast %max3A_39 : f32 to vector<2000x64xf32>
    %max3A_41 = arith.maximumf %add3A_38, %max3A_40 : vector<2000x64xf32>
    %get3A_42 = arith.constant 0 : index
    %get3A_43 = arith.constant 0 : index
    %get3A_44 = vector.load %arg7[%get3A_42, %get3A_43] : memref<64x16xf32, #tpu.memory_space<vmem>>, vector<64x16xf32>
    %dot_general3A_45 = arith.constant dense<0.000000e+00> : vector<2000x16xf32>
    %dot_general3A_46 = tpu.matmul %max3A_41, %get3A_44, %dot_general3A_45 {dimension_numbers = #tpu.dot_dimension_numbers<[1], [0], [0], [1], [0, 0, 1, 1], [], []>, precision = #tpu.contract_precision<fp32>, transpose_lhs_hint = false} : vector<2000x64xf32>, vector<64x16xf32>, vector<2000x16xf32> -> vector<2000x16xf32>
    %get3A_47 = arith.constant 0 : index
    %get3A_48 = arith.constant 0 : index
    %get3A_49 = vector.load %arg8[%get3A_47, %get3A_48] : memref<1x16xf32, #tpu.memory_space<vmem>>, vector<1x16xf32>
    %add3A_50 = vector.broadcast %get3A_49 : vector<1x16xf32> to vector<2000x16xf32>
    %add3A_51 = arith.addf %dot_general3A_46, %add3A_50 : vector<2000x16xf32>
    %swap3A = arith.constant 0 : index
    %swap3A_52 = arith.constant 0 : index
    %swap3A_53 = vector.load %arg9[%swap3A, %swap3A_52] : memref<2000x16xf32, #tpu.memory_space<vmem>>, vector<2000x16xf32>
    tpu.vector_store %arg9[%swap3A, %swap3A_52], %add3A_51 {strides = array<i32>} : memref<2000x16xf32, #tpu.memory_space<vmem>>, vector<2000x16xf32>,
    return
  }
  func.func @transform_0(%arg0: i32) -> (i32, i32, i32) {
    %c0_i32 = arith.constant 0 : i32
    %c0_i32_0 = arith.constant 0 : i32
    %c0_i32_1 = arith.constant 0 : i32
    return %c0_i32, %arg0, %c0_i32_0 : i32, i32, i32
  }
  func.func @transform_1(%arg0: i32) -> (i32, i32, i32) {
    %c0_i32 = arith.constant 0 : i32
    %c0_i32_0 = arith.constant 0 : i32
    %c0_i32_1 = arith.constant 0 : i32
    return %c0_i32, %arg0, %c0_i32_0 : i32, i32, i32
  }
  func.func @transform_2(%arg0: i32) -> (i32, i32) {
    %c0_i32 = arith.constant 0 : i32
    %c0_i32_0 = arith.constant 0 : i32
    %c0_i32_1 = arith.constant 0 : i32
    return %c0_i32, %c0_i32_0 : i32, i32
  }
  func.func @transform_3(%arg0: i32) -> (i32, i32) {
    %c0_i32 = arith.constant 0 : i32
    %c0_i32_0 = arith.constant 0 : i32
    %c0_i32_1 = arith.constant 0 : i32
    return %c0_i32, %c0_i32_0 : i32, i32
  }
  func.func @transform_4(%arg0: i32) -> (i32, i32) {
    %c0_i32 = arith.constant 0 : i32
    %c0_i32_0 = arith.constant 0 : i32
    %c0_i32_1 = arith.constant 0 : i32
    return %c0_i32, %c0_i32_0 : i32, i32
  }
  func.func @transform_5(%arg0: i32) -> (i32, i32) {
    %c0_i32 = arith.constant 0 : i32
    %c0_i32_0 = arith.constant 0 : i32
    %c0_i32_1 = arith.constant 0 : i32
    return %c0_i32, %c0_i32_0 : i32, i32
  }
  func.func @transform_6(%arg0: i32) -> (i32, i32) {
    %c0_i32 = arith.constant 0 : i32
    %c0_i32_0 = arith.constant 0 : i32
    %c0_i32_1 = arith.constant 0 : i32
    return %c0_i32, %c0_i32_0 : i32, i32
  }
  func.func @transform_7(%arg0: i32) -> (i32, i32) {
    %c0_i32 = arith.constant 0 : i32
    %c0_i32_0 = arith.constant 0 : i32
    %c0_i32_1 = arith.constant 0 : i32
    return %c0_i32, %c0_i32_0 : i32, i32
  }
  func.func @transform_8(%arg0: i32) -> (i32, i32) {
    %c0_i32 = arith.constant 0 : i32
    %c0_i32_0 = arith.constant 0 : i32
    return %arg0, %c0_i32 : i32, i32
  }
}

</mosaic_0001>

<sc_bundles>
// kernel: kernel.11.cloned.1.call-start
scs
__scs_entry_jumppad:
0x0: {  	(pc) =	sbr.rel $0x88, $3  }
0x1: {  	(tag) =	ssettag $0x0;
	lr =	simm.s32 $0x1  }
0x2: {  	[smem:$0x3F97] =	sst lr;
	_ =	strace $0xD0000000  }
0x3: {  	_ = 	snop  }
0x4: {  	_ = 	snop  }
0x5: {  	_ = 	snop  }
0x6: {  	_ = 	snop  }
0x7: {  	_ = 	snop  }
__scs_overlays_trampoline_lowered:
0x8: {  	[smem:$0x3FA6] =	sst s0  }
0x9: {  	[smem:$0x3FA7] =	sst s1  }
0xa: {  	[smem:$0x3FA8] =	sst s2  }
0xb: {  	[smem:$0x3FA9] =	sst s3  }
0xc: {  	[smem:$0x3FAA] =	sst s4  }
0xd: {  	[smem:$0x3FAB] =	sst s5  }
0xe: {  	[smem:$0x3FAC] =	sst s6  }
0xf: {  	[smem:$0x3FAD] =	sst s7  }
0x10: {  	[smem:$0x3FAE] =	sst s8  }
0x11: {  	[smem:$0x3FAF] =	sst s9;
	s0 =	simm.s32 @!p0 $0x0  }
0x12: {  	s1 =	sld [smem:$0x3F95];
	s0 =	simm.s32 @p0 $0x1  }
0x13: {  	[smem:$0x3FB0] =	sst s0;
	s0 =	simm.s32 @!p1 $0x0  }
0x14: {  	s2 =	sld [smem:$0x3F94];
	s0 =	simm.s32 @p1 $0x1  }
0x15: {  	[smem:$0x3FB1] =	sst s0;
	s0 =	simm.s32 @!p2 $0x0  }
0x16: {  	s3 =	sld [smem:$0x3FDB];
	s0 =	simm.s32 @p2 $0x1  }
0x17: {  	s4 =	simm.s32 $0x1BF5;
	[smem:$0x3FB3] =	sst s0  }
0x18: {  	s0 =	sld [smem:$0x3F96];
	_ =	swait.ge [sflag:s4], $0x0  }
0x19: {  	s7 =	sld [smem:$0x3F97]  }
0x1a: {  	s8 =	sadd.s32 $0xFFFFE003, lr  }
0x1b: {  	s9 =	sadd.s32 $0xFFFFFEF7, lr;
	s5 =	simm.s32 $0xFFFFFFFF;
	p2 =	slt.u32 s8, $0xFFFFF086  }
0x1c: {  	p1 =	slt.u32 s9, $0xF7A;
	s5 =	simm.s32 @!p2 $0x0  }
0x1d: {  	s5 =	simm.s32 @p1 $0x1;
	p0 =	seq.s32 s7, s2  }
0x1e: {  	s7 =	smul.u32 @!p0 $0xF7A, s2;
	p2 =	seq.s32 @!p0 s5, $0x0  }
0x1f: {  	s9 =	smul.u32 $0xF7A, s1;
	s8 =	simm.s32 @!p0 $0x1BF5;
	p2 =	por !p2, p0  }
0x20: {  	[sflag:s8] =	ssyncset.s32 @!p0 $0xFFFFF086;
	s6 =	sadd.s32 @!p0 s3, s7;
	s7 =	simm.s32 @!p0 $0x108  }
0x21: {  	s3 =	sadd.s32 s3, s9;
	s6 =	sadd.s32 @!p0 $0x88, s6;
	s7 =	simm.s32 @p2 $0x1082  }
0x22: {  	[simem:s7], [sflag:s8] =	dma.local @!p0 [hbm:s6], $0xF7A  }
0x23: {  	s9 =	sor.u32 $0xD0000000, s2;
	s6 =	simm.s32 $0x108;
	_ =	swait.ge @!p0 [sflag:s8], $0x0  }
0x24: {  	s3 =	sadd.s32 $0x88, s3;
	s6 =	simm.s32 @!p1 $0x1082;
	[sflag:s4] =	ssyncset.s32 $0xFFFFF086  }
0x25: {  	[simem:s6], [sflag:s4] =	dma.local [hbm:s3], $0xF7A  }
0x26: {  	[smem:$0x3F97] =	sst s1;
	(tag) =	ssettag s2;
	_ =	strace s9  }
0x27: {  	s1 =	sld [smem:$0x3FA7]  }
0x28: {  	s2 =	sld [smem:$0x3FA8]  }
0x29: {  	s4 =	sld [smem:$0x3FAA]  }
0x2a: {  	p0 =	seq.s32 s5, $0x0;
	s5 =	sld [smem:$0x3FAB]  }
0x2b: {  	s6 =	sld [smem:$0x3FAC]  }
0x2c: {  	s7 =	sld [smem:$0x3FAD]  }
0x2d: {  	s3 =	simm.s32 $0x108;
	s8 =	sld [smem:$0x3FAE]  }
0x2e: {  	s3 =	simm.s32 @!p0 $0x1082;
	s9 =	sld [smem:$0x3FAF]  }
0x2f: {  	lr =	sadd.s32 s0, s3;
	s0 =	sld [smem:$0x3FA6]  }
0x30: {  	s3 =	sld [smem:$0x3FA9]  }
0x31: {  	[smem:$0x3FB2] =	sst s10  }
0x32: {  	s10 =	sld [smem:$0x3FB0];
	_ =	sdelay $0x3  }
0x33: {  	p0 =	seq.s32 s10, $0x1;
	s10 =	sld [smem:$0x3FB2];
	_ =	sdelay $0x3  }
0x34: {  	[smem:$0x3FB2] =	sst s10  }
0x35: {  	s10 =	sld [smem:$0x3FB1];
	_ =	sdelay $0x3  }
0x36: {  	p1 =	seq.s32 s10, $0x1;
	s10 =	sld [smem:$0x3FB2];
	_ =	sdelay $0x3  }
0x37: {  	[smem:$0x3FB2] =	sst s10  }
0x38: {  	s10 =	sld [smem:$0x3FB3]  }
0x39: {  	_ = 	snop;
	(pc) =	sbr.ind lr, $3  }
0x3a: {  	_ = 	snop  }
0x3b: {  	_ = 	snop  }
0x3c: {  	p2 =	seq.s32 s10, $0x1;
	s10 =	sld [smem:$0x3FB2]  }
0x3d: {  	_ =	shalt  }
0x3e: {  	_ =	shalt  }
0x3f: {  	_ =	shalt  }
0x40: {  	_ =	shalt  }
0x41: {  	_ =	shalt  }
0x42: {  	_ =	shalt  }
0x43: {  	_ =	shalt  }
0x44: {  	_ =	shalt  }
0x45: {  	_ =	shalt  }
0x46: {  	_ =	shalt  }
0x47: {  	_ =	shalt  }
0x48: {  	_ =	shalt  }
0x49: {  	_ =	shalt  }
0x4a: {  	_ =	shalt  }
0x4b: {  	_ =	shalt  }
0x4c: {  	_ =	shalt  }
0x4d: {  	_ =	shalt  }
0x4e: {  	_ =	shalt  }
0x4f: {  	_ =	shalt  }
0x50: {  	_ =	shalt  }
0x51: {  	_ =	shalt  }
0x52: {  	_ =	shalt  }
0x53: {  	_ =	shalt  }
0x54: {  	_ =	shalt  }
0x55: {  	_ =	shalt  }
0x56: {  	_ =	shalt  }
0x57: {  	_ =	shalt  }
0x58: {  	_ =	shalt  }
0x59: {  	_ =	shalt  }
0x5a: {  	_ =	shalt  }
0x5b: {  	_ =	shalt  }
0x5c: {  	_ =	shalt  }
0x5d: {  	_ =	shalt  }
0x5e: {  	_ =	shalt  }
0x5f: {  	_ =	shalt  }
0x60: {  	_ =	shalt  }
0x61: {  	_ =	shalt  }
0x62: {  	_ =	shalt  }
0x63: {  	_ =	shalt  }
0x64: {  	_ =	shalt  }
0x65: {  	_ =	shalt  }
0x66: {  	_ =	shalt  }
0x67: {  	_ =	shalt  }
0x68: {  	_ =	shalt  }
0x69: {  	_ =	shalt  }
0x6a: {  	_ =	shalt  }
0x6b: {  	_ =	shalt  }
0x6c: {  	_ =	shalt  }
0x6d: {  	_ =	shalt  }
0x6e: {  	_ =	shalt  }
0x6f: {  	_ =	shalt  }
0x70: {  	_ =	shalt  }
0x71: {  	_ =	shalt  }
0x72: {  	_ =	shalt  }
0x73: {  	_ =	shalt  }
0x74: {  	_ =	shalt  }
0x75: {  	_ =	shalt  }
0x76: {  	_ =	shalt  }
0x77: {  	_ =	shalt  }
0x78: {  	_ =	shalt  }
0x79: {  	_ =	shalt  }
0x7a: {  	_ =	shalt  }
0x7b: {  	_ =	shalt  }
0x7c: {  	_ =	shalt  }
0x7d: {  	_ =	shalt  }
0x7e: {  	_ =	shalt  }
0x7f: {  	_ =	shalt  }
0x80: {  	_ =	shalt  }
0x81: {  	_ =	shalt  }
0x82: {  	_ =	shalt  }
0x83: {  	_ =	shalt  }
0x84: {  	_ =	shalt  }
0x85: {  	_ =	shalt  }
0x86: {  	_ =	shalt  }
0x87: {  	_ =	shalt  }
.Lfunc_end0:
.L_simem_size_0:
called_computation.1_lowered:
.L_overlay_start_0:
0x88: {  	s2 =	sld [smem:$0x3FD9]  }
0x89: {  	s3 =	sld [smem:$0x3FFE];
	_ =	sdelay $0x1  }
0x8a: {  	s1 =	srdreg.scid  }
0x8b: {  	s0 =	sand.u32 $0x1, s1  }
0x8c: {  	s17 =	sshll.u32 s0, $0xA;
	s2 =	sadd.s32 s3, s2  }
0x8d: {  	s2 =	sadd.s32 s2, s17  }
0x8e: {  	[smem:$0x3FBE] =	sst s2  }
0x8f: {  	_ = 	snop  }
0x90: {  	s2 =	sld [smem:$0x3FD0];
	(tm) =	ssettm $0x1  }
0x91: {  	s18 =	sld [smem:$0x3FFB];
	_ =	sdelay $0x3  }
0x92: {  	_ =	strace s18  }
0x93: {  	s3 =	sld [smem:$0x3FFC];
	_ =	sdelay $0x3  }
0x94: {  	_ =	strace s3  }
0x95: {  	s3 =	sld [smem:$0x3FFD];
	_ =	sdelay $0x3  }
0x96: {  	_ =	strace s3  }
0x97: {  	_ =	strace $0x8FFFFFFF  }
0x98: {  	s19 =	sld [smem:$0x3FDB];
	_ =	sdelay $0x1  }
0x99: {  	s4 =	simm.s32 $_scs_section_size  }
0x9a: {  	s5 =	simm.s32 $_size__tile_overlayer_lowered;
	s6 =	simm.s32 $_tile_overlayer_lowered  }
0x9b: {  	s22 =	simm.s32 $0x1BFF;
	s21 =	sshll.u32 s6, $0x1;
	s3 =	sadd.s32 s4, s19  }
0x9c: {  	s7 =	simm.s32 $0x0;
	s20 =	sshll.u32 s5, $0x1;
	s5 =	sadd.s32 s21, s3  }
0x9d: {  	[timem:s7], [sflag:s22] =	dma.local [hbm:s5], s20  }
0x9e: {  	_ =	swait.ge [sflag:s22], s20  }
0x9f: {  	s4 =	ssub.s32 $0x0, s20;
	[sflag:s22] =	ssyncset.done $0x0  }
0xa0: {  	[sflag:s22] =	ssyncadd.s32 s4;
	_ =	sdelay $0x1  }
0xa1: {  	s23 =	simm.s32 $0x1B8B  }
0xa2: {  	_ =	swait.ge [sflag:s23], $0x1  }
0xa3: {  	[sflag:s23] =	ssyncset.done $0x0  }
0xa4: {  	s25 =	simm.s32 $0x1B8E;
	s24 =	sld [smem:$0x3FFE];
	[sflag:s23] =	ssyncadd.s32 $0xFFFFFFFF  }
0xa5: {  	s26 =	simm.s32 $execute0_lowered;
	[smem:$0x3FD2] =	sst s25  }
0xa6: {  	s5 =	sshll.u32 s26, $0x1;
	_ =	strace $0x80000049;
	[dreg:$0x1] =	wrdreg $0xFFFFFFFF  }
0xa7: {  	s28 =	simm.s32 $_size_execute0_lowered;
	s3 =	sadd.s32 s3, s5;
	[dreg:$0x0] =	wrdreg $0x0  }
0xa8: {  	s5 =	sshll.u32 s28, $0x1;
	[dreg:$0x2] =	wrdreg s3  }
0xa9: {  	[dreg:$0x3] =	wrdreg s5  }
0xaa: {  	[dreg:$0x4] =	wrdreg $0xC0  }
0xab: {  	_ =	task [dreg:s7], $0x5FFFF  }
0xac: {  	[dreg:$0x1] =	wrdreg $0xFFFFFFFF  }
0xad: {  	[dreg:$0x0] =	wrdreg $0x60  }
0xae: {  	[dreg:$0x2] =	wrdreg s24  }
0xaf: {  	[dreg:$0x3] =	wrdreg s2  }
0xb0: {  	[dreg:$0x4] =	wrdreg $0x0  }
0xb1: {  	[dreg:$0x5] =	wrdreg $0x9  }
0xb2: {  	_ =	task.clear_ibuf [dreg:s7], $0x6FFFF;
	_ =	strace $0x90000049  }
0xb3: {  	s29 =	simm.s32 $0x9;
	_ =	strace $0x8000004B  }
0xb4: {  	_ =	swait.ge [sflag:s29], $0x1  }
0xb5: {  	[sflag:s29] =	ssyncadd.s32 $0xFFFFFFFF  }
0xb6: {  	_ =	strace $0x9000004B  }
0xb7: {  	_ =	sfence  }
0xb8: {  	s30 =	sld [smem:$0x0];
	_ =	sdelay $0x2  }
0xb9: {  	s31 =	sshll.u32 s1, $0xD;
	s1 =	sshrl.u32 s1, $0x2  }
0xba: {  	s3 =	sand.u32 $0x4000, s31;
	s1 =	sadd.s32 s1, s30  }
0xbb: {  	s0 =	sor.u32 s3, s0;
	s1 =	sshll.u32 s1, $0x11  }
0xbc: {  	s0 =	sor.u32 s1, s0  }
0xbd: {  	s0 =	sadd.s32 $0x8F2B, s0  }
0xbe: {  	[sflag:s0] =	ssyncadd.remote.s32 $0x1  }
0xbf: {  	_ =	sfence.sel $0xFFFF  }
0xc0: {  	[dreg:$0x0] =	wrdreg $0xFFFFFFFF;
	(pc) =	sbr.abs _section_cstart, $3  }
0xc1: {  	[dreg:$0x1] =	wrdreg $0xFFFFFFFF  }
0xc2: {  	_ =	task.clear_ibuf [dreg:s7], $0x2FFFF;
	_ =	strace $0x9FFFFFFF  }
0xc3: {  	(tm) =	ssettm $0x7FFFFFFF  }
tec
execute0_lowered:
.L_overlay_start_1:
0x0: {  	(tag) =	ssettag $0x1  }
0x1: {  	s0 =	rddreg [dreg:$0x0]  }
0x2: {  	s29 =	rddreg [dreg:$0x2];
	s1 =	srdreg.scid  }
0x3: {  	s4 =	simm.s32 $0x0;
	s11 =	stileid.u32;
	s16 =	simm.s32 $0x13C00  }
0x4: {  	s17 =	simm.s32 $0x13D80;
	s19 =	simm.s32 $0x13E00;
	s3 =	simm.s32 $0x13F00  }
0x5: {  	s28 =	simm.s32 $0x9;
	s13 =	simm.s32 $0x4;
	s14 =	simm.s32 $0x5  }
0x6: {  	s15 =	simm.s32 $0x6;
	s18 =	simm.s32 $0x0;
	s31 =	simm.s32 $0x13E80  }
0x7: {  	s1 =	sand.u32 $0x1, s1;
	[smem:$0x7FF] =	sst s4;
	s9 =	smul.u32 $0x13C00, s11  }
0x8: {  	s5 =	sshll.u32 s11, $0x1;
	s6 =	sadd.s32 $0x5CC00, s0;
	s11 =	smul.u32 $0x4F000, s11  }
0x9: {  	s8 =	sadd.s32 $0x2400, s0;
	s2 =	smul.u32 $0x13C000, s1;
	_ =	strace $0x8000004A  }
0xa: {  	s7 =	sor.u32 s1, s5;
	s5 =	sadd.s32 $0xD400, s0;
	s1 =	ssub.s32 $0x2, s1  }
0xb: {  	s7 =	smul.u32 $0x2C00, s7;
	s20 =	sshrl.u32 s1, $0x1;
	s26 =	sshrl.u32 s11, $0x2  }
0xc: {  	s11 =	simm.s32 $0x3;
	s2 =	sadd.s32 s9, s2;
	s1 =	ssub.s32 s1, s20  }
0xd: {  	s20 =	simm.s32 $0x13C80;
	s9 =	simm.s32 $0x2;
	s2 =	sshrl.u32 s2, $0x3  }
0xe: {  	s10 =	sshrl.u32 s7, $0x3;
	s30 =	smax.u32 s1, $0x1;
	s0 =	sadd.s32 s2, s0  }
0xf: {  	s21 =	sadd.s32 s6, s10;
	s22 =	sor.u32 $0x10, s10;
	[dreg:$0xc] =	wrdreg s30  }
0x10: {  	s23 =	sor.u32 $0x20, s10;
	s10 =	sadd.s32 s8, s10;
	[dreg:$0x4] =	wrdreg s21  }
0x11: {  	s12 =	sadd.s32 s6, s22;
	s24 =	sadd.s32 s6, s23;
	[dreg:$0x7] =	wrdreg s10  }
0x12: {  	s2 =	sadd.s32 s8, s22;
	s25 =	sadd.s32 s8, s23;
	[dreg:$0x5] =	wrdreg s12  }
0x13: {  	s0 =	sadd.s32 $0x67C00, s0;
	s22 =	simm.s32 $0x8;
	[dreg:$0x6] =	wrdreg s24  }
0x14: {  	s21 =	simm.s32 $0x17F00;
	s23 =	simm.s32 $0xD;
	[dreg:$0x8] =	wrdreg s2  }
0x15: {  	s10 =	simm.s32 $0xB;
	[dreg:$0x9] =	wrdreg s25;
	s2 =	sadd.s32 s26, s29  }
0x16: {  	[dreg:$0xb] =	wrdreg s0;
	s26 =	simm.s32 $0x7;
	s25 =	simm.s32 $0x80  }
0x17: {  	s12 =	simm.s32 $0xC;
	[dreg:$0xa] =	wrdreg s2;
	s2 =	simm.s32 $0xA  }
.LBB2_1:
0x18: {  	[dreg:$0xd] =	wrdreg s18  }
0x19: {  	s0 =	rddreg [dreg:$0x4]  }
0x1a: {  	[tilespmem:s16], [sflag:$0x7] =	stream.linear.gather [hbm4b:s0+s4], $0x80, $0x38;
	[tilespmem:$0x1FF00] =	vst v63  }
0x1b: {  	s18 =	rddreg [dreg:$0x5]  }
0x1c: {  	[tilespmem:s20], [sflag:$0x8] =	stream.linear.gather [hbm4b:s18+s4], $0x80, $0x38;
	[tilespmem:$0x1FF00] =	vst v63  }
0x1d: {  	s24 =	rddreg [dreg:$0x6];
	s18 =	simm.s32 $0x13D00  }
0x1e: {  	[tilespmem:s18], [sflag:$0x9] =	stream.linear.gather [hbm4b:s24+s4], $0x80, $0x38;
	[tilespmem:$0x1FF00] =	vst v63  }
0x1f: {  	s30 =	rddreg [dreg:$0x7]  }
0x20: {  	[tilespmem:s17], [sflag:$0xA] =	stream.linear.gather [hbm4b:s30+s4], $0x80, $0x38;
	[tilespmem:$0x1FF00] =	vst v63  }
0x21: {  	s1 =	rddreg [dreg:$0x8]  }
0x22: {  	[tilespmem:s19], [sflag:$0xB] =	stream.linear.gather [hbm4b:s1+s4], $0x80, $0x38;
	[tilespmem:$0x1FF00] =	vst v63  }
0x23: {  	s24 =	rddreg [dreg:$0x9];
	s19 =	simm.s32 $0x13E80  }
0x24: {  	[tilespmem:s19], [sflag:$0xC] =	stream.linear.gather [hbm4b:s24+s4], $0x80, $0x38;
	[tilespmem:$0x1FF00] =	vst v63  }
0x25: {  	_ =	swait.ge [sflag:s26], $0x80  }
0x26: {  	[sflag:s26] =	ssyncset.done $0x0  }
0x27: {  	[sflag:s26] =	ssyncadd.s32 $0xFFFFFF80  }
0x28: {  	[tilespmem:s3], [sflag:$0x1] =	stream.indirect.gather [hbm4b:s5+s25], $0x80, s16, s25, $0xb8;
	[tilespmem:$0x1FF00] =	vst v63  }
0x29: {  	_ =	swait.ge [sflag:s22], $0x80  }
0x2a: {  	s30 =	stileid.u32;
	[sflag:s22] =	ssyncset.done $0x0  }
0x2b: {  	s0 =	sshll.u32 s30, $0x6;
	[sflag:s22] =	ssyncadd.s32 $0xFFFFFF80  }
0x2c: {  	[tilespmem:s21], [sflag:$0x2] =	stream.indirect.gather [hbm4b:s5+s25], $0x80, s20, s25, $0xb8;
	[tilespmem:$0x1FF00] =	vst v63  }
0x2d: {  	s1 =	sor.u32 $0x1C0D, s0;
	_ =	swait.ge [sflag:s28], $0x80  }
0x2e: {  	[dreg:$0xe] =	wrdreg s1;
	[sflag:s28] =	ssyncset.done $0x0  }
0x2f: {  	s22 =	simm.s32 $0x1BF00;
	s24 =	rddreg [dreg:$0xa];
	[sflag:s28] =	ssyncadd.s32 $0xFFFFFF80  }
0x30: {  	[tilespmem:s22], [sflag:$0x3] =	stream.indirect.gather [hbm4b:s5+s25], $0x80, s18, s25, $0xb8;
	[tilespmem:$0x1FF00] =	vst v63  }
0x31: {  	s24 =	sshrl.u32 s24, $0x3;
	s30 =	rddreg [dreg:$0x1]  }
0x32: {  	[dreg:$0xf] =	wrdreg s24  }
0x33: {  	[spmem:s24], [sflag:s1] =	dma.local [hbm:s30], $0x2780  }
0x34: {  	_ =	swait.ge [sflag:s23], $0x2780  }
0x35: {  	[sflag:s23] =	ssyncset.done $0x0  }
0x36: {  	[sflag:s23] =	ssyncadd.s32 $0xFFFFD880  }
0x37: {  	s1 =	simm.s32 $0x1;
	[bflag:$0x0] =	sbarrier.arrive $0xFFFF  }
0x38: {  	p0 =	por $0x0, $0x0;
	s0 =	simm.s32 $0x180;
	_ =	swait.ge [sflag:s1], $0x4000  }
0x39: {  	s0 =	simm.s32 @p0 $0x0;
	[sflag:s1] =	ssyncset.done $0x0  }
0x3a: {  	[sflag:s1] =	ssyncadd.s32 $0xFFFFC000;
	s1 =	sand.u32 $0x3C00, s0  }
0x3b: {  	s0 =	sand.u32 $0x380, s0;
	_ =	swait.ge [sflag:s2], $0x80;
	s16 =	sadd.s32 s7, s1  }
0x3c: {  	[sflag:s2] =	ssyncset.done $0x0;
	s0 =	sor.u32 s0, s16  }
0x3d: {  	[sflag:s2] =	ssyncadd.s32 $0xFFFFFF80;
	s30 =	sshrl.u32 s0, $0x3  }
0x3e: {  	[spmem:s29] =	stream.indirect.scatter.add.f32 [tilespmem:s3], [sflag:$0x4], $0x80, s17, s25, $0xb8;
	[tilespmem:$0x1FF00] =	vst v63  }
0x3f: {  	s24 =	simm.s32 $0x13C00;
	s17 =	sadd.s32 s6, s30  }
0x40: {  	[tilespmem:s24], [sflag:$0x7] =	stream.linear.gather [hbm4b:s17+s4], $0x80, $0x38;
	[tilespmem:$0x1FF00] =	vst v63  }
0x41: {  	s16 =	simm.s32 $0x200;
	_ =	swait.ge [sflag:s9], $0x4000  }
0x42: {  	s16 =	simm.s32 @p0 $0x80;
	[sflag:s9] =	ssyncset.done $0x0  }
0x43: {  	s0 =	sand.u32 $0x3C00, s16;
	[sflag:s9] =	ssyncadd.s32 $0xFFFFC000  }
0x44: {  	s16 =	sand.u32 $0x380, s16;
	s17 =	sadd.s32 s7, s0;
	_ =	swait.ge [sflag:s10], $0x80  }
0x45: {  	s16 =	sor.u32 s16, s17;
	[sflag:s10] =	ssyncset.done $0x0  }
0x46: {  	s23 =	simm.s32 $0x13E00;
	s16 =	sshrl.u32 s16, $0x3;
	[sflag:s10] =	ssyncadd.s32 $0xFFFFFF80  }
0x47: {  	[spmem:s29] =	stream.indirect.scatter.add.f32 [tilespmem:s21], [sflag:$0x5], $0x80, s23, s25, $0xb8;
	[tilespmem:$0x1FF00] =	vst v63  }
0x48: {  	s0 =	sadd.s32 s6, s16  }
0x49: {  	[tilespmem:s20], [sflag:$0x8] =	stream.linear.gather [hbm4b:s0+s4], $0x80, $0x38;
	[tilespmem:$0x1FF00] =	vst v63  }
0x4a: {  	s17 =	simm.s32 $0x280;
	_ =	swait.ge [sflag:s11], $0x4000  }
0x4b: {  	s17 =	simm.s32 @p0 $0x100;
	[sflag:s11] =	ssyncset.done $0x0  }
0x4c: {  	s0 =	sand.u32 $0x3C00, s17;
	[sflag:s11] =	ssyncadd.s32 $0xFFFFC000  }
0x4d: {  	s17 =	sand.u32 $0x380, s17;
	s0 =	sadd.s32 s7, s0;
	_ =	swait.ge [sflag:s12], $0x80  }
0x4e: {  	s0 =	sor.u32 s17, s0;
	[sflag:s12] =	ssyncset.done $0x0  }
0x4f: {  	s0 =	sshrl.u32 s0, $0x3;
	[sflag:s12] =	ssyncadd.s32 $0xFFFFFF80  }
0x50: {  	[spmem:s29] =	stream.indirect.scatter.add.f32 [tilespmem:s22], [sflag:$0x6], $0x80, s19, s25, $0xb8;
	[tilespmem:$0x1FF00] =	vst v63  }
0x51: {  	s22 =	sadd.s32 s6, s0  }
0x52: {  	[tilespmem:s18], [sflag:$0x9] =	stream.linear.gather [hbm4b:s22+s4], $0x80, $0x38;
	[tilespmem:$0x1FF00] =	vst v63  }
0x53: {  	_ =	swait.ge [sflag:s26], $0x80  }
0x54: {  	[sflag:s26] =	ssyncset.done $0x0  }
0x55: {  	[sflag:s26] =	ssyncadd.s32 $0xFFFFFF80  }
0x56: {  	_ =	swait.ge [sflag:s13], $0x4000  }
0x57: {  	[sflag:s13] =	ssyncset.done $0x0  }
0x58: {  	s1 =	simm.s32 $0x13D80;
	s30 =	sadd.s32 s8, s30;
	[sflag:s13] =	ssyncadd.s32 $0xFFFFC000  }
0x59: {  	[tilespmem:s1], [sflag:$0xA] =	stream.linear.gather [hbm4b:s30+s4], $0x80, $0x38;
	[tilespmem:$0x1FF00] =	vst v63  }
0x5a: {  	s19 =	simm.s32 $0x8  }
0x5b: {  	[tilespmem:s3], [sflag:$0x1] =	stream.indirect.gather [hbm4b:s5+s25], $0x80, s24, s25, $0xb8;
	[tilespmem:$0x1FF00] =	vst v63  }
0x5c: {  	_ =	swait.ge [sflag:s19], $0x80  }
0x5d: {  	[sflag:s19] =	ssyncset.done $0x0  }
0x5e: {  	[sflag:s19] =	ssyncadd.s32 $0xFFFFFF80  }
0x5f: {  	_ =	swait.ge [sflag:s14], $0x4000  }
0x60: {  	[sflag:s14] =	ssyncset.done $0x0  }
0x61: {  	s16 =	sadd.s32 s8, s16;
	[sflag:s14] =	ssyncadd.s32 $0xFFFFC000  }
0x62: {  	[tilespmem:s23], [sflag:$0xB] =	stream.linear.gather [hbm4b:s16+s4], $0x80, $0x38;
	[tilespmem:$0x1FF00] =	vst v63  }
0x63: {  	_ = 	snop  }
0x64: {  	[tilespmem:s21], [sflag:$0x2] =	stream.indirect.gather [hbm4b:s5+s25], $0x80, s20, s25, $0xb8;
	[tilespmem:$0x1FF00] =	vst v63  }
0x65: {  	_ =	swait.ge [sflag:s28], $0x80  }
0x66: {  	[sflag:s28] =	ssyncset.done $0x0  }
0x67: {  	[sflag:s28] =	ssyncadd.s32 $0xFFFFFF80  }
0x68: {  	_ =	swait.ge [sflag:s15], $0x4000  }
0x69: {  	s17 =	simm.s32 $0x400;
	s0 =	sadd.s32 s8, s0;
	[sflag:s15] =	ssyncset.done $0x0  }
0x6a: {  	s3 =	simm.s32 $0x13F00;
	s21 =	simm.s32 $0x17F00;
	[sflag:s15] =	ssyncadd.s32 $0xFFFFC000  }
.LBB2_2:
0x6b: {  	s23 =	simm.s32 $0x13E80  }
0x6c: {  	p0 =	sne.s32 s17, $0x2980;
	s22 =	simm.s32 $0x13D00;
	s26 =	simm.s32 $0x1BF00  }
0x6d: {  	[tilespmem:s23], [sflag:$0xC] =	stream.linear.gather [hbm4b:s0+s4], $0x80, $0x38;
	[tilespmem:$0x1FF00] =	vst v63  }
0x6e: {  	s1 =	simm.s32 $0x1;
	s0 =	smov.u32 s17;
	s17 =	sadd.s32 $0x180, s17  }
0x6f: {  	s16 =	sadd.s32 $0xFFFFFF80, s0;
	p1 =	seq.s32 s0, $0x2980;
	s18 =	sadd.s32 $0xFFFFFF00, s0  }
0x70: {  	[tilespmem:s26], [sflag:$0x3] =	stream.indirect.gather [hbm4b:s5+s25], $0x80, s22, s25, $0xb8;
	[tilespmem:$0x1FF00] =	vst v63  }
0x71: {  	s30 =	simm.s32 $0x13C00;
	s18 =	simm.s32 @p1 $0x0;
	_ =	swait.ge [sflag:s1], $0x4000  }
0x72: {  	s16 =	simm.s32 @p1 $0x80;
	s19 =	sand.u32 $0x3C00, s18;
	[sflag:s1] =	ssyncset.done $0x0  }
0x73: {  	s20 =	sand.u32 $0x3C00, s16;
	s18 =	sand.u32 $0x380, s18;
	[sflag:s1] =	ssyncadd.s32 $0xFFFFC000  }
0x74: {  	s19 =	sadd.s32 s7, s19;
	s20 =	sadd.s32 s7, s20;
	_ =	swait.ge [sflag:s2], $0x80  }
0x75: {  	s16 =	sand.u32 $0x380, s16;
	s18 =	sor.u32 s18, s19;
	[sflag:s2] =	ssyncset.done $0x0  }
0x76: {  	s16 =	sor.u32 s16, s20;
	s1 =	simm.s32 $0x13D80;
	[sflag:s2] =	ssyncadd.s32 $0xFFFFFF80  }
0x77: {  	[spmem:s29] =	stream.indirect.scatter.add.f32 [tilespmem:s3], [sflag:$0x4], $0x80, s1, s25, $0xb8;
	[tilespmem:$0x1FF00] =	vst v63  }
0x78: {  	s0 =	simm.s32 @p1 $0x100;
	s18 =	sshrl.u32 s18, $0x3;
	s16 =	sshrl.u32 s16, $0x3  }
0x79: {  	s20 =	sand.u32 $0x3C00, s0;
	s0 =	sand.u32 $0x380, s0;
	s19 =	sadd.s32 s6, s18  }
0x7a: {  	[tilespmem:s30], [sflag:$0x7] =	stream.linear.gather [hbm4b:s19+s4], $0x80, $0x38;
	[tilespmem:$0x1FF00] =	vst v63  }
0x7b: {  	s19 =	sadd.s32 s7, s20;
	s20 =	simm.s32 $0x13C80;
	_ =	swait.ge [sflag:s9], $0x4000  }
0x7c: {  	s0 =	sor.u32 s0, s19;
	[sflag:s9] =	ssyncset.done $0x0  }
0x7d: {  	s0 =	sshrl.u32 s0, $0x3;
	[sflag:s9] =	ssyncadd.s32 $0xFFFFC000  }
0x7e: {  	_ =	swait.ge [sflag:s10], $0x80  }
0x7f: {  	[sflag:s10] =	ssyncset.done $0x0  }
0x80: {  	s28 =	simm.s32 $0x13E00;
	s19 =	sadd.s32 s6, s16;
	[sflag:s10] =	ssyncadd.s32 $0xFFFFFF80  }
0x81: {  	[spmem:s29] =	stream.indirect.scatter.add.f32 [tilespmem:s21], [sflag:$0x5], $0x80, s28, s25, $0xb8;
	[tilespmem:$0x1FF00] =	vst v63  }
0x82: {  	_ = 	snop  }
0x83: {  	[tilespmem:s20], [sflag:$0x8] =	stream.linear.gather [hbm4b:s19+s4], $0x80, $0x38;
	[tilespmem:$0x1FF00] =	vst v63  }
0x84: {  	_ =	swait.ge [sflag:s11], $0x4000  }
0x85: {  	[sflag:s11] =	ssyncset.done $0x0  }
0x86: {  	[sflag:s11] =	ssyncadd.s32 $0xFFFFC000  }
0x87: {  	_ =	swait.ge [sflag:s12], $0x80  }
0x88: {  	[sflag:s12] =	ssyncset.done $0x0  }
0x89: {  	s19 =	sadd.s32 s6, s0;
	[sflag:s12] =	ssyncadd.s32 $0xFFFFFF80  }
0x8a: {  	[spmem:s29] =	stream.indirect.scatter.add.f32 [tilespmem:s26], [sflag:$0x6], $0x80, s23, s25, $0xb8;
	[tilespmem:$0x1FF00] =	vst v63  }
0x8b: {  	s24 =	simm.s32 $0x1BF00;
	s26 =	simm.s32 $0x7;
	_ =	sdelay $0x1  }
0x8c: {  	[tilespmem:s22], [sflag:$0x9] =	stream.linear.gather [hbm4b:s19+s4], $0x80, $0x38;
	[tilespmem:$0x1FF00] =	vst v63  }
0x8d: {  	s23 =	simm.s32 $0x13D00;
	s22 =	simm.s32 $0x8  }
0x8e: {  	_ =	swait.ge [sflag:s26], $0x80  }
0x8f: {  	[sflag:s26] =	ssyncset.done $0x0  }
0x90: {  	[sflag:s26] =	ssyncadd.s32 $0xFFFFFF80  }
0x91: {  	_ =	swait.ge [sflag:s13], $0x4000  }
0x92: {  	s18 =	sadd.s32 s8, s18;
	[sflag:s13] =	ssyncset.done $0x0  }
0x93: {  	[sflag:s13] =	ssyncadd.s32 $0xFFFFC000  }
0x94: {  	[tilespmem:s1], [sflag:$0xA] =	stream.linear.gather [hbm4b:s18+s4], $0x80, $0x38;
	[tilespmem:$0x1FF00] =	vst v63  }
0x95: {  	_ = 	snop  }
0x96: {  	[tilespmem:s3], [sflag:$0x1] =	stream.indirect.gather [hbm4b:s5+s25], $0x80, s30, s25, $0xb8;
	[tilespmem:$0x1FF00] =	vst v63  }
0x97: {  	_ =	swait.ge [sflag:s22], $0x80  }
0x98: {  	[sflag:s22] =	ssyncset.done $0x0  }
0x99: {  	[sflag:s22] =	ssyncadd.s32 $0xFFFFFF80  }
0x9a: {  	_ =	swait.ge [sflag:s14], $0x4000  }
0x9b: {  	s16 =	sadd.s32 s8, s16;
	[sflag:s14] =	ssyncset.done $0x0  }
0x9c: {  	[sflag:s14] =	ssyncadd.s32 $0xFFFFC000  }
0x9d: {  	[tilespmem:s28], [sflag:$0xB] =	stream.linear.gather [hbm4b:s16+s4], $0x80, $0x38;
	[tilespmem:$0x1FF00] =	vst v63  }
0x9e: {  	s28 =	simm.s32 $0x9;
	_ =	sdelay $0x1  }
0x9f: {  	[tilespmem:s21], [sflag:$0x2] =	stream.indirect.gather [hbm4b:s5+s25], $0x80, s20, s25, $0xb8;
	[tilespmem:$0x1FF00] =	vst v63  }
0xa0: {  	_ =	swait.ge [sflag:s28], $0x80  }
.Ltmp0:
0xa1: {  	[sflag:s28] =	ssyncset.done $0x0;
	(pc) =	sbr.rel @p0 .LBB2_2-.Ltmp0, $4  }
0xa2: {  	[sflag:s28] =	ssyncadd.s32 $0xFFFFFF80  }
0xa3: {  	_ =	swait.ge [sflag:s15], $0x4000  }
0xa4: {  	s0 =	sadd.s32 s8, s0;
	[sflag:s15] =	ssyncset.done $0x0  }
0xa5: {  	[sflag:s15] =	ssyncadd.s32 $0xFFFFC000  }
0xa6: {  	[tilespmem:s31], [sflag:$0xC] =	stream.linear.gather [hbm4b:s0+s4], $0x80, $0x38;
	[tilespmem:$0x1FF00] =	vst v63  }
0xa7: {  	_ = 	snop  }
0xa8: {  	[tilespmem:s24], [sflag:$0x3] =	stream.indirect.gather [hbm4b:s5+s25], $0x80, s23, s25, $0xb8;
	[tilespmem:$0x1FF00] =	vst v63  }
0xa9: {  	s23 =	simm.s32 $0x1  }
0xaa: {  	_ =	swait.ge [sflag:s23], $0x4000  }
0xab: {  	[sflag:s23] =	ssyncset.done $0x0  }
0xac: {  	[sflag:s23] =	ssyncadd.s32 $0xFFFFC000  }
0xad: {  	_ =	swait.ge [sflag:s2], $0x80  }
0xae: {  	[sflag:s2] =	ssyncset.done $0x0  }
0xaf: {  	[sflag:s2] =	ssyncadd.s32 $0xFFFFFF80  }
0xb0: {  	_ =	swait.ge [sflag:s9], $0x4000  }
0xb1: {  	[sflag:s9] =	ssyncset.done $0x0  }
0xb2: {  	[sflag:s9] =	ssyncadd.s32 $0xFFFFC000  }
0xb3: {  	_ =	swait.ge [sflag:s10], $0x80  }
0xb4: {  	[sflag:s10] =	ssyncset.done $0x0  }
0xb5: {  	[sflag:s10] =	ssyncadd.s32 $0xFFFFFF80  }
0xb6: {  	_ =	swait.ge [sflag:s11], $0x4000  }
0xb7: {  	[sflag:s11] =	ssyncset.done $0x0  }
0xb8: {  	[sflag:s11] =	ssyncadd.s32 $0xFFFFC000  }
0xb9: {  	_ =	swait.ge [sflag:s12], $0x80  }
0xba: {  	[sflag:s12] =	ssyncset.done $0x0  }
0xbb: {  	[sflag:s12] =	ssyncadd.s32 $0xFFFFFF80  }
0xbc: {  	[bflag:$0x0] =	sbarrier.arrive $0xFFFF  }
0xbd: {  	s24 =	rddreg [dreg:$0xb]  }
0xbe: {  	s3 =	rddreg [dreg:$0xe]  }
0xbf: {  	s23 =	simm.s32 $0xD;
	s16 =	rddreg [dreg:$0xf]  }
0xc0: {  	[hbm:s24], [sflag:s3] =	dma.local [spmem:s16], $0x2780  }
0xc1: {  	_ =	swait.ge [sflag:s23], $0x2780  }
0xc2: {  	s18 =	rddreg [dreg:$0xd]  }
0xc3: {  	s30 =	rddreg [dreg:$0xc];
	s18 =	sadd.s32 $0x1, s18  }
0xc4: {  	p0 =	sne.s32 s18, s30  }
.Ltmp1:
0xc5: {  	_ = 	snop;
	(pc) =	sbr.rel @p0 .LBB2_1-.Ltmp1, $4  }
0xc6: {  	_ = 	snop  }
0xc7: {  	s17 =	simm.s32 $0x13D80  }
0xc8: {  	s19 =	simm.s32 $0x13E00;
	s21 =	simm.s32 $0x17F00;
	[sflag:s23] =	ssyncset.done $0x0  }
0xc9: {  	s16 =	simm.s32 $0x13C00;
	s3 =	simm.s32 $0x13F00;
	[sflag:s23] =	ssyncadd.s32 $0xFFFFD880  }
0xca: {  	_ =	sfence.sel $0x180000  }
0xcb: {  	[bflag:$0x0] =	sbarrier.arrive $0xFFFF  }
0xcc: {  	_ =	strace $0x9000004A  }
0xcd: {  	s0 =	stileid.u32;
	[bflag:$0x2] =	sbarrier.arrive $0xFFFF  }
0xce: {  	p0 =	sne.s32 s0, $0x0;
	s0 =	rddreg [dreg:$0x3]  }
0xcf: {  	s0 =	sadd.s32 @!p0 $0x100000, s0  }
0xd0: {  	[sflag:s0] =	ssyncadd.tile.s32 @!p0 $0x1;
	_ =	shalt  }
.Lfunc_end2:
_tile_overlayer_lowered:
.L_overlay_start_2:
0xd1: {  	(tag) =	ssettag $0x2  }
0xd2: {  	s0 =	rddreg [dreg:$0x0];
	s2 =	stileid.u32  }
0xd3: {  	s1 =	rddreg [dreg:$0x1];
	p0 =	sne.s32 s2, $0x0  }
0xd4: {  	s3 =	rddreg [dreg:$0x2];
	[bflag:$0x3] =	sbarrier.arrive $0xFFFF;
	s2 =	simm.s32 @!p0 $0x1C0D  }
0xd5: {  	[timem:s3], [sflag:s2] =	dma.local @!p0 [hbm:s0], s1  }
0xd6: {  	s0 =	simm.s32 @!p0 $0xD  }
0xd7: {  	_ =	swait.ge @!p0 [sflag:s0], s1  }
0xd8: {  	s1 =	ssub.s32 @!p0 $0x0, s1;
	[sflag:s0] =	ssyncset.done @!p0 $0x0  }
0xd9: {  	[sflag:s0] =	ssyncadd.s32 @!p0 s1  }
0xda: {  	[bflag:$0x3] =	sbarrier.arrive $0xFFFF  }
0xdb: {  	_ =	shalt  }

// kernel: kernel.14.cloned.1.call-start
scs
__scs_entry_jumppad:
0x0: {  	(pc) =	sbr.rel $0x88, $3  }
0x1: {  	(tag) =	ssettag $0x0;
	lr =	simm.s32 $0x1  }
0x2: {  	[smem:$0x3F97] =	sst lr;
	_ =	strace $0xD0000000  }
0x3: {  	_ = 	snop  }
0x4: {  	_ = 	snop  }
0x5: {  	_ = 	snop  }
0x6: {  	_ = 	snop  }
0x7: {  	_ = 	snop  }
__scs_overlays_trampoline_lowered:
0x8: {  	[smem:$0x3FA6] =	sst s0  }
0x9: {  	[smem:$0x3FA7] =	sst s1  }
0xa: {  	[smem:$0x3FA8] =	sst s2  }
0xb: {  	[smem:$0x3FA9] =	sst s3  }
0xc: {  	[smem:$0x3FAA] =	sst s4  }
0xd: {  	[smem:$0x3FAB] =	sst s5  }
0xe: {  	[smem:$0x3FAC] =	sst s6  }
0xf: {  	[smem:$0x3FAD] =	sst s7  }
0x10: {  	[smem:$0x3FAE] =	sst s8  }
0x11: {  	[smem:$0x3FAF] =	sst s9;
	s0 =	simm.s32 @!p0 $0x0  }
0x12: {  	s1 =	sld [smem:$0x3F95];
	s0 =	simm.s32 @p0 $0x1  }
0x13: {  	[smem:$0x3FB0] =	sst s0;
	s0 =	simm.s32 @!p1 $0x0  }
0x14: {  	s2 =	sld [smem:$0x3F94];
	s0 =	simm.s32 @p1 $0x1  }
0x15: {  	[smem:$0x3FB1] =	sst s0;
	s0 =	simm.s32 @!p2 $0x0  }
0x16: {  	s3 =	sld [smem:$0x3FDB];
	s0 =	simm.s32 @p2 $0x1  }
0x17: {  	s4 =	simm.s32 $0x1BF5;
	[smem:$0x3FB3] =	sst s0  }
0x18: {  	s0 =	sld [smem:$0x3F96];
	_ =	swait.ge [sflag:s4], $0x0  }
0x19: {  	s7 =	sld [smem:$0x3F97]  }
0x1a: {  	s8 =	sadd.s32 $0xFFFFE003, lr  }
0x1b: {  	s9 =	sadd.s32 $0xFFFFFEF7, lr;
	s5 =	simm.s32 $0xFFFFFFFF;
	p2 =	slt.u32 s8, $0xFFFFF086  }
0x1c: {  	p1 =	slt.u32 s9, $0xF7A;
	s5 =	simm.s32 @!p2 $0x0  }
0x1d: {  	s5 =	simm.s32 @p1 $0x1;
	p0 =	seq.s32 s7, s2  }
0x1e: {  	s7 =	smul.u32 @!p0 $0xF7A, s2;
	p2 =	seq.s32 @!p0 s5, $0x0  }
0x1f: {  	s9 =	smul.u32 $0xF7A, s1;
	s8 =	simm.s32 @!p0 $0x1BF5;
	p2 =	por !p2, p0  }
0x20: {  	[sflag:s8] =	ssyncset.s32 @!p0 $0xFFFFF086;
	s6 =	sadd.s32 @!p0 s3, s7;
	s7 =	simm.s32 @!p0 $0x108  }
0x21: {  	s3 =	sadd.s32 s3, s9;
	s6 =	sadd.s32 @!p0 $0x88, s6;
	s7 =	simm.s32 @p2 $0x1082  }
0x22: {  	[simem:s7], [sflag:s8] =	dma.local @!p0 [hbm:s6], $0xF7A  }
0x23: {  	s9 =	sor.u32 $0xD0000000, s2;
	s6 =	simm.s32 $0x108;
	_ =	swait.ge @!p0 [sflag:s8], $0x0  }
0x24: {  	s3 =	sadd.s32 $0x88, s3;
	s6 =	simm.s32 @!p1 $0x1082;
	[sflag:s4] =	ssyncset.s32 $0xFFFFF086  }
0x25: {  	[simem:s6], [sflag:s4] =	dma.local [hbm:s3], $0xF7A  }
0x26: {  	[smem:$0x3F97] =	sst s1;
	(tag) =	ssettag s2;
	_ =	strace s9  }
0x27: {  	s1 =	sld [smem:$0x3FA7]  }
0x28: {  	s2 =	sld [smem:$0x3FA8]  }
0x29: {  	s4 =	sld [smem:$0x3FAA]  }
0x2a: {  	p0 =	seq.s32 s5, $0x0;
	s5 =	sld [smem:$0x3FAB]  }
0x2b: {  	s6 =	sld [smem:$0x3FAC]  }
0x2c: {  	s7 =	sld [smem:$0x3FAD]  }
0x2d: {  	s3 =	simm.s32 $0x108;
	s8 =	sld [smem:$0x3FAE]  }
0x2e: {  	s3 =	simm.s32 @!p0 $0x1082;
	s9 =	sld [smem:$0x3FAF]  }
0x2f: {  	lr =	sadd.s32 s0, s3;
	s0 =	sld [smem:$0x3FA6]  }
0x30: {  	s3 =	sld [smem:$0x3FA9]  }
0x31: {  	[smem:$0x3FB2] =	sst s10  }
0x32: {  	s10 =	sld [smem:$0x3FB0];
	_ =	sdelay $0x3  }
0x33: {  	p0 =	seq.s32 s10, $0x1;
	s10 =	sld [smem:$0x3FB2];
	_ =	sdelay $0x3  }
0x34: {  	[smem:$0x3FB2] =	sst s10  }
0x35: {  	s10 =	sld [smem:$0x3FB1];
	_ =	sdelay $0x3  }
0x36: {  	p1 =	seq.s32 s10, $0x1;
	s10 =	sld [smem:$0x3FB2];
	_ =	sdelay $0x3  }
0x37: {  	[smem:$0x3FB2] =	sst s10  }
0x38: {  	s10 =	sld [smem:$0x3FB3]  }
0x39: {  	_ = 	snop;
	(pc) =	sbr.ind lr, $3  }
0x3a: {  	_ = 	snop  }
0x3b: {  	_ = 	snop  }
0x3c: {  	p2 =	seq.s32 s10, $0x1;
	s10 =	sld [smem:$0x3FB2]  }
0x3d: {  	_ =	shalt  }
0x3e: {  	_ =	shalt  }
0x3f: {  	_ =	shalt  }
0x40: {  	_ =	shalt  }
0x41: {  	_ =	shalt  }
0x42: {  	_ =	shalt  }
0x43: {  	_ =	shalt  }
0x44: {  	_ =	shalt  }
0x45: {  	_ =	shalt  }
0x46: {  	_ =	shalt  }
0x47: {  	_ =	shalt  }
0x48: {  	_ =	shalt  }
0x49: {  	_ =	shalt  }
0x4a: {  	_ =	shalt  }
0x4b: {  	_ =	shalt  }
0x4c: {  	_ =	shalt  }
0x4d: {  	_ =	shalt  }
0x4e: {  	_ =	shalt  }
0x4f: {  	_ =	shalt  }
0x50: {  	_ =	shalt  }
0x51: {  	_ =	shalt  }
0x52: {  	_ =	shalt  }
0x53: {  	_ =	shalt  }
0x54: {  	_ =	shalt  }
0x55: {  	_ =	shalt  }
0x56: {  	_ =	shalt  }
0x57: {  	_ =	shalt  }
0x58: {  	_ =	shalt  }
0x59: {  	_ =	shalt  }
0x5a: {  	_ =	shalt  }
0x5b: {  	_ =	shalt  }
0x5c: {  	_ =	shalt  }
0x5d: {  	_ =	shalt  }
0x5e: {  	_ =	shalt  }
0x5f: {  	_ =	shalt  }
0x60: {  	_ =	shalt  }
0x61: {  	_ =	shalt  }
0x62: {  	_ =	shalt  }
0x63: {  	_ =	shalt  }
0x64: {  	_ =	shalt  }
0x65: {  	_ =	shalt  }
0x66: {  	_ =	shalt  }
0x67: {  	_ =	shalt  }
0x68: {  	_ =	shalt  }
0x69: {  	_ =	shalt  }
0x6a: {  	_ =	shalt  }
0x6b: {  	_ =	shalt  }
0x6c: {  	_ =	shalt  }
0x6d: {  	_ =	shalt  }
0x6e: {  	_ =	shalt  }
0x6f: {  	_ =	shalt  }
0x70: {  	_ =	shalt  }
0x71: {  	_ =	shalt  }
0x72: {  	_ =	shalt  }
0x73: {  	_ =	shalt  }
0x74: {  	_ =	shalt  }
0x75: {  	_ =	shalt  }
0x76: {  	_ =	shalt  }
0x77: {  	_ =	shalt  }
0x78: {  	_ =	shalt  }
0x79: {  	_ =	shalt  }
0x7a: {  	_ =	shalt  }
0x7b: {  	_ =	shalt  }
0x7c: {  	_ =	shalt  }
0x7d: {  	_ =	shalt  }
0x7e: {  	_ =	shalt  }
0x7f: {  	_ =	shalt  }
0x80: {  	_ =	shalt  }
0x81: {  	_ =	shalt  }
0x82: {  	_ =	shalt  }
0x83: {  	_ =	shalt  }
0x84: {  	_ =	shalt  }
0x85: {  	_ =	shalt  }
0x86: {  	_ =	shalt  }
0x87: {  	_ =	shalt  }
.Lfunc_end0:
.L_simem_size_0:
called_computation.2_lowered:
.L_overlay_start_0:
0x88: {  	s2 =	sld [smem:$0x3FD9]  }
0x89: {  	s3 =	sld [smem:$0x3FFE];
	_ =	sdelay $0x1  }
0x8a: {  	s1 =	srdreg.scid  }
0x8b: {  	s0 =	sand.u32 $0x1, s1  }
0x8c: {  	s17 =	sshll.u32 s0, $0xA;
	s2 =	sadd.s32 s3, s2  }
0x8d: {  	s2 =	sadd.s32 s2, s17  }
0x8e: {  	[smem:$0x3FBE] =	sst s2  }
0x8f: {  	_ = 	snop  }
0x90: {  	s2 =	sld [smem:$0x3FD0];
	(tm) =	ssettm $0x1  }
0x91: {  	s18 =	sld [smem:$0x3FFB];
	_ =	sdelay $0x3  }
0x92: {  	_ =	strace s18  }
0x93: {  	s3 =	sld [smem:$0x3FFC];
	_ =	sdelay $0x3  }
0x94: {  	_ =	strace s3  }
0x95: {  	s3 =	sld [smem:$0x3FFD];
	_ =	sdelay $0x3  }
0x96: {  	_ =	strace s3  }
0x97: {  	_ =	strace $0x8FFFFFFF  }
0x98: {  	s19 =	sld [smem:$0x3FDB];
	_ =	sdelay $0x1  }
0x99: {  	s4 =	simm.s32 $_scs_section_size  }
0x9a: {  	s5 =	simm.s32 $_size__tile_overlayer_lowered;
	s6 =	simm.s32 $_tile_overlayer_lowered  }
0x9b: {  	s22 =	simm.s32 $0x1BFF;
	s21 =	sshll.u32 s6, $0x1;
	s3 =	sadd.s32 s4, s19  }
0x9c: {  	s7 =	simm.s32 $0x0;
	s20 =	sshll.u32 s5, $0x1;
	s5 =	sadd.s32 s21, s3  }
0x9d: {  	[timem:s7], [sflag:s22] =	dma.local [hbm:s5], s20  }
0x9e: {  	_ =	swait.ge [sflag:s22], s20  }
0x9f: {  	s4 =	ssub.s32 $0x0, s20;
	[sflag:s22] =	ssyncset.done $0x0  }
0xa0: {  	[sflag:s22] =	ssyncadd.s32 s4;
	_ =	sdelay $0x1  }
0xa1: {  	s23 =	simm.s32 $0x1B8B  }
0xa2: {  	_ =	swait.ge [sflag:s23], $0x1  }
0xa3: {  	[sflag:s23] =	ssyncset.done $0x0  }
0xa4: {  	s25 =	simm.s32 $0x1B8E;
	s24 =	sld [smem:$0x3FFE];
	[sflag:s23] =	ssyncadd.s32 $0xFFFFFFFF  }
0xa5: {  	s26 =	simm.s32 $execute0_lowered;
	[smem:$0x3FD2] =	sst s25  }
0xa6: {  	s5 =	sshll.u32 s26, $0x1;
	_ =	strace $0x8000004C;
	[dreg:$0x1] =	wrdreg $0xFFFFFFFF  }
0xa7: {  	s28 =	simm.s32 $_size_execute0_lowered;
	s3 =	sadd.s32 s3, s5;
	[dreg:$0x0] =	wrdreg $0x0  }
0xa8: {  	s5 =	sshll.u32 s28, $0x1;
	[dreg:$0x2] =	wrdreg s3  }
0xa9: {  	[dreg:$0x3] =	wrdreg s5  }
0xaa: {  	[dreg:$0x4] =	wrdreg $0xC0  }
0xab: {  	_ =	task [dreg:s7], $0x5FFFF  }
0xac: {  	[dreg:$0x1] =	wrdreg $0xFFFFFFFF  }
0xad: {  	[dreg:$0x0] =	wrdreg $0x60  }
0xae: {  	[dreg:$0x2] =	wrdreg s24  }
0xaf: {  	[dreg:$0x3] =	wrdreg s2  }
0xb0: {  	[dreg:$0x4] =	wrdreg $0x0  }
0xb1: {  	[dreg:$0x5] =	wrdreg $0x9  }
0xb2: {  	_ =	task.clear_ibuf [dreg:s7], $0x6FFFF;
	_ =	strace $0x9000004C  }
0xb3: {  	s29 =	simm.s32 $0x9;
	_ =	strace $0x8000004E  }
0xb4: {  	_ =	swait.ge [sflag:s29], $0x1  }
0xb5: {  	[sflag:s29] =	ssyncadd.s32 $0xFFFFFFFF  }
0xb6: {  	_ =	strace $0x9000004E  }
0xb7: {  	_ =	sfence  }
0xb8: {  	s30 =	sld [smem:$0x0];
	_ =	sdelay $0x2  }
0xb9: {  	s31 =	sshll.u32 s1, $0xD;
	s1 =	sshrl.u32 s1, $0x2  }
0xba: {  	s3 =	sand.u32 $0x4000, s31;
	s1 =	sadd.s32 s1, s30  }
0xbb: {  	s0 =	sor.u32 s3, s0;
	s1 =	sshll.u32 s1, $0x11  }
0xbc: {  	s0 =	sor.u32 s1, s0  }
0xbd: {  	s0 =	sadd.s32 $0x8F2B, s0  }
0xbe: {  	[sflag:s0] =	ssyncadd.remote.s32 $0x1  }
0xbf: {  	_ =	sfence.sel $0xFFFF  }
0xc0: {  	[dreg:$0x0] =	wrdreg $0xFFFFFFFF;
	(pc) =	sbr.abs _section_cstart, $3  }
0xc1: {  	[dreg:$0x1] =	wrdreg $0xFFFFFFFF  }
0xc2: {  	_ =	task.clear_ibuf [dreg:s7], $0x2FFFF;
	_ =	strace $0x9FFFFFFF  }
0xc3: {  	(tm) =	ssettm $0x7FFFFFFF  }
tec
execute0_lowered:
.L_overlay_start_1:
0x0: {  	(tag) =	ssettag $0x1  }
0x1: {  	s0 =	rddreg [dreg:$0x0]  }
0x2: {  	s29 =	rddreg [dreg:$0x2];
	s1 =	srdreg.scid  }
0x3: {  	s4 =	simm.s32 $0x0;
	s11 =	stileid.u32;
	s16 =	simm.s32 $0x13C00  }
0x4: {  	s17 =	simm.s32 $0x13D80;
	s19 =	simm.s32 $0x13E00;
	s3 =	simm.s32 $0x13F00  }
0x5: {  	s28 =	simm.s32 $0x9;
	s13 =	simm.s32 $0x4;
	s14 =	simm.s32 $0x5  }
0x6: {  	s15 =	simm.s32 $0x6;
	s18 =	simm.s32 $0x0;
	s31 =	simm.s32 $0x13E80  }
0x7: {  	s1 =	sand.u32 $0x1, s1;
	[smem:$0x7FF] =	sst s4;
	s9 =	smul.u32 $0x13C00, s11  }
0x8: {  	s5 =	sshll.u32 s11, $0x1;
	s6 =	sadd.s32 $0x5CC00, s0;
	s11 =	smul.u32 $0x4F000, s11  }
0x9: {  	s8 =	sadd.s32 $0x2400, s0;
	s2 =	smul.u32 $0x13C000, s1;
	_ =	strace $0x8000004D  }
0xa: {  	s7 =	sor.u32 s1, s5;
	s5 =	sadd.s32 $0xD400, s0;
	s1 =	ssub.s32 $0x2, s1  }
0xb: {  	s7 =	smul.u32 $0x2C00, s7;
	s20 =	sshrl.u32 s1, $0x1;
	s26 =	sshrl.u32 s11, $0x2  }
0xc: {  	s11 =	simm.s32 $0x3;
	s2 =	sadd.s32 s9, s2;
	s1 =	ssub.s32 s1, s20  }
0xd: {  	s20 =	simm.s32 $0x13C80;
	s9 =	simm.s32 $0x2;
	s2 =	sshrl.u32 s2, $0x3  }
0xe: {  	s10 =	sshrl.u32 s7, $0x3;
	s30 =	smax.u32 s1, $0x1;
	s0 =	sadd.s32 s2, s0  }
0xf: {  	s21 =	sadd.s32 s6, s10;
	s22 =	sor.u32 $0x10, s10;
	[dreg:$0xc] =	wrdreg s30  }
0x10: {  	s23 =	sor.u32 $0x20, s10;
	s10 =	sadd.s32 s8, s10;
	[dreg:$0x4] =	wrdreg s21  }
0x11: {  	s12 =	sadd.s32 s6, s22;
	s24 =	sadd.s32 s6, s23;
	[dreg:$0x7] =	wrdreg s10  }
0x12: {  	s2 =	sadd.s32 s8, s22;
	s25 =	sadd.s32 s8, s23;
	[dreg:$0x5] =	wrdreg s12  }
0x13: {  	s0 =	sadd.s32 $0x67C00, s0;
	s22 =	simm.s32 $0x8;
	[dreg:$0x6] =	wrdreg s24  }
0x14: {  	s21 =	simm.s32 $0x17F00;
	s23 =	simm.s32 $0xD;
	[dreg:$0x8] =	wrdreg s2  }
0x15: {  	s10 =	simm.s32 $0xB;
	[dreg:$0x9] =	wrdreg s25;
	s2 =	sadd.s32 s26, s29  }
0x16: {  	[dreg:$0xb] =	wrdreg s0;
	s26 =	simm.s32 $0x7;
	s25 =	simm.s32 $0x80  }
0x17: {  	s12 =	simm.s32 $0xC;
	[dreg:$0xa] =	wrdreg s2;
	s2 =	simm.s32 $0xA  }
.LBB2_1:
0x18: {  	[dreg:$0xd] =	wrdreg s18  }
0x19: {  	s0 =	rddreg [dreg:$0x4]  }
0x1a: {  	[tilespmem:s16], [sflag:$0x7] =	stream.linear.gather [hbm4b:s0+s4], $0x80, $0x38;
	[tilespmem:$0x1FF00] =	vst v63  }
0x1b: {  	s18 =	rddreg [dreg:$0x5]  }
0x1c: {  	[tilespmem:s20], [sflag:$0x8] =	stream.linear.gather [hbm4b:s18+s4], $0x80, $0x38;
	[tilespmem:$0x1FF00] =	vst v63  }
0x1d: {  	s24 =	rddreg [dreg:$0x6];
	s18 =	simm.s32 $0x13D00  }
0x1e: {  	[tilespmem:s18], [sflag:$0x9] =	stream.linear.gather [hbm4b:s24+s4], $0x80, $0x38;
	[tilespmem:$0x1FF00] =	vst v63  }
0x1f: {  	s30 =	rddreg [dreg:$0x7]  }
0x20: {  	[tilespmem:s17], [sflag:$0xA] =	stream.linear.gather [hbm4b:s30+s4], $0x80, $0x38;
	[tilespmem:$0x1FF00] =	vst v63  }
0x21: {  	s1 =	rddreg [dreg:$0x8]  }
0x22: {  	[tilespmem:s19], [sflag:$0xB] =	stream.linear.gather [hbm4b:s1+s4], $0x80, $0x38;
	[tilespmem:$0x1FF00] =	vst v63  }
0x23: {  	s24 =	rddreg [dreg:$0x9];
	s19 =	simm.s32 $0x13E80  }
0x24: {  	[tilespmem:s19], [sflag:$0xC] =	stream.linear.gather [hbm4b:s24+s4], $0x80, $0x38;
	[tilespmem:$0x1FF00] =	vst v63  }
0x25: {  	_ =	swait.ge [sflag:s26], $0x80  }
0x26: {  	[sflag:s26] =	ssyncset.done $0x0  }
0x27: {  	[sflag:s26] =	ssyncadd.s32 $0xFFFFFF80  }
0x28: {  	[tilespmem:s3], [sflag:$0x1] =	stream.indirect.gather [hbm4b:s5+s25], $0x80, s16, s25, $0xb8;
	[tilespmem:$0x1FF00] =	vst v63  }
0x29: {  	_ =	swait.ge [sflag:s22], $0x80  }
0x2a: {  	s30 =	stileid.u32;
	[sflag:s22] =	ssyncset.done $0x0  }
0x2b: {  	s0 =	sshll.u32 s30, $0x6;
	[sflag:s22] =	ssyncadd.s32 $0xFFFFFF80  }
0x2c: {  	[tilespmem:s21], [sflag:$0x2] =	stream.indirect.gather [hbm4b:s5+s25], $0x80, s20, s25, $0xb8;
	[tilespmem:$0x1FF00] =	vst v63  }
0x2d: {  	s1 =	sor.u32 $0x1C0D, s0;
	_ =	swait.ge [sflag:s28], $0x80  }
0x2e: {  	[dreg:$0xe] =	wrdreg s1;
	[sflag:s28] =	ssyncset.done $0x0  }
0x2f: {  	s22 =	simm.s32 $0x1BF00;
	s24 =	rddreg [dreg:$0xa];
	[sflag:s28] =	ssyncadd.s32 $0xFFFFFF80  }
0x30: {  	[tilespmem:s22], [sflag:$0x3] =	stream.indirect.gather [hbm4b:s5+s25], $0x80, s18, s25, $0xb8;
	[tilespmem:$0x1FF00] =	vst v63  }
0x31: {  	s24 =	sshrl.u32 s24, $0x3;
	s30 =	rddreg [dreg:$0x1]  }
0x32: {  	[dreg:$0xf] =	wrdreg s24  }
0x33: {  	[spmem:s24], [sflag:s1] =	dma.local [hbm:s30], $0x2780  }
0x34: {  	_ =	swait.ge [sflag:s23], $0x2780  }
0x35: {  	[sflag:s23] =	ssyncset.done $0x0  }
0x36: {  	[sflag:s23] =	ssyncadd.s32 $0xFFFFD880  }
0x37: {  	s1 =	simm.s32 $0x1;
	[bflag:$0x0] =	sbarrier.arrive $0xFFFF  }
0x38: {  	p0 =	por $0x0, $0x0;
	s0 =	simm.s32 $0x180;
	_ =	swait.ge [sflag:s1], $0x4000  }
0x39: {  	s0 =	simm.s32 @p0 $0x0;
	[sflag:s1] =	ssyncset.done $0x0  }
0x3a: {  	[sflag:s1] =	ssyncadd.s32 $0xFFFFC000;
	s1 =	sand.u32 $0x3C00, s0  }
0x3b: {  	s0 =	sand.u32 $0x380, s0;
	_ =	swait.ge [sflag:s2], $0x80;
	s16 =	sadd.s32 s7, s1  }
0x3c: {  	[sflag:s2] =	ssyncset.done $0x0;
	s0 =	sor.u32 s0, s16  }
0x3d: {  	[sflag:s2] =	ssyncadd.s32 $0xFFFFFF80;
	s30 =	sshrl.u32 s0, $0x3  }
0x3e: {  	[spmem:s29] =	stream.indirect.scatter.add.f32 [tilespmem:s3], [sflag:$0x4], $0x80, s17, s25, $0xb8;
	[tilespmem:$0x1FF00] =	vst v63  }
0x3f: {  	s24 =	simm.s32 $0x13C00;
	s17 =	sadd.s32 s6, s30  }
0x40: {  	[tilespmem:s24], [sflag:$0x7] =	stream.linear.gather [hbm4b:s17+s4], $0x80, $0x38;
	[tilespmem:$0x1FF00] =	vst v63  }
0x41: {  	s16 =	simm.s32 $0x200;
	_ =	swait.ge [sflag:s9], $0x4000  }
0x42: {  	s16 =	simm.s32 @p0 $0x80;
	[sflag:s9] =	ssyncset.done $0x0  }
0x43: {  	s0 =	sand.u32 $0x3C00, s16;
	[sflag:s9] =	ssyncadd.s32 $0xFFFFC000  }
0x44: {  	s16 =	sand.u32 $0x380, s16;
	s17 =	sadd.s32 s7, s0;
	_ =	swait.ge [sflag:s10], $0x80  }
0x45: {  	s16 =	sor.u32 s16, s17;
	[sflag:s10] =	ssyncset.done $0x0  }
0x46: {  	s23 =	simm.s32 $0x13E00;
	s16 =	sshrl.u32 s16, $0x3;
	[sflag:s10] =	ssyncadd.s32 $0xFFFFFF80  }
0x47: {  	[spmem:s29] =	stream.indirect.scatter.add.f32 [tilespmem:s21], [sflag:$0x5], $0x80, s23, s25, $0xb8;
	[tilespmem:$0x1FF00] =	vst v63  }
0x48: {  	s0 =	sadd.s32 s6, s16  }
0x49: {  	[tilespmem:s20], [sflag:$0x8] =	stream.linear.gather [hbm4b:s0+s4], $0x80, $0x38;
	[tilespmem:$0x1FF00] =	vst v63  }
0x4a: {  	s17 =	simm.s32 $0x280;
	_ =	swait.ge [sflag:s11], $0x4000  }
0x4b: {  	s17 =	simm.s32 @p0 $0x100;
	[sflag:s11] =	ssyncset.done $0x0  }
0x4c: {  	s0 =	sand.u32 $0x3C00, s17;
	[sflag:s11] =	ssyncadd.s32 $0xFFFFC000  }
0x4d: {  	s17 =	sand.u32 $0x380, s17;
	s0 =	sadd.s32 s7, s0;
	_ =	swait.ge [sflag:s12], $0x80  }
0x4e: {  	s0 =	sor.u32 s17, s0;
	[sflag:s12] =	ssyncset.done $0x0  }
0x4f: {  	s0 =	sshrl.u32 s0, $0x3;
	[sflag:s12] =	ssyncadd.s32 $0xFFFFFF80  }
0x50: {  	[spmem:s29] =	stream.indirect.scatter.add.f32 [tilespmem:s22], [sflag:$0x6], $0x80, s19, s25, $0xb8;
	[tilespmem:$0x1FF00] =	vst v63  }
0x51: {  	s22 =	sadd.s32 s6, s0  }
0x52: {  	[tilespmem:s18], [sflag:$0x9] =	stream.linear.gather [hbm4b:s22+s4], $0x80, $0x38;
	[tilespmem:$0x1FF00] =	vst v63  }
0x53: {  	_ =	swait.ge [sflag:s26], $0x80  }
0x54: {  	[sflag:s26] =	ssyncset.done $0x0  }
0x55: {  	[sflag:s26] =	ssyncadd.s32 $0xFFFFFF80  }
0x56: {  	_ =	swait.ge [sflag:s13], $0x4000  }
0x57: {  	[sflag:s13] =	ssyncset.done $0x0  }
0x58: {  	s1 =	simm.s32 $0x13D80;
	s30 =	sadd.s32 s8, s30;
	[sflag:s13] =	ssyncadd.s32 $0xFFFFC000  }
0x59: {  	[tilespmem:s1], [sflag:$0xA] =	stream.linear.gather [hbm4b:s30+s4], $0x80, $0x38;
	[tilespmem:$0x1FF00] =	vst v63  }
0x5a: {  	s19 =	simm.s32 $0x8  }
0x5b: {  	[tilespmem:s3], [sflag:$0x1] =	stream.indirect.gather [hbm4b:s5+s25], $0x80, s24, s25, $0xb8;
	[tilespmem:$0x1FF00] =	vst v63  }
0x5c: {  	_ =	swait.ge [sflag:s19], $0x80  }
0x5d: {  	[sflag:s19] =	ssyncset.done $0x0  }
0x5e: {  	[sflag:s19] =	ssyncadd.s32 $0xFFFFFF80  }
0x5f: {  	_ =	swait.ge [sflag:s14], $0x4000  }
0x60: {  	[sflag:s14] =	ssyncset.done $0x0  }
0x61: {  	s16 =	sadd.s32 s8, s16;
	[sflag:s14] =	ssyncadd.s32 $0xFFFFC000  }
0x62: {  	[tilespmem:s23], [sflag:$0xB] =	stream.linear.gather [hbm4b:s16+s4], $0x80, $0x38;
	[tilespmem:$0x1FF00] =	vst v63  }
0x63: {  	_ = 	snop  }
0x64: {  	[tilespmem:s21], [sflag:$0x2] =	stream.indirect.gather [hbm4b:s5+s25], $0x80, s20, s25, $0xb8;
	[tilespmem:$0x1FF00] =	vst v63  }
0x65: {  	_ =	swait.ge [sflag:s28], $0x80  }
0x66: {  	[sflag:s28] =	ssyncset.done $0x0  }
0x67: {  	[sflag:s28] =	ssyncadd.s32 $0xFFFFFF80  }
0x68: {  	_ =	swait.ge [sflag:s15], $0x4000  }
0x69: {  	s17 =	simm.s32 $0x400;
	s0 =	sadd.s32 s8, s0;
	[sflag:s15] =	ssyncset.done $0x0  }
0x6a: {  	s3 =	simm.s32 $0x13F00;
	s21 =	simm.s32 $0x17F00;
	[sflag:s15] =	ssyncadd.s32 $0xFFFFC000  }
.LBB2_2:
0x6b: {  	s23 =	simm.s32 $0x13E80  }
0x6c: {  	p0 =	sne.s32 s17, $0x2980;
	s22 =	simm.s32 $0x13D00;
	s26 =	simm.s32 $0x1BF00  }
0x6d: {  	[tilespmem:s23], [sflag:$0xC] =	stream.linear.gather [hbm4b:s0+s4], $0x80, $0x38;
	[tilespmem:$0x1FF00] =	vst v63  }
0x6e: {  	s1 =	simm.s32 $0x1;
	s0 =	smov.u32 s17;
	s17 =	sadd.s32 $0x180, s17  }
0x6f: {  	s16 =	sadd.s32 $0xFFFFFF80, s0;
	p1 =	seq.s32 s0, $0x2980;
	s18 =	sadd.s32 $0xFFFFFF00, s0  }
0x70: {  	[tilespmem:s26], [sflag:$0x3] =	stream.indirect.gather [hbm4b:s5+s25], $0x80, s22, s25, $0xb8;
	[tilespmem:$0x1FF00] =	vst v63  }
0x71: {  	s30 =	simm.s32 $0x13C00;
	s18 =	simm.s32 @p1 $0x0;
	_ =	swait.ge [sflag:s1], $0x4000  }
0x72: {  	s16 =	simm.s32 @p1 $0x80;
	s19 =	sand.u32 $0x3C00, s18;
	[sflag:s1] =	ssyncset.done $0x0  }
0x73: {  	s20 =	sand.u32 $0x3C00, s16;
	s18 =	sand.u32 $0x380, s18;
	[sflag:s1] =	ssyncadd.s32 $0xFFFFC000  }
0x74: {  	s19 =	sadd.s32 s7, s19;
	s20 =	sadd.s32 s7, s20;
	_ =	swait.ge [sflag:s2], $0x80  }
0x75: {  	s16 =	sand.u32 $0x380, s16;
	s18 =	sor.u32 s18, s19;
	[sflag:s2] =	ssyncset.done $0x0  }
0x76: {  	s16 =	sor.u32 s16, s20;
	s1 =	simm.s32 $0x13D80;
	[sflag:s2] =	ssyncadd.s32 $0xFFFFFF80  }
0x77: {  	[spmem:s29] =	stream.indirect.scatter.add.f32 [tilespmem:s3], [sflag:$0x4], $0x80, s1, s25, $0xb8;
	[tilespmem:$0x1FF00] =	vst v63  }
0x78: {  	s0 =	simm.s32 @p1 $0x100;
	s18 =	sshrl.u32 s18, $0x3;
	s16 =	sshrl.u32 s16, $0x3  }
0x79: {  	s20 =	sand.u32 $0x3C00, s0;
	s0 =	sand.u32 $0x380, s0;
	s19 =	sadd.s32 s6, s18  }
0x7a: {  	[tilespmem:s30], [sflag:$0x7] =	stream.linear.gather [hbm4b:s19+s4], $0x80, $0x38;
	[tilespmem:$0x1FF00] =	vst v63  }
0x7b: {  	s19 =	sadd.s32 s7, s20;
	s20 =	simm.s32 $0x13C80;
	_ =	swait.ge [sflag:s9], $0x4000  }
0x7c: {  	s0 =	sor.u32 s0, s19;
	[sflag:s9] =	ssyncset.done $0x0  }
0x7d: {  	s0 =	sshrl.u32 s0, $0x3;
	[sflag:s9] =	ssyncadd.s32 $0xFFFFC000  }
0x7e: {  	_ =	swait.ge [sflag:s10], $0x80  }
0x7f: {  	[sflag:s10] =	ssyncset.done $0x0  }
0x80: {  	s28 =	simm.s32 $0x13E00;
	s19 =	sadd.s32 s6, s16;
	[sflag:s10] =	ssyncadd.s32 $0xFFFFFF80  }
0x81: {  	[spmem:s29] =	stream.indirect.scatter.add.f32 [tilespmem:s21], [sflag:$0x5], $0x80, s28, s25, $0xb8;
	[tilespmem:$0x1FF00] =	vst v63  }
0x82: {  	_ = 	snop  }
0x83: {  	[tilespmem:s20], [sflag:$0x8] =	stream.linear.gather [hbm4b:s19+s4], $0x80, $0x38;
	[tilespmem:$0x1FF00] =	vst v63  }
0x84: {  	_ =	swait.ge [sflag:s11], $0x4000  }
0x85: {  	[sflag:s11] =	ssyncset.done $0x0  }
0x86: {  	[sflag:s11] =	ssyncadd.s32 $0xFFFFC000  }
0x87: {  	_ =	swait.ge [sflag:s12], $0x80  }
0x88: {  	[sflag:s12] =	ssyncset.done $0x0  }
0x89: {  	s19 =	sadd.s32 s6, s0;
	[sflag:s12] =	ssyncadd.s32 $0xFFFFFF80  }
0x8a: {  	[spmem:s29] =	stream.indirect.scatter.add.f32 [tilespmem:s26], [sflag:$0x6], $0x80, s23, s25, $0xb8;
	[tilespmem:$0x1FF00] =	vst v63  }
0x8b: {  	s24 =	simm.s32 $0x1BF00;
	s26 =	simm.s32 $0x7;
	_ =	sdelay $0x1  }
0x8c: {  	[tilespmem:s22], [sflag:$0x9] =	stream.linear.gather [hbm4b:s19+s4], $0x80, $0x38;
	[tilespmem:$0x1FF00] =	vst v63  }
0x8d: {  	s23 =	simm.s32 $0x13D00;
	s22 =	simm.s32 $0x8  }
0x8e: {  	_ =	swait.ge [sflag:s26], $0x80  }
0x8f: {  	[sflag:s26] =	ssyncset.done $0x0  }
0x90: {  	[sflag:s26] =	ssyncadd.s32 $0xFFFFFF80  }
0x91: {  	_ =	swait.ge [sflag:s13], $0x4000  }
0x92: {  	s18 =	sadd.s32 s8, s18;
	[sflag:s13] =	ssyncset.done $0x0  }
0x93: {  	[sflag:s13] =	ssyncadd.s32 $0xFFFFC000  }
0x94: {  	[tilespmem:s1], [sflag:$0xA] =	stream.linear.gather [hbm4b:s18+s4], $0x80, $0x38;
	[tilespmem:$0x1FF00] =	vst v63  }
0x95: {  	_ = 	snop  }
0x96: {  	[tilespmem:s3], [sflag:$0x1] =	stream.indirect.gather [hbm4b:s5+s25], $0x80, s30, s25, $0xb8;
	[tilespmem:$0x1FF00] =	vst v63  }
0x97: {  	_ =	swait.ge [sflag:s22], $0x80  }
0x98: {  	[sflag:s22] =	ssyncset.done $0x0  }
0x99: {  	[sflag:s22] =	ssyncadd.s32 $0xFFFFFF80  }
0x9a: {  	_ =	swait.ge [sflag:s14], $0x4000  }
0x9b: {  	s16 =	sadd.s32 s8, s16;
	[sflag:s14] =	ssyncset.done $0x0  }
0x9c: {  	[sflag:s14] =	ssyncadd.s32 $0xFFFFC000  }
0x9d: {  	[tilespmem:s28], [sflag:$0xB] =	stream.linear.gather [hbm4b:s16+s4], $0x80, $0x38;
	[tilespmem:$0x1FF00] =	vst v63  }
0x9e: {  	s28 =	simm.s32 $0x9;
	_ =	sdelay $0x1  }
0x9f: {  	[tilespmem:s21], [sflag:$0x2] =	stream.indirect.gather [hbm4b:s5+s25], $0x80, s20, s25, $0xb8;
	[tilespmem:$0x1FF00] =	vst v63  }
0xa0: {  	_ =	swait.ge [sflag:s28], $0x80  }
.Ltmp0:
0xa1: {  	[sflag:s28] =	ssyncset.done $0x0;
	(pc) =	sbr.rel @p0 .LBB2_2-.Ltmp0, $4  }
0xa2: {  	[sflag:s28] =	ssyncadd.s32 $0xFFFFFF80  }
0xa3: {  	_ =	swait.ge [sflag:s15], $0x4000  }
0xa4: {  	s0 =	sadd.s32 s8, s0;
	[sflag:s15] =	ssyncset.done $0x0  }
0xa5: {  	[sflag:s15] =	ssyncadd.s32 $0xFFFFC000  }
0xa6: {  	[tilespmem:s31], [sflag:$0xC] =	stream.linear.gather [hbm4b:s0+s4], $0x80, $0x38;
	[tilespmem:$0x1FF00] =	vst v63  }
0xa7: {  	_ = 	snop  }
0xa8: {  	[tilespmem:s24], [sflag:$0x3] =	stream.indirect.gather [hbm4b:s5+s25], $0x80, s23, s25, $0xb8;
	[tilespmem:$0x1FF00] =	vst v63  }
0xa9: {  	s23 =	simm.s32 $0x1  }
0xaa: {  	_ =	swait.ge [sflag:s23], $0x4000  }
0xab: {  	[sflag:s23] =	ssyncset.done $0x0  }
0xac: {  	[sflag:s23] =	ssyncadd.s32 $0xFFFFC000  }
0xad: {  	_ =	swait.ge [sflag:s2], $0x80  }
0xae: {  	[sflag:s2] =	ssyncset.done $0x0  }
0xaf: {  	[sflag:s2] =	ssyncadd.s32 $0xFFFFFF80  }
0xb0: {  	_ =	swait.ge [sflag:s9], $0x4000  }
0xb1: {  	[sflag:s9] =	ssyncset.done $0x0  }
0xb2: {  	[sflag:s9] =	ssyncadd.s32 $0xFFFFC000  }
0xb3: {  	_ =	swait.ge [sflag:s10], $0x80  }
0xb4: {  	[sflag:s10] =	ssyncset.done $0x0  }
0xb5: {  	[sflag:s10] =	ssyncadd.s32 $0xFFFFFF80  }
0xb6: {  	_ =	swait.ge [sflag:s11], $0x4000  }
0xb7: {  	[sflag:s11] =	ssyncset.done $0x0  }
0xb8: {  	[sflag:s11] =	ssyncadd.s32 $0xFFFFC000  }
0xb9: {  	_ =	swait.ge [sflag:s12], $0x80  }
0xba: {  	[sflag:s12] =	ssyncset.done $0x0  }
0xbb: {  	[sflag:s12] =	ssyncadd.s32 $0xFFFFFF80  }
0xbc: {  	[bflag:$0x0] =	sbarrier.arrive $0xFFFF  }
0xbd: {  	s24 =	rddreg [dreg:$0xb]  }
0xbe: {  	s3 =	rddreg [dreg:$0xe]  }
0xbf: {  	s23 =	simm.s32 $0xD;
	s16 =	rddreg [dreg:$0xf]  }
0xc0: {  	[hbm:s24], [sflag:s3] =	dma.local [spmem:s16], $0x2780  }
0xc1: {  	_ =	swait.ge [sflag:s23], $0x2780  }
0xc2: {  	s18 =	rddreg [dreg:$0xd]  }
0xc3: {  	s30 =	rddreg [dreg:$0xc];
	s18 =	sadd.s32 $0x1, s18  }
0xc4: {  	p0 =	sne.s32 s18, s30  }
.Ltmp1:
0xc5: {  	_ = 	snop;
	(pc) =	sbr.rel @p0 .LBB2_1-.Ltmp1, $4  }
0xc6: {  	_ = 	snop  }
0xc7: {  	s17 =	simm.s32 $0x13D80  }
0xc8: {  	s19 =	simm.s32 $0x13E00;
	s21 =	simm.s32 $0x17F00;
	[sflag:s23] =	ssyncset.done $0x0  }
0xc9: {  	s16 =	simm.s32 $0x13C00;
	s3 =	simm.s32 $0x13F00;
	[sflag:s23] =	ssyncadd.s32 $0xFFFFD880  }
0xca: {  	_ =	sfence.sel $0x180000  }
0xcb: {  	[bflag:$0x0] =	sbarrier.arrive $0xFFFF  }
0xcc: {  	_ =	strace $0x9000004D  }
0xcd: {  	s0 =	stileid.u32;
	[bflag:$0x2] =	sbarrier.arrive $0xFFFF  }
0xce: {  	p0 =	sne.s32 s0, $0x0;
	s0 =	rddreg [dreg:$0x3]  }
0xcf: {  	s0 =	sadd.s32 @!p0 $0x100000, s0  }
0xd0: {  	[sflag:s0] =	ssyncadd.tile.s32 @!p0 $0x1;
	_ =	shalt  }
.Lfunc_end2:
_tile_overlayer_lowered:
.L_overlay_start_2:
0xd1: {  	(tag) =	ssettag $0x2  }
0xd2: {  	s0 =	rddreg [dreg:$0x0];
	s2 =	stileid.u32  }
0xd3: {  	s1 =	rddreg [dreg:$0x1];
	p0 =	sne.s32 s2, $0x0  }
0xd4: {  	s3 =	rddreg [dreg:$0x2];
	[bflag:$0x3] =	sbarrier.arrive $0xFFFF;
	s2 =	simm.s32 @!p0 $0x1C0D  }
0xd5: {  	[timem:s3], [sflag:s2] =	dma.local @!p0 [hbm:s0], s1  }
0xd6: {  	s0 =	simm.s32 @!p0 $0xD  }
0xd7: {  	_ =	swait.ge @!p0 [sflag:s0], s1  }
0xd8: {  	s1 =	ssub.s32 @!p0 $0x0, s1;
	[sflag:s0] =	ssyncset.done @!p0 $0x0  }
0xd9: {  	[sflag:s0] =	ssyncadd.s32 @!p0 s1  }
0xda: {  	[bflag:$0x3] =	sbarrier.arrive $0xFFFF  }
0xdb: {  	_ =	shalt  }

// kernel: kernel.8.cloned.1.call-start
scs
__scs_entry_jumppad:
0x0: {  	(pc) =	sbr.rel $0x88, $3  }
0x1: {  	(tag) =	ssettag $0x0;
	lr =	simm.s32 $0x1  }
0x2: {  	[smem:$0x3F97] =	sst lr;
	_ =	strace $0xD0000000  }
0x3: {  	_ = 	snop  }
0x4: {  	_ = 	snop  }
0x5: {  	_ = 	snop  }
0x6: {  	_ = 	snop  }
0x7: {  	_ = 	snop  }
__scs_overlays_trampoline_lowered:
0x8: {  	[smem:$0x3FA6] =	sst s0  }
0x9: {  	[smem:$0x3FA7] =	sst s1  }
0xa: {  	[smem:$0x3FA8] =	sst s2  }
0xb: {  	[smem:$0x3FA9] =	sst s3  }
0xc: {  	[smem:$0x3FAA] =	sst s4  }
0xd: {  	[smem:$0x3FAB] =	sst s5  }
0xe: {  	[smem:$0x3FAC] =	sst s6  }
0xf: {  	[smem:$0x3FAD] =	sst s7  }
0x10: {  	[smem:$0x3FAE] =	sst s8  }
0x11: {  	[smem:$0x3FAF] =	sst s9;
	s0 =	simm.s32 @!p0 $0x0  }
0x12: {  	s1 =	sld [smem:$0x3F95];
	s0 =	simm.s32 @p0 $0x1  }
0x13: {  	[smem:$0x3FB0] =	sst s0;
	s0 =	simm.s32 @!p1 $0x0  }
0x14: {  	s2 =	sld [smem:$0x3F94];
	s0 =	simm.s32 @p1 $0x1  }
0x15: {  	[smem:$0x3FB1] =	sst s0;
	s0 =	simm.s32 @!p2 $0x0  }
0x16: {  	s3 =	sld [smem:$0x3FDB];
	s0 =	simm.s32 @p2 $0x1  }
0x17: {  	s4 =	simm.s32 $0x1BF5;
	[smem:$0x3FB3] =	sst s0  }
0x18: {  	s0 =	sld [smem:$0x3F96];
	_ =	swait.ge [sflag:s4], $0x0  }
0x19: {  	s7 =	sld [smem:$0x3F97]  }
0x1a: {  	s8 =	sadd.s32 $0xFFFFE003, lr  }
0x1b: {  	s9 =	sadd.s32 $0xFFFFFEF7, lr;
	s5 =	simm.s32 $0xFFFFFFFF;
	p2 =	slt.u32 s8, $0xFFFFF086  }
0x1c: {  	p1 =	slt.u32 s9, $0xF7A;
	s5 =	simm.s32 @!p2 $0x0  }
0x1d: {  	s5 =	simm.s32 @p1 $0x1;
	p0 =	seq.s32 s7, s2  }
0x1e: {  	s7 =	smul.u32 @!p0 $0xF7A, s2;
	p2 =	seq.s32 @!p0 s5, $0x0  }
0x1f: {  	s9 =	smul.u32 $0xF7A, s1;
	s8 =	simm.s32 @!p0 $0x1BF5;
	p2 =	por !p2, p0  }
0x20: {  	[sflag:s8] =	ssyncset.s32 @!p0 $0xFFFFF086;
	s6 =	sadd.s32 @!p0 s3, s7;
	s7 =	simm.s32 @!p0 $0x108  }
0x21: {  	s3 =	sadd.s32 s3, s9;
	s6 =	sadd.s32 @!p0 $0x88, s6;
	s7 =	simm.s32 @p2 $0x1082  }
0x22: {  	[simem:s7], [sflag:s8] =	dma.local @!p0 [hbm:s6], $0xF7A  }
0x23: {  	s9 =	sor.u32 $0xD0000000, s2;
	s6 =	simm.s32 $0x108;
	_ =	swait.ge @!p0 [sflag:s8], $0x0  }
0x24: {  	s3 =	sadd.s32 $0x88, s3;
	s6 =	simm.s32 @!p1 $0x1082;
	[sflag:s4] =	ssyncset.s32 $0xFFFFF086  }
0x25: {  	[simem:s6], [sflag:s4] =	dma.local [hbm:s3], $0xF7A  }
0x26: {  	[smem:$0x3F97] =	sst s1;
	(tag) =	ssettag s2;
	_ =	strace s9  }
0x27: {  	s1 =	sld [smem:$0x3FA7]  }
0x28: {  	s2 =	sld [smem:$0x3FA8]  }
0x29: {  	s4 =	sld [smem:$0x3FAA]  }
0x2a: {  	p0 =	seq.s32 s5, $0x0;
	s5 =	sld [smem:$0x3FAB]  }
0x2b: {  	s6 =	sld [smem:$0x3FAC]  }
0x2c: {  	s7 =	sld [smem:$0x3FAD]  }
0x2d: {  	s3 =	simm.s32 $0x108;
	s8 =	sld [smem:$0x3FAE]  }
0x2e: {  	s3 =	simm.s32 @!p0 $0x1082;
	s9 =	sld [smem:$0x3FAF]  }
0x2f: {  	lr =	sadd.s32 s0, s3;
	s0 =	sld [smem:$0x3FA6]  }
0x30: {  	s3 =	sld [smem:$0x3FA9]  }
0x31: {  	[smem:$0x3FB2] =	sst s10  }
0x32: {  	s10 =	sld [smem:$0x3FB0];
	_ =	sdelay $0x3  }
0x33: {  	p0 =	seq.s32 s10, $0x1;
	s10 =	sld [smem:$0x3FB2];
	_ =	sdelay $0x3  }
0x34: {  	[smem:$0x3FB2] =	sst s10  }
0x35: {  	s10 =	sld [smem:$0x3FB1];
	_ =	sdelay $0x3  }
0x36: {  	p1 =	seq.s32 s10, $0x1;
	s10 =	sld [smem:$0x3FB2];
	_ =	sdelay $0x3  }
0x37: {  	[smem:$0x3FB2] =	sst s10  }
0x38: {  	s10 =	sld [smem:$0x3FB3]  }
0x39: {  	_ = 	snop;
	(pc) =	sbr.ind lr, $3  }
0x3a: {  	_ = 	snop  }
0x3b: {  	_ = 	snop  }
0x3c: {  	p2 =	seq.s32 s10, $0x1;
	s10 =	sld [smem:$0x3FB2]  }
0x3d: {  	_ =	shalt  }
0x3e: {  	_ =	shalt  }
0x3f: {  	_ =	shalt  }
0x40: {  	_ =	shalt  }
0x41: {  	_ =	shalt  }
0x42: {  	_ =	shalt  }
0x43: {  	_ =	shalt  }
0x44: {  	_ =	shalt  }
0x45: {  	_ =	shalt  }
0x46: {  	_ =	shalt  }
0x47: {  	_ =	shalt  }
0x48: {  	_ =	shalt  }
0x49: {  	_ =	shalt  }
0x4a: {  	_ =	shalt  }
0x4b: {  	_ =	shalt  }
0x4c: {  	_ =	shalt  }
0x4d: {  	_ =	shalt  }
0x4e: {  	_ =	shalt  }
0x4f: {  	_ =	shalt  }
0x50: {  	_ =	shalt  }
0x51: {  	_ =	shalt  }
0x52: {  	_ =	shalt  }
0x53: {  	_ =	shalt  }
0x54: {  	_ =	shalt  }
0x55: {  	_ =	shalt  }
0x56: {  	_ =	shalt  }
0x57: {  	_ =	shalt  }
0x58: {  	_ =	shalt  }
0x59: {  	_ =	shalt  }
0x5a: {  	_ =	shalt  }
0x5b: {  	_ =	shalt  }
0x5c: {  	_ =	shalt  }
0x5d: {  	_ =	shalt  }
0x5e: {  	_ =	shalt  }
0x5f: {  	_ =	shalt  }
0x60: {  	_ =	shalt  }
0x61: {  	_ =	shalt  }
0x62: {  	_ =	shalt  }
0x63: {  	_ =	shalt  }
0x64: {  	_ =	shalt  }
0x65: {  	_ =	shalt  }
0x66: {  	_ =	shalt  }
0x67: {  	_ =	shalt  }
0x68: {  	_ =	shalt  }
0x69: {  	_ =	shalt  }
0x6a: {  	_ =	shalt  }
0x6b: {  	_ =	shalt  }
0x6c: {  	_ =	shalt  }
0x6d: {  	_ =	shalt  }
0x6e: {  	_ =	shalt  }
0x6f: {  	_ =	shalt  }
0x70: {  	_ =	shalt  }
0x71: {  	_ =	shalt  }
0x72: {  	_ =	shalt  }
0x73: {  	_ =	shalt  }
0x74: {  	_ =	shalt  }
0x75: {  	_ =	shalt  }
0x76: {  	_ =	shalt  }
0x77: {  	_ =	shalt  }
0x78: {  	_ =	shalt  }
0x79: {  	_ =	shalt  }
0x7a: {  	_ =	shalt  }
0x7b: {  	_ =	shalt  }
0x7c: {  	_ =	shalt  }
0x7d: {  	_ =	shalt  }
0x7e: {  	_ =	shalt  }
0x7f: {  	_ =	shalt  }
0x80: {  	_ =	shalt  }
0x81: {  	_ =	shalt  }
0x82: {  	_ =	shalt  }
0x83: {  	_ =	shalt  }
0x84: {  	_ =	shalt  }
0x85: {  	_ =	shalt  }
0x86: {  	_ =	shalt  }
0x87: {  	_ =	shalt  }
.Lfunc_end0:
.L_simem_size_0:
called_computation_lowered:
.L_overlay_start_0:
0x88: {  	s2 =	sld [smem:$0x3FD9]  }
0x89: {  	s3 =	sld [smem:$0x3FFE];
	_ =	sdelay $0x1  }
0x8a: {  	s1 =	srdreg.scid  }
0x8b: {  	s0 =	sand.u32 $0x1, s1  }
0x8c: {  	s17 =	sshll.u32 s0, $0xA;
	s2 =	sadd.s32 s3, s2  }
0x8d: {  	s2 =	sadd.s32 s2, s17  }
0x8e: {  	[smem:$0x3FBE] =	sst s2  }
0x8f: {  	_ = 	snop  }
0x90: {  	s2 =	sld [smem:$0x3FD0];
	(tm) =	ssettm $0x1  }
0x91: {  	s18 =	sld [smem:$0x3FFB];
	_ =	sdelay $0x3  }
0x92: {  	_ =	strace s18  }
0x93: {  	s3 =	sld [smem:$0x3FFC];
	_ =	sdelay $0x3  }
0x94: {  	_ =	strace s3  }
0x95: {  	s3 =	sld [smem:$0x3FFD];
	_ =	sdelay $0x3  }
0x96: {  	_ =	strace s3  }
0x97: {  	_ =	strace $0x8FFFFFFF  }
0x98: {  	s19 =	sld [smem:$0x3FDB];
	_ =	sdelay $0x1  }
0x99: {  	s4 =	simm.s32 $_scs_section_size  }
0x9a: {  	s5 =	simm.s32 $_size__tile_overlayer_lowered;
	s6 =	simm.s32 $_tile_overlayer_lowered  }
0x9b: {  	s22 =	simm.s32 $0x1BFF;
	s21 =	sshll.u32 s6, $0x1;
	s3 =	sadd.s32 s4, s19  }
0x9c: {  	s7 =	simm.s32 $0x0;
	s20 =	sshll.u32 s5, $0x1;
	s5 =	sadd.s32 s21, s3  }
0x9d: {  	[timem:s7], [sflag:s22] =	dma.local [hbm:s5], s20  }
0x9e: {  	_ =	swait.ge [sflag:s22], s20  }
0x9f: {  	s4 =	ssub.s32 $0x0, s20;
	[sflag:s22] =	ssyncset.done $0x0  }
0xa0: {  	[sflag:s22] =	ssyncadd.s32 s4;
	_ =	sdelay $0x1  }
0xa1: {  	s23 =	simm.s32 $0x1B8B  }
0xa2: {  	_ =	swait.ge [sflag:s23], $0x1  }
0xa3: {  	[sflag:s23] =	ssyncset.done $0x0  }
0xa4: {  	s25 =	simm.s32 $0x1B8E;
	s24 =	sld [smem:$0x3FFE];
	[sflag:s23] =	ssyncadd.s32 $0xFFFFFFFF  }
0xa5: {  	s26 =	simm.s32 $execute0_lowered;
	[smem:$0x3FD2] =	sst s25  }
0xa6: {  	s5 =	sshll.u32 s26, $0x1;
	_ =	strace $0x80000046;
	[dreg:$0x1] =	wrdreg $0xFFFFFFFF  }
0xa7: {  	s28 =	simm.s32 $_size_execute0_lowered;
	s3 =	sadd.s32 s3, s5;
	[dreg:$0x0] =	wrdreg $0x0  }
0xa8: {  	s5 =	sshll.u32 s28, $0x1;
	[dreg:$0x2] =	wrdreg s3  }
0xa9: {  	[dreg:$0x3] =	wrdreg s5  }
0xaa: {  	[dreg:$0x4] =	wrdreg $0xC0  }
0xab: {  	_ =	task [dreg:s7], $0x5FFFF  }
0xac: {  	[dreg:$0x1] =	wrdreg $0xFFFFFFFF  }
0xad: {  	[dreg:$0x0] =	wrdreg $0x60  }
0xae: {  	[dreg:$0x2] =	wrdreg s24  }
0xaf: {  	[dreg:$0x3] =	wrdreg s2  }
0xb0: {  	[dreg:$0x4] =	wrdreg $0x0  }
0xb1: {  	[dreg:$0x5] =	wrdreg $0x9  }
0xb2: {  	_ =	task.clear_ibuf [dreg:s7], $0x6FFFF;
	_ =	strace $0x90000046  }
0xb3: {  	s29 =	simm.s32 $0x9;
	_ =	strace $0x80000048  }
0xb4: {  	_ =	swait.ge [sflag:s29], $0x1  }
0xb5: {  	[sflag:s29] =	ssyncadd.s32 $0xFFFFFFFF  }
0xb6: {  	_ =	strace $0x90000048  }
0xb7: {  	_ =	sfence  }
0xb8: {  	s30 =	sld [smem:$0x0];
	_ =	sdelay $0x2  }
0xb9: {  	s31 =	sshll.u32 s1, $0xD;
	s1 =	sshrl.u32 s1, $0x2  }
0xba: {  	s3 =	sand.u32 $0x4000, s31;
	s1 =	sadd.s32 s1, s30  }
0xbb: {  	s0 =	sor.u32 s3, s0;
	s1 =	sshll.u32 s1, $0x11  }
0xbc: {  	s0 =	sor.u32 s1, s0  }
0xbd: {  	s0 =	sadd.s32 $0x8F2B, s0  }
0xbe: {  	[sflag:s0] =	ssyncadd.remote.s32 $0x1  }
0xbf: {  	_ =	sfence.sel $0xFFFF  }
0xc0: {  	[dreg:$0x0] =	wrdreg $0xFFFFFFFF;
	(pc) =	sbr.abs _section_cstart, $3  }
0xc1: {  	[dreg:$0x1] =	wrdreg $0xFFFFFFFF  }
0xc2: {  	_ =	task.clear_ibuf [dreg:s7], $0x2FFFF;
	_ =	strace $0x9FFFFFFF  }
0xc3: {  	(tm) =	ssettm $0x7FFFFFFF  }
tec
execute0_lowered:
.L_overlay_start_1:
0x0: {  	(tag) =	ssettag $0x1  }
0x1: {  	s6 =	rddreg [dreg:$0x0]  }
0x2: {  	s1 =	srdreg.scid;
	s2 =	rddreg [dreg:$0x1]  }
0x3: {  	s0 =	stileid.u32;
	s3 =	rddreg [dreg:$0x2];
	s4 =	simm.s32 $0x0  }
0x4: {  	s13 =	simm.s32 $0x13C00;
	s14 =	simm.s32 $0x80;
	s15 =	simm.s32 $0x13C80  }
0x5: {  	s16 =	simm.s32 $0x13D00;
	s17 =	simm.s32 $0x1;
	s18 =	simm.s32 $0x2  }
0x6: {  	s19 =	simm.s32 $0x3;
	s20 =	simm.s32 $0x0;
	s9 =	smul.u32 $0x13C00, s0  }
0x7: {  	s7 =	sand.u32 $0x1, s1;
	s28 =	sshll.u32 s0, $0x1;
	s29 =	smul.u32 $0x4F000, s0  }
0x8: {  	[smem:$0x7FF] =	sst s4;
	s1 =	sor.u32 s7, s28;
	s8 =	smul.u32 $0x13C000, s7  }
0x9: {  	s31 =	sshll.u32 s0, $0x6;
	s7 =	ssub.s32 $0x2, s7;
	s5 =	smul.u32 $0x580, s1  }
0xa: {  	s1 =	rddreg [dreg:$0x3];
	_ =	strace $0x80000047;
	s30 =	sshrl.u32 s7, $0x1  }
0xb: {  	s8 =	sadd.s32 s9, s8;
	s9 =	sshrl.u32 s29, $0x2;
	s11 =	ssub.s32 s7, s30  }
0xc: {  	s10 =	sadd.s32 s5, s6;
	s5 =	sadd.s32 $0xD400, s6;
	s8 =	sshrl.u32 s8, $0x3  }
0xd: {  	s12 =	sadd.s32 s9, s3;
	s9 =	smax.u32 s11, $0x1;
	s11 =	simm.s32 $0x4  }
0xe: {  	s8 =	sadd.s32 s8, s6;
	s6 =	sor.u32 $0x1C04, s31;
	s7 =	sadd.s32 $0x2400, s10  }
0xf: {  	s10 =	sshrl.u32 s12, $0x3;
	s12 =	simm.s32 $0x16800;
	s8 =	sadd.s32 $0xDC00, s8  }
.LBB2_1:
0x10: {  	[spmem:s10], [sflag:s6] =	dma.local [hbm:s2], $0x2780  }
0x11: {  	_ =	swait.ge [sflag:s11], $0x2780  }
0x12: {  	[sflag:s11] =	ssyncset.done $0x0  }
0x13: {  	[sflag:s11] =	ssyncadd.s32 $0xFFFFD880  }
0x14: {  	[tilespmem:s12], [sflag:$0x4] =	stream.linear.gather [hbm4b:s5+s4], $0x4000, $0x38;
	[tilespmem:$0x1A800] =	vst v63  }
0x15: {  	_ =	swait.ge [sflag:s11], $0x4000  }
0x16: {  	[sflag:s11] =	ssyncset.done $0x0  }
0x17: {  	[sflag:s11] =	ssyncadd.s32 $0xFFFFC000  }
0x18: {  	[tilespmem:s13], [sflag:$0x4] =	stream.linear.gather [hbm4b:s7+s4], $0x2880, $0x38;
	[tilespmem:$0x1A800] =	vst v63  }
0x19: {  	_ =	swait.ge [sflag:s11], $0x2880  }
0x1a: {  	[sflag:s11] =	ssyncset.done $0x0  }
0x1b: {  	[sflag:s11] =	ssyncadd.s32 $0xFFFFD780  }
0x1c: {  	[bflag:$0x0] =	sbarrier.arrive $0xFFFF  }
0x1d: {  	[spmem:s3] =	stream.indirect.scatter.add.f32 [tilespmem:s12], [sflag:$0x1], $0x80, s13, s14, $0xb8;
	[tilespmem:$0x1A800] =	vst v63  }
0x1e: {  	_ = 	snop  }
0x1f: {  	[spmem:s3] =	stream.indirect.scatter.add.f32 [tilespmem:s12], [sflag:$0x2], $0x80, s15, s14, $0xb8;
	[tilespmem:$0x1A800] =	vst v63  }
0x20: {  	_ = 	snop  }
0x21: {  	[spmem:s3] =	stream.indirect.scatter.add.f32 [tilespmem:s12], [sflag:$0x3], $0x80, s16, s14, $0xb8;
	[tilespmem:$0x1A800] =	vst v63  }
0x22: {  	_ =	swait.ge [sflag:s17], $0x4000  }
0x23: {  	[sflag:s17] =	ssyncset.done $0x0  }
0x24: {  	s21 =	simm.s32 $0x13D80;
	[sflag:s17] =	ssyncadd.s32 $0xFFFFC000  }
0x25: {  	[spmem:s3] =	stream.indirect.scatter.add.f32 [tilespmem:s12], [sflag:$0x1], $0x80, s21, s14, $0xb8;
	[tilespmem:$0x1A800] =	vst v63  }
0x26: {  	_ =	swait.ge [sflag:s18], $0x4000  }
0x27: {  	[sflag:s18] =	ssyncset.done $0x0  }
0x28: {  	s31 =	simm.s32 $0x13E00;
	[sflag:s18] =	ssyncadd.s32 $0xFFFFC000  }
0x29: {  	[spmem:s3] =	stream.indirect.scatter.add.f32 [tilespmem:s12], [sflag:$0x2], $0x80, s31, s14, $0xb8;
	[tilespmem:$0x1A800] =	vst v63  }
0x2a: {  	_ =	swait.ge [sflag:s19], $0x4000  }
0x2b: {  	[sflag:s19] =	ssyncset.done $0x0  }
0x2c: {  	s22 =	simm.s32 $0x13E80;
	s21 =	simm.s32 $0xFFFF6A00;
	[sflag:s19] =	ssyncadd.s32 $0xFFFFC000  }
.LBB2_2:
0x2d: {  	[spmem:s3] =	stream.indirect.scatter.add.f32 [tilespmem:s12], [sflag:$0x3], $0x80, s22, s14, $0xb8;
	[tilespmem:$0x1A800] =	vst v63  }
0x2e: {  	s22 =	smov.u32 s21  }
0x2f: {  	p0 =	sne.s32 s21, $0xFFFFFA00;
	s21 =	sadd.s32 $0x600, s21;
	_ =	swait.ge [sflag:s17], $0x4000  }
0x30: {  	s22 =	sshra.s32 s22, $0x2;
	[sflag:s17] =	ssyncset.done $0x0  }
0x31: {  	s23 =	sadd.s32 $0x16480, s22;
	[sflag:s17] =	ssyncadd.s32 $0xFFFFC000  }
0x32: {  	[spmem:s3] =	stream.indirect.scatter.add.f32 [tilespmem:s12], [sflag:$0x1], $0x80, s23, s14, $0xb8;
	[tilespmem:$0x1A800] =	vst v63  }
0x33: {  	_ =	swait.ge [sflag:s18], $0x4000  }
0x34: {  	[sflag:s18] =	ssyncset.done $0x0  }
.Ltmp0:
0x35: {  	s23 =	sadd.s32 $0x16500, s22;
	[sflag:s18] =	ssyncadd.s32 $0xFFFFC000;
	(pc) =	sbr.rel @p0 .LBB2_2-.Ltmp0, $4  }
0x36: {  	[spmem:s3] =	stream.indirect.scatter.add.f32 [tilespmem:s12], [sflag:$0x2], $0x80, s23, s14, $0xb8;
	[tilespmem:$0x1A800] =	vst v63  }
0x37: {  	_ =	swait.ge [sflag:s19], $0x4000  }
0x38: {  	[sflag:s19] =	ssyncset.done $0x0  }
0x39: {  	s22 =	sadd.s32 $0x16580, s22;
	[sflag:s19] =	ssyncadd.s32 $0xFFFFC000  }
0x3a: {  	[spmem:s3] =	stream.indirect.scatter.add.f32 [tilespmem:s12], [sflag:$0x3], $0x80, s22, s14, $0xb8;
	[tilespmem:$0x1A800] =	vst v63  }
0x3b: {  	_ =	swait.ge [sflag:s17], $0x4000  }
0x3c: {  	[sflag:s17] =	ssyncset.done $0x0  }
0x3d: {  	[sflag:s17] =	ssyncadd.s32 $0xFFFFC000  }
0x3e: {  	_ =	swait.ge [sflag:s18], $0x4000  }
0x3f: {  	[sflag:s18] =	ssyncset.done $0x0  }
0x40: {  	[sflag:s18] =	ssyncadd.s32 $0xFFFFC000  }
0x41: {  	_ =	swait.ge [sflag:s19], $0x4000  }
0x42: {  	s20 =	sadd.s32 $0x1, s20;
	[sflag:s19] =	ssyncset.done $0x0  }
0x43: {  	p0 =	sne.s32 s20, s9;
	[sflag:s19] =	ssyncadd.s32 $0xFFFFC000  }
.Ltmp1:
0x44: {  	[bflag:$0x0] =	sbarrier.arrive $0xFFFF;
	(pc) =	sbr.rel @p0 .LBB2_1-.Ltmp1, $4  }
0x45: {  	[hbm:s8], [sflag:s6] =	dma.local [spmem:s10], $0x2780  }
0x46: {  	_ =	swait.ge [sflag:s11], $0x2780  }
0x47: {  	[sflag:s11] =	ssyncset.done $0x0  }
0x48: {  	[sflag:s11] =	ssyncadd.s32 $0xFFFFD880  }
0x49: {  	_ =	sfence.sel $0x180000  }
0x4a: {  	[bflag:$0x0] =	sbarrier.arrive $0xFFFF  }
0x4b: {  	p0 =	sne.s32 s0, $0x0;
	_ =	strace $0x90000047  }
0x4c: {  	s0 =	sadd.s32 @!p0 $0x100000, s1;
	[bflag:$0x2] =	sbarrier.arrive $0xFFFF  }
0x4d: {  	[sflag:s0] =	ssyncadd.tile.s32 @!p0 $0x1;
	_ =	shalt  }
.Lfunc_end2:
_tile_overlayer_lowered:
.L_overlay_start_2:
0x4e: {  	(tag) =	ssettag $0x2  }
0x4f: {  	s0 =	rddreg [dreg:$0x0];
	s2 =	stileid.u32  }
0x50: {  	s1 =	rddreg [dreg:$0x1];
	p0 =	sne.s32 s2, $0x0  }
0x51: {  	s3 =	rddreg [dreg:$0x2];
	[bflag:$0x3] =	sbarrier.arrive $0xFFFF;
	s2 =	simm.s32 @!p0 $0x1C04  }
0x52: {  	[timem:s3], [sflag:s2] =	dma.local @!p0 [hbm:s0], s1  }
0x53: {  	s0 =	simm.s32 @!p0 $0x4  }
0x54: {  	_ =	swait.ge @!p0 [sflag:s0], s1  }
0x55: {  	s1 =	ssub.s32 @!p0 $0x0, s1;
	[sflag:s0] =	ssyncset.done @!p0 $0x0  }
0x56: {  	[sflag:s0] =	ssyncadd.s32 @!p0 s1  }
0x57: {  	[bflag:$0x3] =	sbarrier.arrive $0xFFFF  }
0x58: {  	_ =	shalt  }

</sc_bundles>
